<compile_context>
chip_gen: v7x
topology: tpu7x:2x2x1
jax: 0.10.2.dev20260603
libtpu: 0.0.44.dev20260713+nightly
codegen_flags: <defaults>
</compile_context>

<pallas_src>
import functools

import jax
import jax.numpy as jnp
from jax import lax
from jax.experimental import pallas as pl
from jax.experimental.pallas import tpu as pltpu
from jax.experimental.pallas import tpu_sc as plsc

_NOISE = 25_000_000
_P = 102928
_N = 256
_CLIP = 40.0

_NW = 32
_C = 3232
_PTOT = _NW * _C
_W = 3248
_WBUF = 3760
_NCH = _C // 16
_NCH_LAST = (_P - 31 * _C) // 16


def _weights_body(acol, arow, bcol, brow, scol, sign_ref, coef_out, c0_out):
    a_c = -acol[...]
    a_r = -arow[...]
    b_c = -bcol[...]
    b_r = -brow[...]
    ii = lax.broadcasted_iota(jnp.int32, (_N, _N), 0)
    jj = lax.broadcasted_iota(jnp.int32, (_N, _N), 1)

    def cnt(xr, xc, tie):
        lt = (xr < xc).astype(jnp.float32)
        eq = ((xr == xc) & tie).astype(jnp.float32)
        return jnp.sum(lt + eq, axis=1, keepdims=True)

    rank_a = cnt(a_r, a_c, jj < ii) + cnt(b_r, a_c, jj < ii)
    rank_b = cnt(a_r, b_c, jj <= ii) + cnt(b_r, b_c, jj < ii)
    w = (rank_a - rank_b) * jnp.float32(1.0 / 511.0)
    coef_out[...] = w * scol[...] * jnp.float32(1.0 / (2.0 * _N))
    c0_out[...] = sign_ref[...] * scol[0:1, :]


def _clip_body(dsc, dtc, delta_out):
    d = dsc[pl.ds(0, _P)] + dtc[...]
    total = jnp.sum(d * d)
    gnorm = jnp.sqrt(total)
    factor = _CLIP / jnp.maximum(gnorm, _CLIP)
    delta_out[...] = d * factor


_G = 8
_K = 2 * _G

_NT = 48
_NTO = 64
_NSC = _N - _NT
_W2E = 103168
_ENDOFF = 24896000
_ENDLEN = 104192


def _seed_slot(m):
    return jnp.where(m < _NTO, m, m + _NT) if not isinstance(m, int) else (
        m if m < _NTO else m + _NT)


def _tc_accum_body(noise_hbm, end_hbm, seeds_smem, coef_smem, out_ref,
                   acc, buf0, buf1, sem0, sem1):
    nrow = _PTOT // 128
    lane = lax.broadcasted_iota(jnp.int32, (nrow, 128), 1)
    acc[...] = jnp.zeros((nrow, 128), jnp.float32)
    ztail = jnp.zeros((_PTOT - _W2E,), jnp.float32)
    buf0[pl.ds(_W2E, _PTOT - _W2E)] = ztail
    buf1[pl.ds(_W2E, _PTOT - _W2E)] = ztail

    def dmap(i):
        o = seeds_smem[i]
        oa = pl.multiple_of((o >> 7) << 7, 128)
        return oa, o - oa

    def start(oa, buf, sem):
        @pl.when(oa <= _NOISE - _W2E)
        def _():
            pltpu.make_async_copy(
                noise_hbm.at[pl.ds(oa, _W2E)],
                buf.at[pl.ds(0, _W2E)], sem).start()

        @pl.when(oa > _NOISE - _W2E)
        def _():
            oe = pl.multiple_of(oa - _ENDOFF, 128)
            pltpu.make_async_copy(
                end_hbm.at[pl.ds(oe, _W2E)],
                buf.at[pl.ds(0, _W2E)], sem).start()

    def wait(buf, sem):
        pltpu.make_async_copy(
            noise_hbm.at[pl.ds(0, _W2E)], buf.at[pl.ds(0, _W2E)], sem).wait()

    def process(i, buf, r):
        b2 = jnp.reshape(buf[...], (nrow, 128))
        rot_same = pltpu.roll(b2, 128 - r, 1)
        rot_next = pltpu.roll(rot_same, nrow - 1, 0)
        win = jnp.where(lane < 128 - r, rot_same, rot_next)
        acc[...] = acc[...] + win * coef_smem[i]
        s = jnp.sum(acc[pl.ds(nrow - 1, 1), :])
        return lax.convert_element_type(
            jnp.minimum(jnp.abs(s), 0.0), jnp.int32)

    oa_a, r_a = dmap(_NTO)
    start(oa_a, buf0, sem0)

    def body(g, r0):
        i0 = _NTO + 2 * g
        oa_b, r1 = dmap(i0 + 1)
        start(oa_b, buf1, sem1)
        wait(buf0, sem0)
        tok0 = process(i0, buf0, r0)
        oa_n, rn = dmap(i0 + 2)
        oa_n = pl.multiple_of(oa_n + tok0, 128)

        @pl.when(2 * g + 2 < _NT)
        def _():
            start(oa_n, buf0, sem0)

        wait(buf1, sem1)
        process(i0 + 1, buf1, r1)
        return rn

    lax.fori_loop(0, _NT // 2, body, r_a)
    flat = jnp.reshape(acc[...], (_PTOT,))
    out_ref[...] = lax.slice(flat, (0,), (_P,))


_tc_accum = pl.pallas_call(
    _tc_accum_body,
    out_shape=jax.ShapeDtypeStruct((_P,), jnp.float32),
    in_specs=[
        pl.BlockSpec(memory_space=pltpu.MemorySpace.HBM),
        pl.BlockSpec(memory_space=pltpu.MemorySpace.HBM),
        pl.BlockSpec(memory_space=pltpu.SMEM),
        pl.BlockSpec(memory_space=pltpu.SMEM),
    ],
    scratch_shapes=[
        pltpu.VMEM((_PTOT // 128, 128), jnp.float32),
        pltpu.VMEM((_PTOT,), jnp.float32),
        pltpu.VMEM((_PTOT,), jnp.float32),
        pltpu.SemaphoreType.DMA,
        pltpu.SemaphoreType.DMA,
    ],
)


def _sc_body(noise_hbm, seeds_hbm, coef_hbm, params_hbm,
             delta_hbm, pert_hbm,
             seeds_v, coef_v, acc, pv, *rest):
    bufs = rest[:_K]
    sems = rest[_K:]
    wid = lax.axis_index("s") * 2 + lax.axis_index("c")
    s_base = pl.multiple_of(wid * _C, 8)
    lanes = lax.iota(jnp.int32, 16)

    pltpu.sync_copy(seeds_hbm, seeds_v)
    pltpu.sync_copy(coef_hbm, coef_v)
    _CL = _NCH_LAST * 16

    @pl.when(wid != _NW - 1)
    def _():
        pltpu.sync_copy(params_hbm.at[pl.ds(s_base, _C)], pv)

    @pl.when(wid == _NW - 1)
    def _():
        pltpu.sync_copy(params_hbm.at[pl.ds(s_base, _CL)], pv.at[pl.ds(0, _CL)])

    def extract(ref, i):
        return ref[pl.ds(i, 16)][0]

    zeros16 = jnp.zeros((16,), jnp.float32)

    @plsc.parallel_loop(0, _NCH)
    def _(j):
        acc[pl.ds(j * 16, 16)] = zeros16

    @plsc.parallel_loop(0, (_WBUF - _W) // 16)
    def _(j):
        for _b in range(_K):
            bufs[_b][pl.ds(_W + j * 16, 16)] = zeros16

    def dma_params(i):
        o = extract(seeds_v, i) + s_base
        oa = pl.multiple_of(jnp.minimum((o >> 3) << 3, _NOISE - _W), 8)
        return oa, o - oa

    def start(oa, buf, sem):
        pltpu.make_async_copy(
            noise_hbm.at[pl.ds(oa, _W)], buf.at[pl.ds(0, _W)], sem).start()

    def wait(buf, sem):
        pltpu.make_async_copy(
            noise_hbm.at[pl.ds(0, _W)], buf.at[pl.ds(0, _W)], sem).wait()

    def accumulate8(grp, rs8, cs8):
        @plsc.parallel_loop(0, _NCH, unroll=4)
        def _(j):
            t = cs8[0] * grp[0][pl.ds(rs8[0] + j * 16, 16)]
            for b in range(1, _G):
                t = t + cs8[b] * grp[b][pl.ds(rs8[b] + j * 16, 16)]
            plsc.addupdate(acc.at[pl.ds(j * 16, 16)], t)

    rs0 = []
    for b in range(_K):
        oa_b, r_b = dma_params(b)
        start(oa_b, bufs[b], sems[b])
        rs0.append(r_b)

    def half(h, rs, lo):
        rs = list(rs)
        grp = bufs[lo:lo + _G]
        for b in range(_G):
            wait(grp[b], sems[lo + b])
        cs8 = [extract(coef_v, _seed_slot(h * _K + lo + b)) for b in range(_G)]
        accumulate8(grp, rs[lo:lo + _G], cs8)

        if lo == 0:
            @pl.when(h == 0)
            def _():
                c0 = extract(coef_v, _N)
                r0 = rs[0]

                @plsc.parallel_loop(0, _NCH, unroll=8)
                def _(j):
                    v = bufs[0][pl.ds(r0 + j * 16, 16)]
                    plsc.addupdate(pv.at[pl.ds(j * 16, 16)], c0 * v)

        for b in range(_G):
            inext = h * _K + lo + b + _K
            oan, rn = dma_params(_seed_slot(inext))

            @pl.when(inext < _NSC)
            def _():
                start(oan, bufs[lo + b], sems[lo + b])

            rs[lo + b] = rn
        return rs

    def body(h, rs):
        rs = half(h, rs, 0)
        rs = half(h, rs, _G)
        return tuple(rs)

    lax.fori_loop(0, _NSC // _K, body, tuple(rs0))

    pltpu.sync_copy(acc, delta_hbm.at[pl.ds(s_base, _C)])

    @pl.when(wid != _NW - 1)
    def _():
        pltpu.sync_copy(pv, pert_hbm.at[pl.ds(s_base, _C)])

    @pl.when(wid == _NW - 1)
    def _():
        pltpu.sync_copy(pv.at[pl.ds(0, _CL)], pert_hbm.at[pl.ds(s_base, _CL)])


@functools.partial(
    pl.kernel,
    out_type=(
        jax.ShapeDtypeStruct((_PTOT,), jnp.float32),
        jax.ShapeDtypeStruct((_P,), jnp.float32),
    ),
    mesh=plsc.VectorSubcoreMesh(core_axis_name="c", subcore_axis_name="s"),
    scratch_types=(
        pltpu.VMEM((_N + 32,), jnp.int32),
        pltpu.VMEM((_N + 32,), jnp.float32),
        pltpu.VMEM((_C,), jnp.float32),
        pltpu.VMEM((_C,), jnp.float32),
    ) + tuple(pltpu.VMEM((_WBUF,), jnp.float32) for _ in range(_K))
      + tuple(pltpu.SemaphoreType.DMA for _ in range(_K)),
    compiler_params=pltpu.CompilerParams(needs_layout_passes=False),
)
def _sc_call(noise_hbm, seeds_hbm, coef_hbm, params_hbm,
             delta_hbm, pert_hbm, *rest):
    _sc_body(noise_hbm, seeds_hbm, coef_hbm, params_hbm,
             delta_hbm, pert_hbm, *rest)


def kernel(noise_table, params, perturbation_seeds, returns,
           perturbation_scales, positive_perturbation):
    f32 = jnp.float32
    acol = returns[:, 0].reshape(_N, 1)
    arow = returns[:, 0].reshape(1, _N)
    bcol = returns[:, 1].reshape(_N, 1)
    brow = returns[:, 1].reshape(1, _N)
    scol = perturbation_scales.reshape(_N, 1)
    sgn = (2.0 * jnp.asarray(positive_perturbation, f32) - 1.0).reshape(1, 1)

    coef, c0 = pl.pallas_call(
        _weights_body,
        out_shape=(
            jax.ShapeDtypeStruct((_N, 1), f32),
            jax.ShapeDtypeStruct((1, 1), f32),
        ),
    )(acol, arow, bcol, brow, scol, sgn)

    coef_ext = jnp.concatenate(
        [coef.reshape(-1), c0.reshape(-1), jnp.zeros(31, f32)])
    seeds_ext = jnp.concatenate(
        [perturbation_seeds.astype(jnp.int32), jnp.zeros(32, jnp.int32)])
    noise_end = jnp.concatenate(
        [noise_table[_ENDOFF:], jnp.zeros(_ENDLEN - (_NOISE - _ENDOFF), f32)])
    dtc = _tc_accum(noise_table, noise_end, seeds_ext, coef_ext)
    delta_raw, pert = _sc_call(
        noise_table, seeds_ext, coef_ext, params)

    delta = pl.pallas_call(
        _clip_body,
        out_shape=jax.ShapeDtypeStruct((_P,), f32),
    )(delta_raw, dtc)

    return delta, pert

# --- scband reference (transcript-rebuilt; emitter-appended) ---
"""Pipeline reference for scband-evolution-strategy-15857019256858 (READ-ONLY COPY).

The authoritative reference and input builder live on the scoring server;
editing this copy changes nothing except your own understanding.
"""

import jax, jax.numpy as jnp
import numpy as np

NOISE_TABLE_SIZE = 25000000
PARAMS_SIZE = 102928  # 128*256+256 + 256*256+256 + 256*16+16
NOISE_SIZE = 256
CLIP_NORM = 40.0


def _centered_ranks(x):
    # tf _get_centered_ranks_tensor: rank-transform flattened values to [-0.5, 0.5]
    flat = x.reshape(-1)
    ranks = jnp.argsort(jnp.argsort(flat))
    centered = ranks.astype(jnp.float32) / (flat.shape[0] - 1) - 0.5
    return centered.reshape(x.shape)


def setup_inputs(seed: int = 0):
    key = jax.random.key(seed)
    k1, k2, k3, k4, k5 = jax.random.split(key, 5)
    # shared noise table (non-trainable variable, init N(0,1))
    noise_table = jax.random.normal(k1, (NOISE_TABLE_SIZE,), dtype=jnp.float32)
    # flattened model_vars of the encode_obs network
    params = jax.random.normal(k2, (PARAMS_SIZE,), dtype=jnp.float32) * 0.05
    perturbation_seeds = jax.random.randint(
        k3, (NOISE_SIZE,), 0, NOISE_TABLE_SIZE - PARAMS_SIZE, dtype=jnp.int32)
    returns = jax.random.normal(k4, (NOISE_SIZE, 2), dtype=jnp.float32)
    perturbation_scales = jax.random.uniform(k5, (NOISE_SIZE,), dtype=jnp.float32) * 0.05 + 0.005
    return {
        'noise_table': noise_table,
        'params': params,
        'perturbation_seeds': perturbation_seeds,
        'returns': returns,
        'perturbation_scales': perturbation_scales,
        'positive_perturbation': 1,
    }


def reference(noise_table, params, perturbation_seeds, returns,
              perturbation_scales, positive_perturbation):
    # _generate_perturbations: each seed selects a contiguous params_size slice
    # of the shared noise table (large strided gather; memory bound)
    idx = perturbation_seeds[:, None].astype(jnp.int32) + jnp.arange(PARAMS_SIZE, dtype=jnp.int32)[None, :]
    perturbations = jnp.take(noise_table, idx, axis=0)  # [NOISE_SIZE, PARAMS_SIZE]

    # _build_train: centered ranks of -R, mirrored-pair weights
    centered_R = _centered_ranks(-1.0 * returns)           # [N, 2]
    positive_R, negative_R = jnp.split(centered_R, 2, axis=1)
    weights = (positive_R - negative_R).reshape(1, -1)     # [1, N]

    scaled = perturbations * perturbation_scales[:, None]  # [N, P]
    delta = jnp.matmul(weights, scaled)                    # [1, P]
    delta = delta.reshape(-1) / jnp.float32(NOISE_SIZE) / 2.0

    # clip_by_global_norm on the single flattened gradient
    gnorm = jnp.sqrt(jnp.sum(delta * delta))
    delta = delta * (CLIP_NORM / jnp.maximum(gnorm, CLIP_NORM))

    # reset_perturbed_parameters for the first candidate seed:
    # perturbed_var = var + (2*positive - 1) * scale * noise  (scatter-overwrite of model copy)
    sign = 2.0 * jnp.float32(positive_perturbation) - 1.0
    perturbed_params = params + sign * perturbation_scales[0] * perturbations[0]

    return delta, perturbed_params

if __name__ == "__main__":
    import jax
    _d = setup_inputs()
    print(jax.jit(kernel)(*tuple(_d.values())))

</pallas_src>

<mosaic_0001>
#map = affine_map<(d0, d1) -> (0)>
module attributes {stable_mosaic.version = 14 : i64} {
  func.func @_sc_call(%arg0: i32, %arg1: i32, %arg2: memref<25000000xf32, #tpu.memory_space<hbm>>, %arg3: memref<288xi32, #tpu.memory_space<hbm>>, %arg4: memref<288xf32, #tpu.memory_space<hbm>>, %arg5: memref<102928xf32, #tpu.memory_space<hbm>>, %arg6: memref<103424xf32, #tpu.memory_space<hbm>>, %arg7: memref<102928xf32, #tpu.memory_space<hbm>>, %arg8: memref<288xi32, #tpu.memory_space<vmem>>, %arg9: memref<288xf32, #tpu.memory_space<vmem>>, %arg10: memref<3232xf32, #tpu.memory_space<vmem>>, %arg11: memref<3232xf32, #tpu.memory_space<vmem>>, %arg12: memref<3760xf32, #tpu.memory_space<vmem>>, %arg13: memref<3760xf32, #tpu.memory_space<vmem>>, %arg14: memref<3760xf32, #tpu.memory_space<vmem>>, %arg15: memref<3760xf32, #tpu.memory_space<vmem>>, %arg16: memref<3760xf32, #tpu.memory_space<vmem>>, %arg17: memref<3760xf32, #tpu.memory_space<vmem>>, %arg18: memref<3760xf32, #tpu.memory_space<vmem>>, %arg19: memref<3760xf32, #tpu.memory_space<vmem>>, %arg20: memref<3760xf32, #tpu.memory_space<vmem>>, %arg21: memref<3760xf32, #tpu.memory_space<vmem>>, %arg22: memref<3760xf32, #tpu.memory_space<vmem>>, %arg23: memref<3760xf32, #tpu.memory_space<vmem>>, %arg24: memref<3760xf32, #tpu.memory_space<vmem>>, %arg25: memref<3760xf32, #tpu.memory_space<vmem>>, %arg26: memref<3760xf32, #tpu.memory_space<vmem>>, %arg27: memref<3760xf32, #tpu.memory_space<vmem>>, %arg28: memref<!tpu.dma_semaphore, #tpu.memory_space<semaphore_mem>>, %arg29: memref<!tpu.dma_semaphore, #tpu.memory_space<semaphore_mem>>, %arg30: memref<!tpu.dma_semaphore, #tpu.memory_space<semaphore_mem>>, %arg31: memref<!tpu.dma_semaphore, #tpu.memory_space<semaphore_mem>>, %arg32: memref<!tpu.dma_semaphore, #tpu.memory_space<semaphore_mem>>, %arg33: memref<!tpu.dma_semaphore, #tpu.memory_space<semaphore_mem>>, %arg34: memref<!tpu.dma_semaphore, #tpu.memory_space<semaphore_mem>>, %arg35: memref<!tpu.dma_semaphore, #tpu.memory_space<semaphore_mem>>, %arg36: memref<!tpu.dma_semaphore, #tpu.memory_space<semaphore_mem>>, %arg37: memref<!tpu.dma_semaphore, #tpu.memory_space<semaphore_mem>>, %arg38: memref<!tpu.dma_semaphore, #tpu.memory_space<semaphore_mem>>, %arg39: memref<!tpu.dma_semaphore, #tpu.memory_space<semaphore_mem>>, %arg40: memref<!tpu.dma_semaphore, #tpu.memory_space<semaphore_mem>>, %arg41: memref<!tpu.dma_semaphore, #tpu.memory_space<semaphore_mem>>, %arg42: memref<!tpu.dma_semaphore, #tpu.memory_space<semaphore_mem>>, %arg43: memref<!tpu.dma_semaphore, #tpu.memory_space<semaphore_mem>>) attributes {dimension_semantics = [#tpu.dimension_semantics<core_parallel>, #tpu.dimension_semantics<subcore_parallel>], iteration_bounds = array<i64: 2, 16>, scalar_prefetch = 0 : i64, scratch_operands = 36 : i64, tpu.core_type = #tpu.core_type<sc_vector_subcore>, window_params = [{transform_indices = #map}, {transform_indices = #map}, {transform_indices = #map}, {transform_indices = #map}, {transform_indices = #map}, {transform_indices = #map}]} {
    %mul3A = arith.constant 2 : i32
    %mul3A_0 = arith.muli %arg1, %mul3A : i32
    %add3A = arith.addi %mul3A_0, %arg0 : i32
    %mul3A_1 = arith.constant 3232 : i32
    %mul3A_2 = arith.muli %add3A, %mul3A_1 : i32
    %multiple_of3A = tpu.assume_multiple %mul3A_2, 8 : i32
    %iota3A = tpu.iota {dimensions = array<i32: 0>} : vector<16xi32>
    "tpu.region"() ({
      %run_scoped3A = tpu.sem_alloc : memref<!tpu.dma_semaphore, #tpu.memory_space<semaphore_mem>>
      tpu.enqueue_dma source(%arg3 : memref<288xi32, #tpu.memory_space<hbm>>) target(%arg8 : memref<288xi32, #tpu.memory_space<vmem>>) target_semaphore(%run_scoped3A : memref<!tpu.dma_semaphore, #tpu.memory_space<semaphore_mem>>)
      tpu.wait_dma2 semaphore(%run_scoped3A : memref<!tpu.dma_semaphore, #tpu.memory_space<semaphore_mem>>) src(%arg3 : memref<288xi32, #tpu.memory_space<hbm>>) dst(%arg8 : memref<288xi32, #tpu.memory_space<vmem>>)
      tpu.yield
    }) : () -> ()
    "tpu.region"() ({
      %run_scoped3A = tpu.sem_alloc : memref<!tpu.dma_semaphore, #tpu.memory_space<semaphore_mem>>
      tpu.enqueue_dma source(%arg4 : memref<288xf32, #tpu.memory_space<hbm>>) target(%arg9 : memref<288xf32, #tpu.memory_space<vmem>>) target_semaphore(%run_scoped3A : memref<!tpu.dma_semaphore, #tpu.memory_space<semaphore_mem>>)
      tpu.wait_dma2 semaphore(%run_scoped3A : memref<!tpu.dma_semaphore, #tpu.memory_space<semaphore_mem>>) src(%arg4 : memref<288xf32, #tpu.memory_space<hbm>>) dst(%arg9 : memref<288xf32, #tpu.memory_space<vmem>>)
      tpu.yield
    }) : () -> ()
    %ne3A = arith.constant 31 : i32
    %ne3A_3 = arith.cmpi ne, %add3A, %ne3A : i32
    %convert_element_type3A = arith.extui %ne3A_3 : i1 to i32
    %cond3A = arith.constant 0 : i32
    %cond3A_4 = arith.cmpi ne, %convert_element_type3A, %cond3A : i32
    scf.if %cond3A_4 {
      "tpu.region"() ({
        %run_scoped3A = tpu.sem_alloc : memref<!tpu.dma_semaphore, #tpu.memory_space<semaphore_mem>>
        %dma_start3A_326 = tpu.memref_slice %arg5[%multiple_of3A] : memref<102928xf32, #tpu.memory_space<hbm>> -> memref<3232xf32, #tpu.memory_space<hbm>>
        %dma_start3A_327 = tpu.memref_slice %arg5[%multiple_of3A] : memref<102928xf32, #tpu.memory_space<hbm>> -> memref<3232xf32, #tpu.memory_space<hbm>>
        tpu.enqueue_dma source(%dma_start3A_327 : memref<3232xf32, #tpu.memory_space<hbm>>) target(%arg11 : memref<3232xf32, #tpu.memory_space<vmem>>) target_semaphore(%run_scoped3A : memref<!tpu.dma_semaphore, #tpu.memory_space<semaphore_mem>>)
        %dma_wait3A = tpu.memref_slice %arg5[%multiple_of3A] : memref<102928xf32, #tpu.memory_space<hbm>> -> memref<3232xf32, #tpu.memory_space<hbm>>
        %dma_wait3A_328 = tpu.memref_slice %arg5[%multiple_of3A] : memref<102928xf32, #tpu.memory_space<hbm>> -> memref<3232xf32, #tpu.memory_space<hbm>>
        tpu.wait_dma2 semaphore(%run_scoped3A : memref<!tpu.dma_semaphore, #tpu.memory_space<semaphore_mem>>) src(%dma_wait3A_328 : memref<3232xf32, #tpu.memory_space<hbm>>) dst(%arg11 : memref<3232xf32, #tpu.memory_space<vmem>>)
        tpu.yield
      }) : () -> ()
    } else {
    }
    %eq3A = arith.constant 31 : i32
    %eq3A_5 = arith.cmpi eq, %add3A, %eq3A : i32
    %convert_element_type3A_6 = arith.extui %eq3A_5 : i1 to i32
    %cond3A_7 = arith.constant 0 : i32
    %cond3A_8 = arith.cmpi ne, %convert_element_type3A_6, %cond3A_7 : i32
    scf.if %cond3A_8 {
      "tpu.region"() ({
        %run_scoped3A = tpu.sem_alloc : memref<!tpu.dma_semaphore, #tpu.memory_space<semaphore_mem>>
        %dma_start3A_326 = arith.constant 0 : i32
        %dma_start3A_327 = tpu.memref_slice %arg11[%dma_start3A_326] : memref<3232xf32, #tpu.memory_space<vmem>> -> memref<2736xf32, #tpu.memory_space<vmem>>
        %dma_start3A_328 = tpu.memref_slice %arg5[%multiple_of3A] : memref<102928xf32, #tpu.memory_space<hbm>> -> memref<2736xf32, #tpu.memory_space<hbm>>
        %dma_start3A_329 = arith.constant 0 : i32
        %dma_start3A_330 = tpu.memref_slice %arg11[%dma_start3A_329] : memref<3232xf32, #tpu.memory_space<vmem>> -> memref<2736xf32, #tpu.memory_space<vmem>>
        %dma_start3A_331 = tpu.memref_slice %arg5[%multiple_of3A] : memref<102928xf32, #tpu.memory_space<hbm>> -> memref<2736xf32, #tpu.memory_space<hbm>>
        tpu.enqueue_dma source(%dma_start3A_331 : memref<2736xf32, #tpu.memory_space<hbm>>) target(%dma_start3A_330 : memref<2736xf32, #tpu.memory_space<vmem>>) target_semaphore(%run_scoped3A : memref<!tpu.dma_semaphore, #tpu.memory_space<semaphore_mem>>)
        %dma_wait3A = arith.constant 0 : i32
        %dma_wait3A_332 = tpu.memref_slice %arg11[%dma_wait3A] : memref<3232xf32, #tpu.memory_space<vmem>> -> memref<2736xf32, #tpu.memory_space<vmem>>
        %dma_wait3A_333 = tpu.memref_slice %arg5[%multiple_of3A] : memref<102928xf32, #tpu.memory_space<hbm>> -> memref<2736xf32, #tpu.memory_space<hbm>>
        %dma_wait3A_334 = arith.constant 0 : i32
        %dma_wait3A_335 = tpu.memref_slice %arg11[%dma_wait3A_334] : memref<3232xf32, #tpu.memory_space<vmem>> -> memref<2736xf32, #tpu.memory_space<vmem>>
        %dma_wait3A_336 = tpu.memref_slice %arg5[%multiple_of3A] : memref<102928xf32, #tpu.memory_space<hbm>> -> memref<2736xf32, #tpu.memory_space<hbm>>
        tpu.wait_dma2 semaphore(%run_scoped3A : memref<!tpu.dma_semaphore, #tpu.memory_space<semaphore_mem>>) src(%dma_wait3A_336 : memref<2736xf32, #tpu.memory_space<hbm>>) dst(%dma_wait3A_335 : memref<2736xf32, #tpu.memory_space<vmem>>)
        tpu.yield
      }) : () -> ()
    } else {
    }
    %broadcast_in_dim3A = arith.constant 0.000000e+00 : f32
    %broadcast_in_dim3A_9 = vector.broadcast %broadcast_in_dim3A : f32 to vector<16xf32>
    %parallel_loop3A = arith.constant 0 : i32
    %parallel_loop3A_10 = arith.constant 202 : i32
    %parallel_loop3A_11 = arith.constant 1 : i32
    scf.for %parallel_loop3A_326 = %parallel_loop3A to %parallel_loop3A_10 step %parallel_loop3A_11  : i32 {
      %parallel_loop3A_327 = arith.constant 16 : i32
      %parallel_loop3A_328 = arith.muli %parallel_loop3A_326, %parallel_loop3A_327 : i32
      %parallel_loop3A_329 = arith.index_cast %parallel_loop3A_328 : i32 to index
      %parallel_loop3A_330 = tpu.vector_load %arg10[%parallel_loop3A_329] {strides = array<i32>} : memref<3232xf32, #tpu.memory_space<vmem>>, vector<16xf32>,
      tpu.vector_store %arg10[%parallel_loop3A_329], %broadcast_in_dim3A_9 {strides = array<i32>} : memref<3232xf32, #tpu.memory_space<vmem>>, vector<16xf32>,
    } {sc.loop_unroll_factor = 1 : i64, sc.parallel_access}
    %parallel_loop3A_12 = arith.constant 0 : i32
    %parallel_loop3A_13 = arith.constant 32 : i32
    %parallel_loop3A_14 = arith.constant 1 : i32
    scf.for %parallel_loop3A_326 = %parallel_loop3A_12 to %parallel_loop3A_13 step %parallel_loop3A_14  : i32 {
      %parallel_loop3A_327 = arith.constant 16 : i32
      %parallel_loop3A_328 = arith.muli %parallel_loop3A_326, %parallel_loop3A_327 : i32
      %parallel_loop3A_329 = arith.constant 3248 : i32
      %parallel_loop3A_330 = arith.addi %parallel_loop3A_329, %parallel_loop3A_328 : i32
      %parallel_loop3A_331 = arith.index_cast %parallel_loop3A_330 : i32 to index
      %parallel_loop3A_332 = tpu.vector_load %arg12[%parallel_loop3A_331] {strides = array<i32>} : memref<3760xf32, #tpu.memory_space<vmem>>, vector<16xf32>,
      tpu.vector_store %arg12[%parallel_loop3A_331], %broadcast_in_dim3A_9 {strides = array<i32>} : memref<3760xf32, #tpu.memory_space<vmem>>, vector<16xf32>,
      %parallel_loop3A_333 = arith.constant 16 : i32
      %parallel_loop3A_334 = arith.muli %parallel_loop3A_326, %parallel_loop3A_333 : i32
      %parallel_loop3A_335 = arith.constant 3248 : i32
      %parallel_loop3A_336 = arith.addi %parallel_loop3A_335, %parallel_loop3A_334 : i32
      %parallel_loop3A_337 = arith.index_cast %parallel_loop3A_336 : i32 to index
      %parallel_loop3A_338 = tpu.vector_load %arg13[%parallel_loop3A_337] {strides = array<i32>} : memref<3760xf32, #tpu.memory_space<vmem>>, vector<16xf32>,
      tpu.vector_store %arg13[%parallel_loop3A_337], %broadcast_in_dim3A_9 {strides = array<i32>} : memref<3760xf32, #tpu.memory_space<vmem>>, vector<16xf32>,
      %parallel_loop3A_339 = arith.constant 16 : i32
      %parallel_loop3A_340 = arith.muli %parallel_loop3A_326, %parallel_loop3A_339 : i32
      %parallel_loop3A_341 = arith.constant 3248 : i32
      %parallel_loop3A_342 = arith.addi %parallel_loop3A_341, %parallel_loop3A_340 : i32
      %parallel_loop3A_343 = arith.index_cast %parallel_loop3A_342 : i32 to index
      %parallel_loop3A_344 = tpu.vector_load %arg14[%parallel_loop3A_343] {strides = array<i32>} : memref<3760xf32, #tpu.memory_space<vmem>>, vector<16xf32>,
      tpu.vector_store %arg14[%parallel_loop3A_343], %broadcast_in_dim3A_9 {strides = array<i32>} : memref<3760xf32, #tpu.memory_space<vmem>>, vector<16xf32>,
      %parallel_loop3A_345 = arith.constant 16 : i32
      %parallel_loop3A_346 = arith.muli %parallel_loop3A_326, %parallel_loop3A_345 : i32
      %parallel_loop3A_347 = arith.constant 3248 : i32
      %parallel_loop3A_348 = arith.addi %parallel_loop3A_347, %parallel_loop3A_346 : i32
      %parallel_loop3A_349 = arith.index_cast %parallel_loop3A_348 : i32 to index
      %parallel_loop3A_350 = tpu.vector_load %arg15[%parallel_loop3A_349] {strides = array<i32>} : memref<3760xf32, #tpu.memory_space<vmem>>, vector<16xf32>,
      tpu.vector_store %arg15[%parallel_loop3A_349], %broadcast_in_dim3A_9 {strides = array<i32>} : memref<3760xf32, #tpu.memory_space<vmem>>, vector<16xf32>,
      %parallel_loop3A_351 = arith.constant 16 : i32
      %parallel_loop3A_352 = arith.muli %parallel_loop3A_326, %parallel_loop3A_351 : i32
      %parallel_loop3A_353 = arith.constant 3248 : i32
      %parallel_loop3A_354 = arith.addi %parallel_loop3A_353, %parallel_loop3A_352 : i32
      %parallel_loop3A_355 = arith.index_cast %parallel_loop3A_354 : i32 to index
      %parallel_loop3A_356 = tpu.vector_load %arg16[%parallel_loop3A_355] {strides = array<i32>} : memref<3760xf32, #tpu.memory_space<vmem>>, vector<16xf32>,
      tpu.vector_store %arg16[%parallel_loop3A_355], %broadcast_in_dim3A_9 {strides = array<i32>} : memref<3760xf32, #tpu.memory_space<vmem>>, vector<16xf32>,
      %parallel_loop3A_357 = arith.constant 16 : i32
      %parallel_loop3A_358 = arith.muli %parallel_loop3A_326, %parallel_loop3A_357 : i32
      %parallel_loop3A_359 = arith.constant 3248 : i32
      %parallel_loop3A_360 = arith.addi %parallel_loop3A_359, %parallel_loop3A_358 : i32
      %parallel_loop3A_361 = arith.index_cast %parallel_loop3A_360 : i32 to index
      %parallel_loop3A_362 = tpu.vector_load %arg17[%parallel_loop3A_361] {strides = array<i32>} : memref<3760xf32, #tpu.memory_space<vmem>>, vector<16xf32>,
      tpu.vector_store %arg17[%parallel_loop3A_361], %broadcast_in_dim3A_9 {strides = array<i32>} : memref<3760xf32, #tpu.memory_space<vmem>>, vector<16xf32>,
      %parallel_loop3A_363 = arith.constant 16 : i32
      %parallel_loop3A_364 = arith.muli %parallel_loop3A_326, %parallel_loop3A_363 : i32
      %parallel_loop3A_365 = arith.constant 3248 : i32
      %parallel_loop3A_366 = arith.addi %parallel_loop3A_365, %parallel_loop3A_364 : i32
      %parallel_loop3A_367 = arith.index_cast %parallel_loop3A_366 : i32 to index
      %parallel_loop3A_368 = tpu.vector_load %arg18[%parallel_loop3A_367] {strides = array<i32>} : memref<3760xf32, #tpu.memory_space<vmem>>, vector<16xf32>,
      tpu.vector_store %arg18[%parallel_loop3A_367], %broadcast_in_dim3A_9 {strides = array<i32>} : memref<3760xf32, #tpu.memory_space<vmem>>, vector<16xf32>,
      %parallel_loop3A_369 = arith.constant 16 : i32
      %parallel_loop3A_370 = arith.muli %parallel_loop3A_326, %parallel_loop3A_369 : i32
      %parallel_loop3A_371 = arith.constant 3248 : i32
      %parallel_loop3A_372 = arith.addi %parallel_loop3A_371, %parallel_loop3A_370 : i32
      %parallel_loop3A_373 = arith.index_cast %parallel_loop3A_372 : i32 to index
      %parallel_loop3A_374 = tpu.vector_load %arg19[%parallel_loop3A_373] {strides = array<i32>} : memref<3760xf32, #tpu.memory_space<vmem>>, vector<16xf32>,
      tpu.vector_store %arg19[%parallel_loop3A_373], %broadcast_in_dim3A_9 {strides = array<i32>} : memref<3760xf32, #tpu.memory_space<vmem>>, vector<16xf32>,
      %parallel_loop3A_375 = arith.constant 16 : i32
      %parallel_loop3A_376 = arith.muli %parallel_loop3A_326, %parallel_loop3A_375 : i32
      %parallel_loop3A_377 = arith.constant 3248 : i32
      %parallel_loop3A_378 = arith.addi %parallel_loop3A_377, %parallel_loop3A_376 : i32
      %parallel_loop3A_379 = arith.index_cast %parallel_loop3A_378 : i32 to index
      %parallel_loop3A_380 = tpu.vector_load %arg20[%parallel_loop3A_379] {strides = array<i32>} : memref<3760xf32, #tpu.memory_space<vmem>>, vector<16xf32>,
      tpu.vector_store %arg20[%parallel_loop3A_379], %broadcast_in_dim3A_9 {strides = array<i32>} : memref<3760xf32, #tpu.memory_space<vmem>>, vector<16xf32>,
      %parallel_loop3A_381 = arith.constant 16 : i32
      %parallel_loop3A_382 = arith.muli %parallel_loop3A_326, %parallel_loop3A_381 : i32
      %parallel_loop3A_383 = arith.constant 3248 : i32
      %parallel_loop3A_384 = arith.addi %parallel_loop3A_383, %parallel_loop3A_382 : i32
      %parallel_loop3A_385 = arith.index_cast %parallel_loop3A_384 : i32 to index
      %parallel_loop3A_386 = tpu.vector_load %arg21[%parallel_loop3A_385] {strides = array<i32>} : memref<3760xf32, #tpu.memory_space<vmem>>, vector<16xf32>,
      tpu.vector_store %arg21[%parallel_loop3A_385], %broadcast_in_dim3A_9 {strides = array<i32>} : memref<3760xf32, #tpu.memory_space<vmem>>, vector<16xf32>,
      %parallel_loop3A_387 = arith.constant 16 : i32
      %parallel_loop3A_388 = arith.muli %parallel_loop3A_326, %parallel_loop3A_387 : i32
      %parallel_loop3A_389 = arith.constant 3248 : i32
      %parallel_loop3A_390 = arith.addi %parallel_loop3A_389, %parallel_loop3A_388 : i32
      %parallel_loop3A_391 = arith.index_cast %parallel_loop3A_390 : i32 to index
      %parallel_loop3A_392 = tpu.vector_load %arg22[%parallel_loop3A_391] {strides = array<i32>} : memref<3760xf32, #tpu.memory_space<vmem>>, vector<16xf32>,
      tpu.vector_store %arg22[%parallel_loop3A_391], %broadcast_in_dim3A_9 {strides = array<i32>} : memref<3760xf32, #tpu.memory_space<vmem>>, vector<16xf32>,
      %parallel_loop3A_393 = arith.constant 16 : i32
      %parallel_loop3A_394 = arith.muli %parallel_loop3A_326, %parallel_loop3A_393 : i32
      %parallel_loop3A_395 = arith.constant 3248 : i32
      %parallel_loop3A_396 = arith.addi %parallel_loop3A_395, %parallel_loop3A_394 : i32
      %parallel_loop3A_397 = arith.index_cast %parallel_loop3A_396 : i32 to index
      %parallel_loop3A_398 = tpu.vector_load %arg23[%parallel_loop3A_397] {strides = array<i32>} : memref<3760xf32, #tpu.memory_space<vmem>>, vector<16xf32>,
      tpu.vector_store %arg23[%parallel_loop3A_397], %broadcast_in_dim3A_9 {strides = array<i32>} : memref<3760xf32, #tpu.memory_space<vmem>>, vector<16xf32>,
      %parallel_loop3A_399 = arith.constant 16 : i32
      %parallel_loop3A_400 = arith.muli %parallel_loop3A_326, %parallel_loop3A_399 : i32
      %parallel_loop3A_401 = arith.constant 3248 : i32
      %parallel_loop3A_402 = arith.addi %parallel_loop3A_401, %parallel_loop3A_400 : i32
      %parallel_loop3A_403 = arith.index_cast %parallel_loop3A_402 : i32 to index
      %parallel_loop3A_404 = tpu.vector_load %arg24[%parallel_loop3A_403] {strides = array<i32>} : memref<3760xf32, #tpu.memory_space<vmem>>, vector<16xf32>,
      tpu.vector_store %arg24[%parallel_loop3A_403], %broadcast_in_dim3A_9 {strides = array<i32>} : memref<3760xf32, #tpu.memory_space<vmem>>, vector<16xf32>,
      %parallel_loop3A_405 = arith.constant 16 : i32
      %parallel_loop3A_406 = arith.muli %parallel_loop3A_326, %parallel_loop3A_405 : i32
      %parallel_loop3A_407 = arith.constant 3248 : i32
      %parallel_loop3A_408 = arith.addi %parallel_loop3A_407, %parallel_loop3A_406 : i32
      %parallel_loop3A_409 = arith.index_cast %parallel_loop3A_408 : i32 to index
      %parallel_loop3A_410 = tpu.vector_load %arg25[%parallel_loop3A_409] {strides = array<i32>} : memref<3760xf32, #tpu.memory_space<vmem>>, vector<16xf32>,
      tpu.vector_store %arg25[%parallel_loop3A_409], %broadcast_in_dim3A_9 {strides = array<i32>} : memref<3760xf32, #tpu.memory_space<vmem>>, vector<16xf32>,
      %parallel_loop3A_411 = arith.constant 16 : i32
      %parallel_loop3A_412 = arith.muli %parallel_loop3A_326, %parallel_loop3A_411 : i32
      %parallel_loop3A_413 = arith.constant 3248 : i32
      %parallel_loop3A_414 = arith.addi %parallel_loop3A_413, %parallel_loop3A_412 : i32
      %parallel_loop3A_415 = arith.index_cast %parallel_loop3A_414 : i32 to index
      %parallel_loop3A_416 = tpu.vector_load %arg26[%parallel_loop3A_415] {strides = array<i32>} : memref<3760xf32, #tpu.memory_space<vmem>>, vector<16xf32>,
      tpu.vector_store %arg26[%parallel_loop3A_415], %broadcast_in_dim3A_9 {strides = array<i32>} : memref<3760xf32, #tpu.memory_space<vmem>>, vector<16xf32>,
      %parallel_loop3A_417 = arith.constant 16 : i32
      %parallel_loop3A_418 = arith.muli %parallel_loop3A_326, %parallel_loop3A_417 : i32
      %parallel_loop3A_419 = arith.constant 3248 : i32
      %parallel_loop3A_420 = arith.addi %parallel_loop3A_419, %parallel_loop3A_418 : i32
      %parallel_loop3A_421 = arith.index_cast %parallel_loop3A_420 : i32 to index
      %parallel_loop3A_422 = tpu.vector_load %arg27[%parallel_loop3A_421] {strides = array<i32>} : memref<3760xf32, #tpu.memory_space<vmem>>, vector<16xf32>,
      tpu.vector_store %arg27[%parallel_loop3A_421], %broadcast_in_dim3A_9 {strides = array<i32>} : memref<3760xf32, #tpu.memory_space<vmem>>, vector<16xf32>,
    } {sc.loop_unroll_factor = 1 : i64, sc.parallel_access}
    %get3A = arith.constant 0 : index
    %get3A_15 = tpu.vector_load %arg8[%get3A] {strides = array<i32>} : memref<288xi32, #tpu.memory_space<vmem>>, vector<16xi32>,
    %slice3A = vector.extract_strided_slice %get3A_15 {offsets = [0], sizes = [1], strides = [1]} : vector<16xi32> to vector<1xi32>
    %squeeze3A = vector.extract %slice3A[0] : i32 from vector<1xi32>
    %add3A_16 = arith.addi %squeeze3A, %multiple_of3A : i32
    %shift_right_arithmetic3A = arith.constant 3 : i32
    %shift_right_arithmetic3A_17 = arith.shrsi %add3A_16, %shift_right_arithmetic3A : i32
    %shift_left3A = arith.constant 3 : i32
    %shift_left3A_18 = arith.shli %shift_right_arithmetic3A_17, %shift_left3A : i32
    %min3A = arith.constant 24996752 : i32
    %min3A_19 = arith.minsi %shift_left3A_18, %min3A : i32
    %multiple_of3A_20 = tpu.assume_multiple %min3A_19, 8 : i32
    %sub3A = arith.subi %add3A_16, %multiple_of3A_20 : i32
    %dma_start3A = arith.constant 0 : i32
    %dma_start3A_21 = tpu.memref_slice %arg12[%dma_start3A] : memref<3760xf32, #tpu.memory_space<vmem>> -> memref<3248xf32, #tpu.memory_space<vmem>>
    %dma_start3A_22 = tpu.memref_slice %arg2[%multiple_of3A_20] : memref<25000000xf32, #tpu.memory_space<hbm>> -> memref<3248xf32, #tpu.memory_space<hbm>>
    %dma_start3A_23 = arith.constant 0 : i32
    %dma_start3A_24 = tpu.memref_slice %arg12[%dma_start3A_23] : memref<3760xf32, #tpu.memory_space<vmem>> -> memref<3248xf32, #tpu.memory_space<vmem>>
    %dma_start3A_25 = tpu.memref_slice %arg2[%multiple_of3A_20] : memref<25000000xf32, #tpu.memory_space<hbm>> -> memref<3248xf32, #tpu.memory_space<hbm>>
    tpu.enqueue_dma source(%dma_start3A_25 : memref<3248xf32, #tpu.memory_space<hbm>>) target(%dma_start3A_24 : memref<3248xf32, #tpu.memory_space<vmem>>) target_semaphore(%arg28 : memref<!tpu.dma_semaphore, #tpu.memory_space<semaphore_mem>>)
    %get3A_26 = arith.constant 1 : index
    %get3A_27 = tpu.vector_load %arg8[%get3A_26] {strides = array<i32>} : memref<288xi32, #tpu.memory_space<vmem>>, vector<16xi32>,
    %slice3A_28 = vector.extract_strided_slice %get3A_27 {offsets = [0], sizes = [1], strides = [1]} : vector<16xi32> to vector<1xi32>
    %squeeze3A_29 = vector.extract %slice3A_28[0] : i32 from vector<1xi32>
    %add3A_30 = arith.addi %squeeze3A_29, %multiple_of3A : i32
    %shift_right_arithmetic3A_31 = arith.constant 3 : i32
    %shift_right_arithmetic3A_32 = arith.shrsi %add3A_30, %shift_right_arithmetic3A_31 : i32
    %shift_left3A_33 = arith.constant 3 : i32
    %shift_left3A_34 = arith.shli %shift_right_arithmetic3A_32, %shift_left3A_33 : i32
    %min3A_35 = arith.constant 24996752 : i32
    %min3A_36 = arith.minsi %shift_left3A_34, %min3A_35 : i32
    %multiple_of3A_37 = tpu.assume_multiple %min3A_36, 8 : i32
    %sub3A_38 = arith.subi %add3A_30, %multiple_of3A_37 : i32
    %dma_start3A_39 = arith.constant 0 : i32
    %dma_start3A_40 = tpu.memref_slice %arg13[%dma_start3A_39] : memref<3760xf32, #tpu.memory_space<vmem>> -> memref<3248xf32, #tpu.memory_space<vmem>>
    %dma_start3A_41 = tpu.memref_slice %arg2[%multiple_of3A_37] : memref<25000000xf32, #tpu.memory_space<hbm>> -> memref<3248xf32, #tpu.memory_space<hbm>>
    %dma_start3A_42 = arith.constant 0 : i32
    %dma_start3A_43 = tpu.memref_slice %arg13[%dma_start3A_42] : memref<3760xf32, #tpu.memory_space<vmem>> -> memref<3248xf32, #tpu.memory_space<vmem>>
    %dma_start3A_44 = tpu.memref_slice %arg2[%multiple_of3A_37] : memref<25000000xf32, #tpu.memory_space<hbm>> -> memref<3248xf32, #tpu.memory_space<hbm>>
    tpu.enqueue_dma source(%dma_start3A_44 : memref<3248xf32, #tpu.memory_space<hbm>>) target(%dma_start3A_43 : memref<3248xf32, #tpu.memory_space<vmem>>) target_semaphore(%arg29 : memref<!tpu.dma_semaphore, #tpu.memory_space<semaphore_mem>>)
    %get3A_45 = arith.constant 2 : index
    %get3A_46 = tpu.vector_load %arg8[%get3A_45] {strides = array<i32>} : memref<288xi32, #tpu.memory_space<vmem>>, vector<16xi32>,
    %slice3A_47 = vector.extract_strided_slice %get3A_46 {offsets = [0], sizes = [1], strides = [1]} : vector<16xi32> to vector<1xi32>
    %squeeze3A_48 = vector.extract %slice3A_47[0] : i32 from vector<1xi32>
    %add3A_49 = arith.addi %squeeze3A_48, %multiple_of3A : i32
    %shift_right_arithmetic3A_50 = arith.constant 3 : i32
    %shift_right_arithmetic3A_51 = arith.shrsi %add3A_49, %shift_right_arithmetic3A_50 : i32
    %shift_left3A_52 = arith.constant 3 : i32
    %shift_left3A_53 = arith.shli %shift_right_arithmetic3A_51, %shift_left3A_52 : i32
    %min3A_54 = arith.constant 24996752 : i32
    %min3A_55 = arith.minsi %shift_left3A_53, %min3A_54 : i32
    %multiple_of3A_56 = tpu.assume_multiple %min3A_55, 8 : i32
    %sub3A_57 = arith.subi %add3A_49, %multiple_of3A_56 : i32
    %dma_start3A_58 = arith.constant 0 : i32
    %dma_start3A_59 = tpu.memref_slice %arg14[%dma_start3A_58] : memref<3760xf32, #tpu.memory_space<vmem>> -> memref<3248xf32, #tpu.memory_space<vmem>>
    %dma_start3A_60 = tpu.memref_slice %arg2[%multiple_of3A_56] : memref<25000000xf32, #tpu.memory_space<hbm>> -> memref<3248xf32, #tpu.memory_space<hbm>>
    %dma_start3A_61 = arith.constant 0 : i32
    %dma_start3A_62 = tpu.memref_slice %arg14[%dma_start3A_61] : memref<3760xf32, #tpu.memory_space<vmem>> -> memref<3248xf32, #tpu.memory_space<vmem>>
    %dma_start3A_63 = tpu.memref_slice %arg2[%multiple_of3A_56] : memref<25000000xf32, #tpu.memory_space<hbm>> -> memref<3248xf32, #tpu.memory_space<hbm>>
    tpu.enqueue_dma source(%dma_start3A_63 : memref<3248xf32, #tpu.memory_space<hbm>>) target(%dma_start3A_62 : memref<3248xf32, #tpu.memory_space<vmem>>) target_semaphore(%arg30 : memref<!tpu.dma_semaphore, #tpu.memory_space<semaphore_mem>>)
    %get3A_64 = arith.constant 3 : index
    %get3A_65 = tpu.vector_load %arg8[%get3A_64] {strides = array<i32>} : memref<288xi32, #tpu.memory_space<vmem>>, vector<16xi32>,
    %slice3A_66 = vector.extract_strided_slice %get3A_65 {offsets = [0], sizes = [1], strides = [1]} : vector<16xi32> to vector<1xi32>
    %squeeze3A_67 = vector.extract %slice3A_66[0] : i32 from vector<1xi32>
    %add3A_68 = arith.addi %squeeze3A_67, %multiple_of3A : i32
    %shift_right_arithmetic3A_69 = arith.constant 3 : i32
    %shift_right_arithmetic3A_70 = arith.shrsi %add3A_68, %shift_right_arithmetic3A_69 : i32
    %shift_left3A_71 = arith.constant 3 : i32
    %shift_left3A_72 = arith.shli %shift_right_arithmetic3A_70, %shift_left3A_71 : i32
    %min3A_73 = arith.constant 24996752 : i32
    %min3A_74 = arith.minsi %shift_left3A_72, %min3A_73 : i32
    %multiple_of3A_75 = tpu.assume_multiple %min3A_74, 8 : i32
    %sub3A_76 = arith.subi %add3A_68, %multiple_of3A_75 : i32
    %dma_start3A_77 = arith.constant 0 : i32
    %dma_start3A_78 = tpu.memref_slice %arg15[%dma_start3A_77] : memref<3760xf32, #tpu.memory_space<vmem>> -> memref<3248xf32, #tpu.memory_space<vmem>>
    %dma_start3A_79 = tpu.memref_slice %arg2[%multiple_of3A_75] : memref<25000000xf32, #tpu.memory_space<hbm>> -> memref<3248xf32, #tpu.memory_space<hbm>>
    %dma_start3A_80 = arith.constant 0 : i32
    %dma_start3A_81 = tpu.memref_slice %arg15[%dma_start3A_80] : memref<3760xf32, #tpu.memory_space<vmem>> -> memref<3248xf32, #tpu.memory_space<vmem>>
    %dma_start3A_82 = tpu.memref_slice %arg2[%multiple_of3A_75] : memref<25000000xf32, #tpu.memory_space<hbm>> -> memref<3248xf32, #tpu.memory_space<hbm>>
    tpu.enqueue_dma source(%dma_start3A_82 : memref<3248xf32, #tpu.memory_space<hbm>>) target(%dma_start3A_81 : memref<3248xf32, #tpu.memory_space<vmem>>) target_semaphore(%arg31 : memref<!tpu.dma_semaphore, #tpu.memory_space<semaphore_mem>>)
    %get3A_83 = arith.constant 4 : index
    %get3A_84 = tpu.vector_load %arg8[%get3A_83] {strides = array<i32>} : memref<288xi32, #tpu.memory_space<vmem>>, vector<16xi32>,
    %slice3A_85 = vector.extract_strided_slice %get3A_84 {offsets = [0], sizes = [1], strides = [1]} : vector<16xi32> to vector<1xi32>
    %squeeze3A_86 = vector.extract %slice3A_85[0] : i32 from vector<1xi32>
    %add3A_87 = arith.addi %squeeze3A_86, %multiple_of3A : i32
    %shift_right_arithmetic3A_88 = arith.constant 3 : i32
    %shift_right_arithmetic3A_89 = arith.shrsi %add3A_87, %shift_right_arithmetic3A_88 : i32
    %shift_left3A_90 = arith.constant 3 : i32
    %shift_left3A_91 = arith.shli %shift_right_arithmetic3A_89, %shift_left3A_90 : i32
    %min3A_92 = arith.constant 24996752 : i32
    %min3A_93 = arith.minsi %shift_left3A_91, %min3A_92 : i32
    %multiple_of3A_94 = tpu.assume_multiple %min3A_93, 8 : i32
    %sub3A_95 = arith.subi %add3A_87, %multiple_of3A_94 : i32
    %dma_start3A_96 = arith.constant 0 : i32
    %dma_start3A_97 = tpu.memref_slice %arg16[%dma_start3A_96] : memref<3760xf32, #tpu.memory_space<vmem>> -> memref<3248xf32, #tpu.memory_space<vmem>>
    %dma_start3A_98 = tpu.memref_slice %arg2[%multiple_of3A_94] : memref<25000000xf32, #tpu.memory_space<hbm>> -> memref<3248xf32, #tpu.memory_space<hbm>>
    %dma_start3A_99 = arith.constant 0 : i32
    %dma_start3A_100 = tpu.memref_slice %arg16[%dma_start3A_99] : memref<3760xf32, #tpu.memory_space<vmem>> -> memref<3248xf32, #tpu.memory_space<vmem>>
    %dma_start3A_101 = tpu.memref_slice %arg2[%multiple_of3A_94] : memref<25000000xf32, #tpu.memory_space<hbm>> -> memref<3248xf32, #tpu.memory_space<hbm>>
    tpu.enqueue_dma source(%dma_start3A_101 : memref<3248xf32, #tpu.memory_space<hbm>>) target(%dma_start3A_100 : memref<3248xf32, #tpu.memory_space<vmem>>) target_semaphore(%arg32 : memref<!tpu.dma_semaphore, #tpu.memory_space<semaphore_mem>>)
    %get3A_102 = arith.constant 5 : index
    %get3A_103 = tpu.vector_load %arg8[%get3A_102] {strides = array<i32>} : memref<288xi32, #tpu.memory_space<vmem>>, vector<16xi32>,
    %slice3A_104 = vector.extract_strided_slice %get3A_103 {offsets = [0], sizes = [1], strides = [1]} : vector<16xi32> to vector<1xi32>
    %squeeze3A_105 = vector.extract %slice3A_104[0] : i32 from vector<1xi32>
    %add3A_106 = arith.addi %squeeze3A_105, %multiple_of3A : i32
    %shift_right_arithmetic3A_107 = arith.constant 3 : i32
    %shift_right_arithmetic3A_108 = arith.shrsi %add3A_106, %shift_right_arithmetic3A_107 : i32
    %shift_left3A_109 = arith.constant 3 : i32
    %shift_left3A_110 = arith.shli %shift_right_arithmetic3A_108, %shift_left3A_109 : i32
    %min3A_111 = arith.constant 24996752 : i32
    %min3A_112 = arith.minsi %shift_left3A_110, %min3A_111 : i32
    %multiple_of3A_113 = tpu.assume_multiple %min3A_112, 8 : i32
    %sub3A_114 = arith.subi %add3A_106, %multiple_of3A_113 : i32
    %dma_start3A_115 = arith.constant 0 : i32
    %dma_start3A_116 = tpu.memref_slice %arg17[%dma_start3A_115] : memref<3760xf32, #tpu.memory_space<vmem>> -> memref<3248xf32, #tpu.memory_space<vmem>>
    %dma_start3A_117 = tpu.memref_slice %arg2[%multiple_of3A_113] : memref<25000000xf32, #tpu.memory_space<hbm>> -> memref<3248xf32, #tpu.memory_space<hbm>>
    %dma_start3A_118 = arith.constant 0 : i32
    %dma_start3A_119 = tpu.memref_slice %arg17[%dma_start3A_118] : memref<3760xf32, #tpu.memory_space<vmem>> -> memref<3248xf32, #tpu.memory_space<vmem>>
    %dma_start3A_120 = tpu.memref_slice %arg2[%multiple_of3A_113] : memref<25000000xf32, #tpu.memory_space<hbm>> -> memref<3248xf32, #tpu.memory_space<hbm>>
    tpu.enqueue_dma source(%dma_start3A_120 : memref<3248xf32, #tpu.memory_space<hbm>>) target(%dma_start3A_119 : memref<3248xf32, #tpu.memory_space<vmem>>) target_semaphore(%arg33 : memref<!tpu.dma_semaphore, #tpu.memory_space<semaphore_mem>>)
    %get3A_121 = arith.constant 6 : index
    %get3A_122 = tpu.vector_load %arg8[%get3A_121] {strides = array<i32>} : memref<288xi32, #tpu.memory_space<vmem>>, vector<16xi32>,
    %slice3A_123 = vector.extract_strided_slice %get3A_122 {offsets = [0], sizes = [1], strides = [1]} : vector<16xi32> to vector<1xi32>
    %squeeze3A_124 = vector.extract %slice3A_123[0] : i32 from vector<1xi32>
    %add3A_125 = arith.addi %squeeze3A_124, %multiple_of3A : i32
    %shift_right_arithmetic3A_126 = arith.constant 3 : i32
    %shift_right_arithmetic3A_127 = arith.shrsi %add3A_125, %shift_right_arithmetic3A_126 : i32
    %shift_left3A_128 = arith.constant 3 : i32
    %shift_left3A_129 = arith.shli %shift_right_arithmetic3A_127, %shift_left3A_128 : i32
    %min3A_130 = arith.constant 24996752 : i32
    %min3A_131 = arith.minsi %shift_left3A_129, %min3A_130 : i32
    %multiple_of3A_132 = tpu.assume_multiple %min3A_131, 8 : i32
    %sub3A_133 = arith.subi %add3A_125, %multiple_of3A_132 : i32
    %dma_start3A_134 = arith.constant 0 : i32
    %dma_start3A_135 = tpu.memref_slice %arg18[%dma_start3A_134] : memref<3760xf32, #tpu.memory_space<vmem>> -> memref<3248xf32, #tpu.memory_space<vmem>>
    %dma_start3A_136 = tpu.memref_slice %arg2[%multiple_of3A_132] : memref<25000000xf32, #tpu.memory_space<hbm>> -> memref<3248xf32, #tpu.memory_space<hbm>>
    %dma_start3A_137 = arith.constant 0 : i32
    %dma_start3A_138 = tpu.memref_slice %arg18[%dma_start3A_137] : memref<3760xf32, #tpu.memory_space<vmem>> -> memref<3248xf32, #tpu.memory_space<vmem>>
    %dma_start3A_139 = tpu.memref_slice %arg2[%multiple_of3A_132] : memref<25000000xf32, #tpu.memory_space<hbm>> -> memref<3248xf32, #tpu.memory_space<hbm>>
    tpu.enqueue_dma source(%dma_start3A_139 : memref<3248xf32, #tpu.memory_space<hbm>>) target(%dma_start3A_138 : memref<3248xf32, #tpu.memory_space<vmem>>) target_semaphore(%arg34 : memref<!tpu.dma_semaphore, #tpu.memory_space<semaphore_mem>>)
    %get3A_140 = arith.constant 7 : index
    %get3A_141 = tpu.vector_load %arg8[%get3A_140] {strides = array<i32>} : memref<288xi32, #tpu.memory_space<vmem>>, vector<16xi32>,
    %slice3A_142 = vector.extract_strided_slice %get3A_141 {offsets = [0], sizes = [1], strides = [1]} : vector<16xi32> to vector<1xi32>
    %squeeze3A_143 = vector.extract %slice3A_142[0] : i32 from vector<1xi32>
    %add3A_144 = arith.addi %squeeze3A_143, %multiple_of3A : i32
    %shift_right_arithmetic3A_145 = arith.constant 3 : i32
    %shift_right_arithmetic3A_146 = arith.shrsi %add3A_144, %shift_right_arithmetic3A_145 : i32
    %shift_left3A_147 = arith.constant 3 : i32
    %shift_left3A_148 = arith.shli %shift_right_arithmetic3A_146, %shift_left3A_147 : i32
    %min3A_149 = arith.constant 24996752 : i32
    %min3A_150 = arith.minsi %shift_left3A_148, %min3A_149 : i32
    %multiple_of3A_151 = tpu.assume_multiple %min3A_150, 8 : i32
    %sub3A_152 = arith.subi %add3A_144, %multiple_of3A_151 : i32
    %dma_start3A_153 = arith.constant 0 : i32
    %dma_start3A_154 = tpu.memref_slice %arg19[%dma_start3A_153] : memref<3760xf32, #tpu.memory_space<vmem>> -> memref<3248xf32, #tpu.memory_space<vmem>>
    %dma_start3A_155 = tpu.memref_slice %arg2[%multiple_of3A_151] : memref<25000000xf32, #tpu.memory_space<hbm>> -> memref<3248xf32, #tpu.memory_space<hbm>>
    %dma_start3A_156 = arith.constant 0 : i32
    %dma_start3A_157 = tpu.memref_slice %arg19[%dma_start3A_156] : memref<3760xf32, #tpu.memory_space<vmem>> -> memref<3248xf32, #tpu.memory_space<vmem>>
    %dma_start3A_158 = tpu.memref_slice %arg2[%multiple_of3A_151] : memref<25000000xf32, #tpu.memory_space<hbm>> -> memref<3248xf32, #tpu.memory_space<hbm>>
    tpu.enqueue_dma source(%dma_start3A_158 : memref<3248xf32, #tpu.memory_space<hbm>>) target(%dma_start3A_157 : memref<3248xf32, #tpu.memory_space<vmem>>) target_semaphore(%arg35 : memref<!tpu.dma_semaphore, #tpu.memory_space<semaphore_mem>>)
    %get3A_159 = arith.constant 8 : index
    %get3A_160 = tpu.vector_load %arg8[%get3A_159] {strides = array<i32>} : memref<288xi32, #tpu.memory_space<vmem>>, vector<16xi32>,
    %slice3A_161 = vector.extract_strided_slice %get3A_160 {offsets = [0], sizes = [1], strides = [1]} : vector<16xi32> to vector<1xi32>
    %squeeze3A_162 = vector.extract %slice3A_161[0] : i32 from vector<1xi32>
    %add3A_163 = arith.addi %squeeze3A_162, %multiple_of3A : i32
    %shift_right_arithmetic3A_164 = arith.constant 3 : i32
    %shift_right_arithmetic3A_165 = arith.shrsi %add3A_163, %shift_right_arithmetic3A_164 : i32
    %shift_left3A_166 = arith.constant 3 : i32
    %shift_left3A_167 = arith.shli %shift_right_arithmetic3A_165, %shift_left3A_166 : i32
    %min3A_168 = arith.constant 24996752 : i32
    %min3A_169 = arith.minsi %shift_left3A_167, %min3A_168 : i32
    %multiple_of3A_170 = tpu.assume_multiple %min3A_169, 8 : i32
    %sub3A_171 = arith.subi %add3A_163, %multiple_of3A_170 : i32
    %dma_start3A_172 = arith.constant 0 : i32
    %dma_start3A_173 = tpu.memref_slice %arg20[%dma_start3A_172] : memref<3760xf32, #tpu.memory_space<vmem>> -> memref<3248xf32, #tpu.memory_space<vmem>>
    %dma_start3A_174 = tpu.memref_slice %arg2[%multiple_of3A_170] : memref<25000000xf32, #tpu.memory_space<hbm>> -> memref<3248xf32, #tpu.memory_space<hbm>>
    %dma_start3A_175 = arith.constant 0 : i32
    %dma_start3A_176 = tpu.memref_slice %arg20[%dma_start3A_175] : memref<3760xf32, #tpu.memory_space<vmem>> -> memref<3248xf32, #tpu.memory_space<vmem>>
    %dma_start3A_177 = tpu.memref_slice %arg2[%multiple_of3A_170] : memref<25000000xf32, #tpu.memory_space<hbm>> -> memref<3248xf32, #tpu.memory_space<hbm>>
    tpu.enqueue_dma source(%dma_start3A_177 : memref<3248xf32, #tpu.memory_space<hbm>>) target(%dma_start3A_176 : memref<3248xf32, #tpu.memory_space<vmem>>) target_semaphore(%arg36 : memref<!tpu.dma_semaphore, #tpu.memory_space<semaphore_mem>>)
    %get3A_178 = arith.constant 9 : index
    %get3A_179 = tpu.vector_load %arg8[%get3A_178] {strides = array<i32>} : memref<288xi32, #tpu.memory_space<vmem>>, vector<16xi32>,
    %slice3A_180 = vector.extract_strided_slice %get3A_179 {offsets = [0], sizes = [1], strides = [1]} : vector<16xi32> to vector<1xi32>
    %squeeze3A_181 = vector.extract %slice3A_180[0] : i32 from vector<1xi32>
    %add3A_182 = arith.addi %squeeze3A_181, %multiple_of3A : i32
    %shift_right_arithmetic3A_183 = arith.constant 3 : i32
    %shift_right_arithmetic3A_184 = arith.shrsi %add3A_182, %shift_right_arithmetic3A_183 : i32
    %shift_left3A_185 = arith.constant 3 : i32
    %shift_left3A_186 = arith.shli %shift_right_arithmetic3A_184, %shift_left3A_185 : i32
    %min3A_187 = arith.constant 24996752 : i32
    %min3A_188 = arith.minsi %shift_left3A_186, %min3A_187 : i32
    %multiple_of3A_189 = tpu.assume_multiple %min3A_188, 8 : i32
    %sub3A_190 = arith.subi %add3A_182, %multiple_of3A_189 : i32
    %dma_start3A_191 = arith.constant 0 : i32
    %dma_start3A_192 = tpu.memref_slice %arg21[%dma_start3A_191] : memref<3760xf32, #tpu.memory_space<vmem>> -> memref<3248xf32, #tpu.memory_space<vmem>>
    %dma_start3A_193 = tpu.memref_slice %arg2[%multiple_of3A_189] : memref<25000000xf32, #tpu.memory_space<hbm>> -> memref<3248xf32, #tpu.memory_space<hbm>>
    %dma_start3A_194 = arith.constant 0 : i32
    %dma_start3A_195 = tpu.memref_slice %arg21[%dma_start3A_194] : memref<3760xf32, #tpu.memory_space<vmem>> -> memref<3248xf32, #tpu.memory_space<vmem>>
    %dma_start3A_196 = tpu.memref_slice %arg2[%multiple_of3A_189] : memref<25000000xf32, #tpu.memory_space<hbm>> -> memref<3248xf32, #tpu.memory_space<hbm>>
    tpu.enqueue_dma source(%dma_start3A_196 : memref<3248xf32, #tpu.memory_space<hbm>>) target(%dma_start3A_195 : memref<3248xf32, #tpu.memory_space<vmem>>) target_semaphore(%arg37 : memref<!tpu.dma_semaphore, #tpu.memory_space<semaphore_mem>>)
    %get3A_197 = arith.constant 10 : index
    %get3A_198 = tpu.vector_load %arg8[%get3A_197] {strides = array<i32>} : memref<288xi32, #tpu.memory_space<vmem>>, vector<16xi32>,
    %slice3A_199 = vector.extract_strided_slice %get3A_198 {offsets = [0], sizes = [1], strides = [1]} : vector<16xi32> to vector<1xi32>
    %squeeze3A_200 = vector.extract %slice3A_199[0] : i32 from vector<1xi32>
    %add3A_201 = arith.addi %squeeze3A_200, %multiple_of3A : i32
    %shift_right_arithmetic3A_202 = arith.constant 3 : i32
    %shift_right_arithmetic3A_203 = arith.shrsi %add3A_201, %shift_right_arithmetic3A_202 : i32
    %shift_left3A_204 = arith.constant 3 : i32
    %shift_left3A_205 = arith.shli %shift_right_arithmetic3A_203, %shift_left3A_204 : i32
    %min3A_206 = arith.constant 24996752 : i32
    %min3A_207 = arith.minsi %shift_left3A_205, %min3A_206 : i32
    %multiple_of3A_208 = tpu.assume_multiple %min3A_207, 8 : i32
    %sub3A_209 = arith.subi %add3A_201, %multiple_of3A_208 : i32
    %dma_start3A_210 = arith.constant 0 : i32
    %dma_start3A_211 = tpu.memref_slice %arg22[%dma_start3A_210] : memref<3760xf32, #tpu.memory_space<vmem>> -> memref<3248xf32, #tpu.memory_space<vmem>>
    %dma_start3A_212 = tpu.memref_slice %arg2[%multiple_of3A_208] : memref<25000000xf32, #tpu.memory_space<hbm>> -> memref<3248xf32, #tpu.memory_space<hbm>>
    %dma_start3A_213 = arith.constant 0 : i32
    %dma_start3A_214 = tpu.memref_slice %arg22[%dma_start3A_213] : memref<3760xf32, #tpu.memory_space<vmem>> -> memref<3248xf32, #tpu.memory_space<vmem>>
    %dma_start3A_215 = tpu.memref_slice %arg2[%multiple_of3A_208] : memref<25000000xf32, #tpu.memory_space<hbm>> -> memref<3248xf32, #tpu.memory_space<hbm>>
    tpu.enqueue_dma source(%dma_start3A_215 : memref<3248xf32, #tpu.memory_space<hbm>>) target(%dma_start3A_214 : memref<3248xf32, #tpu.memory_space<vmem>>) target_semaphore(%arg38 : memref<!tpu.dma_semaphore, #tpu.memory_space<semaphore_mem>>)
    %get3A_216 = arith.constant 11 : index
    %get3A_217 = tpu.vector_load %arg8[%get3A_216] {strides = array<i32>} : memref<288xi32, #tpu.memory_space<vmem>>, vector<16xi32>,
    %slice3A_218 = vector.extract_strided_slice %get3A_217 {offsets = [0], sizes = [1], strides = [1]} : vector<16xi32> to vector<1xi32>
    %squeeze3A_219 = vector.extract %slice3A_218[0] : i32 from vector<1xi32>
    %add3A_220 = arith.addi %squeeze3A_219, %multiple_of3A : i32
    %shift_right_arithmetic3A_221 = arith.constant 3 : i32
    %shift_right_arithmetic3A_222 = arith.shrsi %add3A_220, %shift_right_arithmetic3A_221 : i32
    %shift_left3A_223 = arith.constant 3 : i32
    %shift_left3A_224 = arith.shli %shift_right_arithmetic3A_222, %shift_left3A_223 : i32
    %min3A_225 = arith.constant 24996752 : i32
    %min3A_226 = arith.minsi %shift_left3A_224, %min3A_225 : i32
    %multiple_of3A_227 = tpu.assume_multiple %min3A_226, 8 : i32
    %sub3A_228 = arith.subi %add3A_220, %multiple_of3A_227 : i32
    %dma_start3A_229 = arith.constant 0 : i32
    %dma_start3A_230 = tpu.memref_slice %arg23[%dma_start3A_229] : memref<3760xf32, #tpu.memory_space<vmem>> -> memref<3248xf32, #tpu.memory_space<vmem>>
    %dma_start3A_231 = tpu.memref_slice %arg2[%multiple_of3A_227] : memref<25000000xf32, #tpu.memory_space<hbm>> -> memref<3248xf32, #tpu.memory_space<hbm>>
    %dma_start3A_232 = arith.constant 0 : i32
    %dma_start3A_233 = tpu.memref_slice %arg23[%dma_start3A_232] : memref<3760xf32, #tpu.memory_space<vmem>> -> memref<3248xf32, #tpu.memory_space<vmem>>
    %dma_start3A_234 = tpu.memref_slice %arg2[%multiple_of3A_227] : memref<25000000xf32, #tpu.memory_space<hbm>> -> memref<3248xf32, #tpu.memory_space<hbm>>
    tpu.enqueue_dma source(%dma_start3A_234 : memref<3248xf32, #tpu.memory_space<hbm>>) target(%dma_start3A_233 : memref<3248xf32, #tpu.memory_space<vmem>>) target_semaphore(%arg39 : memref<!tpu.dma_semaphore, #tpu.memory_space<semaphore_mem>>)
    %get3A_235 = arith.constant 12 : index
    %get3A_236 = tpu.vector_load %arg8[%get3A_235] {strides = array<i32>} : memref<288xi32, #tpu.memory_space<vmem>>, vector<16xi32>,
    %slice3A_237 = vector.extract_strided_slice %get3A_236 {offsets = [0], sizes = [1], strides = [1]} : vector<16xi32> to vector<1xi32>
    %squeeze3A_238 = vector.extract %slice3A_237[0] : i32 from vector<1xi32>
    %add3A_239 = arith.addi %squeeze3A_238, %multiple_of3A : i32
    %shift_right_arithmetic3A_240 = arith.constant 3 : i32
    %shift_right_arithmetic3A_241 = arith.shrsi %add3A_239, %shift_right_arithmetic3A_240 : i32
    %shift_left3A_242 = arith.constant 3 : i32
    %shift_left3A_243 = arith.shli %shift_right_arithmetic3A_241, %shift_left3A_242 : i32
    %min3A_244 = arith.constant 24996752 : i32
    %min3A_245 = arith.minsi %shift_left3A_243, %min3A_244 : i32
    %multiple_of3A_246 = tpu.assume_multiple %min3A_245, 8 : i32
    %sub3A_247 = arith.subi %add3A_239, %multiple_of3A_246 : i32
    %dma_start3A_248 = arith.constant 0 : i32
    %dma_start3A_249 = tpu.memref_slice %arg24[%dma_start3A_248] : memref<3760xf32, #tpu.memory_space<vmem>> -> memref<3248xf32, #tpu.memory_space<vmem>>
    %dma_start3A_250 = tpu.memref_slice %arg2[%multiple_of3A_246] : memref<25000000xf32, #tpu.memory_space<hbm>> -> memref<3248xf32, #tpu.memory_space<hbm>>
    %dma_start3A_251 = arith.constant 0 : i32
    %dma_start3A_252 = tpu.memref_slice %arg24[%dma_start3A_251] : memref<3760xf32, #tpu.memory_space<vmem>> -> memref<3248xf32, #tpu.memory_space<vmem>>
    %dma_start3A_253 = tpu.memref_slice %arg2[%multiple_of3A_246] : memref<25000000xf32, #tpu.memory_space<hbm>> -> memref<3248xf32, #tpu.memory_space<hbm>>
    tpu.enqueue_dma source(%dma_start3A_253 : memref<3248xf32, #tpu.memory_space<hbm>>) target(%dma_start3A_252 : memref<3248xf32, #tpu.memory_space<vmem>>) target_semaphore(%arg40 : memref<!tpu.dma_semaphore, #tpu.memory_space<semaphore_mem>>)
    %get3A_254 = arith.constant 13 : index
    %get3A_255 = tpu.vector_load %arg8[%get3A_254] {strides = array<i32>} : memref<288xi32, #tpu.memory_space<vmem>>, vector<16xi32>,
    %slice3A_256 = vector.extract_strided_slice %get3A_255 {offsets = [0], sizes = [1], strides = [1]} : vector<16xi32> to vector<1xi32>
    %squeeze3A_257 = vector.extract %slice3A_256[0] : i32 from vector<1xi32>
    %add3A_258 = arith.addi %squeeze3A_257, %multiple_of3A : i32
    %shift_right_arithmetic3A_259 = arith.constant 3 : i32
    %shift_right_arithmetic3A_260 = arith.shrsi %add3A_258, %shift_right_arithmetic3A_259 : i32
    %shift_left3A_261 = arith.constant 3 : i32
    %shift_left3A_262 = arith.shli %shift_right_arithmetic3A_260, %shift_left3A_261 : i32
    %min3A_263 = arith.constant 24996752 : i32
    %min3A_264 = arith.minsi %shift_left3A_262, %min3A_263 : i32
    %multiple_of3A_265 = tpu.assume_multiple %min3A_264, 8 : i32
    %sub3A_266 = arith.subi %add3A_258, %multiple_of3A_265 : i32
    %dma_start3A_267 = arith.constant 0 : i32
    %dma_start3A_268 = tpu.memref_slice %arg25[%dma_start3A_267] : memref<3760xf32, #tpu.memory_space<vmem>> -> memref<3248xf32, #tpu.memory_space<vmem>>
    %dma_start3A_269 = tpu.memref_slice %arg2[%multiple_of3A_265] : memref<25000000xf32, #tpu.memory_space<hbm>> -> memref<3248xf32, #tpu.memory_space<hbm>>
    %dma_start3A_270 = arith.constant 0 : i32
    %dma_start3A_271 = tpu.memref_slice %arg25[%dma_start3A_270] : memref<3760xf32, #tpu.memory_space<vmem>> -> memref<3248xf32, #tpu.memory_space<vmem>>
    %dma_start3A_272 = tpu.memref_slice %arg2[%multiple_of3A_265] : memref<25000000xf32, #tpu.memory_space<hbm>> -> memref<3248xf32, #tpu.memory_space<hbm>>
    tpu.enqueue_dma source(%dma_start3A_272 : memref<3248xf32, #tpu.memory_space<hbm>>) target(%dma_start3A_271 : memref<3248xf32, #tpu.memory_space<vmem>>) target_semaphore(%arg41 : memref<!tpu.dma_semaphore, #tpu.memory_space<semaphore_mem>>)
    %get3A_273 = arith.constant 14 : index
    %get3A_274 = tpu.vector_load %arg8[%get3A_273] {strides = array<i32>} : memref<288xi32, #tpu.memory_space<vmem>>, vector<16xi32>,
    %slice3A_275 = vector.extract_strided_slice %get3A_274 {offsets = [0], sizes = [1], strides = [1]} : vector<16xi32> to vector<1xi32>
    %squeeze3A_276 = vector.extract %slice3A_275[0] : i32 from vector<1xi32>
    %add3A_277 = arith.addi %squeeze3A_276, %multiple_of3A : i32
    %shift_right_arithmetic3A_278 = arith.constant 3 : i32
    %shift_right_arithmetic3A_279 = arith.shrsi %add3A_277, %shift_right_arithmetic3A_278 : i32
    %shift_left3A_280 = arith.constant 3 : i32
    %shift_left3A_281 = arith.shli %shift_right_arithmetic3A_279, %shift_left3A_280 : i32
    %min3A_282 = arith.constant 24996752 : i32
    %min3A_283 = arith.minsi %shift_left3A_281, %min3A_282 : i32
    %multiple_of3A_284 = tpu.assume_multiple %min3A_283, 8 : i32
    %sub3A_285 = arith.subi %add3A_277, %multiple_of3A_284 : i32
    %dma_start3A_286 = arith.constant 0 : i32
    %dma_start3A_287 = tpu.memref_slice %arg26[%dma_start3A_286] : memref<3760xf32, #tpu.memory_space<vmem>> -> memref<3248xf32, #tpu.memory_space<vmem>>
    %dma_start3A_288 = tpu.memref_slice %arg2[%multiple_of3A_284] : memref<25000000xf32, #tpu.memory_space<hbm>> -> memref<3248xf32, #tpu.memory_space<hbm>>
    %dma_start3A_289 = arith.constant 0 : i32
    %dma_start3A_290 = tpu.memref_slice %arg26[%dma_start3A_289] : memref<3760xf32, #tpu.memory_space<vmem>> -> memref<3248xf32, #tpu.memory_space<vmem>>
    %dma_start3A_291 = tpu.memref_slice %arg2[%multiple_of3A_284] : memref<25000000xf32, #tpu.memory_space<hbm>> -> memref<3248xf32, #tpu.memory_space<hbm>>
    tpu.enqueue_dma source(%dma_start3A_291 : memref<3248xf32, #tpu.memory_space<hbm>>) target(%dma_start3A_290 : memref<3248xf32, #tpu.memory_space<vmem>>) target_semaphore(%arg42 : memref<!tpu.dma_semaphore, #tpu.memory_space<semaphore_mem>>)
    %get3A_292 = arith.constant 15 : index
    %get3A_293 = tpu.vector_load %arg8[%get3A_292] {strides = array<i32>} : memref<288xi32, #tpu.memory_space<vmem>>, vector<16xi32>,
    %slice3A_294 = vector.extract_strided_slice %get3A_293 {offsets = [0], sizes = [1], strides = [1]} : vector<16xi32> to vector<1xi32>
    %squeeze3A_295 = vector.extract %slice3A_294[0] : i32 from vector<1xi32>
    %add3A_296 = arith.addi %squeeze3A_295, %multiple_of3A : i32
    %shift_right_arithmetic3A_297 = arith.constant 3 : i32
    %shift_right_arithmetic3A_298 = arith.shrsi %add3A_296, %shift_right_arithmetic3A_297 : i32
    %shift_left3A_299 = arith.constant 3 : i32
    %shift_left3A_300 = arith.shli %shift_right_arithmetic3A_298, %shift_left3A_299 : i32
    %min3A_301 = arith.constant 24996752 : i32
    %min3A_302 = arith.minsi %shift_left3A_300, %min3A_301 : i32
    %multiple_of3A_303 = tpu.assume_multiple %min3A_302, 8 : i32
    %sub3A_304 = arith.subi %add3A_296, %multiple_of3A_303 : i32
    %dma_start3A_305 = arith.constant 0 : i32
    %dma_start3A_306 = tpu.memref_slice %arg27[%dma_start3A_305] : memref<3760xf32, #tpu.memory_space<vmem>> -> memref<3248xf32, #tpu.memory_space<vmem>>
    %dma_start3A_307 = tpu.memref_slice %arg2[%multiple_of3A_303] : memref<25000000xf32, #tpu.memory_space<hbm>> -> memref<3248xf32, #tpu.memory_space<hbm>>
    %dma_start3A_308 = arith.constant 0 : i32
    %dma_start3A_309 = tpu.memref_slice %arg27[%dma_start3A_308] : memref<3760xf32, #tpu.memory_space<vmem>> -> memref<3248xf32, #tpu.memory_space<vmem>>
    %dma_start3A_310 = tpu.memref_slice %arg2[%multiple_of3A_303] : memref<25000000xf32, #tpu.memory_space<hbm>> -> memref<3248xf32, #tpu.memory_space<hbm>>
    tpu.enqueue_dma source(%dma_start3A_310 : memref<3248xf32, #tpu.memory_space<hbm>>) target(%dma_start3A_309 : memref<3248xf32, #tpu.memory_space<vmem>>) target_semaphore(%arg43 : memref<!tpu.dma_semaphore, #tpu.memory_space<semaphore_mem>>)
    %scan3A = arith.constant 0 : i32
    %scan3A_311 = arith.constant 13 : i32
    %scan3A_312 = arith.addi %scan3A, %scan3A_311 : i32
    %scan3A_313 = arith.constant 1 : i32
    %scan3A_314:16 = scf.for %scan3A_326 = %scan3A to %scan3A_312 step %scan3A_313 iter_args(%scan3A_327 = %sub3A, %scan3A_328 = %sub3A_38, %scan3A_329 = %sub3A_57, %scan3A_330 = %sub3A_76, %scan3A_331 = %sub3A_95, %scan3A_332 = %sub3A_114, %scan3A_333 = %sub3A_133, %scan3A_334 = %sub3A_152, %scan3A_335 = %sub3A_171, %scan3A_336 = %sub3A_190, %scan3A_337 = %sub3A_209, %scan3A_338 = %sub3A_228, %scan3A_339 = %sub3A_247, %scan3A_340 = %sub3A_266, %scan3A_341 = %sub3A_285, %scan3A_342 = %sub3A_304) -> (i32, i32, i32, i32, i32, i32, i32, i32, i32, i32, i32, i32, i32, i32, i32, i32)  : i32 {
      %dma_wait3A = arith.constant 0 : i32
      %dma_wait3A_343 = tpu.memref_slice %arg12[%dma_wait3A] : memref<3760xf32, #tpu.memory_space<vmem>> -> memref<3248xf32, #tpu.memory_space<vmem>>
      %dma_wait3A_344 = arith.constant 0 : i32
      %dma_wait3A_345 = tpu.memref_slice %arg2[%dma_wait3A_344] : memref<25000000xf32, #tpu.memory_space<hbm>> -> memref<3248xf32, #tpu.memory_space<hbm>>
      %dma_wait3A_346 = arith.constant 0 : i32
      %dma_wait3A_347 = tpu.memref_slice %arg12[%dma_wait3A_346] : memref<3760xf32, #tpu.memory_space<vmem>> -> memref<3248xf32, #tpu.memory_space<vmem>>
      %dma_wait3A_348 = arith.constant 0 : i32
      %dma_wait3A_349 = tpu.memref_slice %arg2[%dma_wait3A_348] : memref<25000000xf32, #tpu.memory_space<hbm>> -> memref<3248xf32, #tpu.memory_space<hbm>>
      tpu.wait_dma2 semaphore(%arg28 : memref<!tpu.dma_semaphore, #tpu.memory_space<semaphore_mem>>) src(%dma_wait3A_349 : memref<3248xf32, #tpu.memory_space<hbm>>) dst(%dma_wait3A_347 : memref<3248xf32, #tpu.memory_space<vmem>>)
      %dma_wait3A_350 = arith.constant 0 : i32
      %dma_wait3A_351 = tpu.memref_slice %arg13[%dma_wait3A_350] : memref<3760xf32, #tpu.memory_space<vmem>> -> memref<3248xf32, #tpu.memory_space<vmem>>
      %dma_wait3A_352 = arith.constant 0 : i32
      %dma_wait3A_353 = tpu.memref_slice %arg2[%dma_wait3A_352] : memref<25000000xf32, #tpu.memory_space<hbm>> -> memref<3248xf32, #tpu.memory_space<hbm>>
      %dma_wait3A_354 = arith.constant 0 : i32
      %dma_wait3A_355 = tpu.memref_slice %arg13[%dma_wait3A_354] : memref<3760xf32, #tpu.memory_space<vmem>> -> memref<3248xf32, #tpu.memory_space<vmem>>
      %dma_wait3A_356 = arith.constant 0 : i32
      %dma_wait3A_357 = tpu.memref_slice %arg2[%dma_wait3A_356] : memref<25000000xf32, #tpu.memory_space<hbm>> -> memref<3248xf32, #tpu.memory_space<hbm>>
      tpu.wait_dma2 semaphore(%arg29 : memref<!tpu.dma_semaphore, #tpu.memory_space<semaphore_mem>>) src(%dma_wait3A_357 : memref<3248xf32, #tpu.memory_space<hbm>>) dst(%dma_wait3A_355 : memref<3248xf32, #tpu.memory_space<vmem>>)
      %dma_wait3A_358 = arith.constant 0 : i32
      %dma_wait3A_359 = tpu.memref_slice %arg14[%dma_wait3A_358] : memref<3760xf32, #tpu.memory_space<vmem>> -> memref<3248xf32, #tpu.memory_space<vmem>>
      %dma_wait3A_360 = arith.constant 0 : i32
      %dma_wait3A_361 = tpu.memref_slice %arg2[%dma_wait3A_360] : memref<25000000xf32, #tpu.memory_space<hbm>> -> memref<3248xf32, #tpu.memory_space<hbm>>
      %dma_wait3A_362 = arith.constant 0 : i32
      %dma_wait3A_363 = tpu.memref_slice %arg14[%dma_wait3A_362] : memref<3760xf32, #tpu.memory_space<vmem>> -> memref<3248xf32, #tpu.memory_space<vmem>>
      %dma_wait3A_364 = arith.constant 0 : i32
      %dma_wait3A_365 = tpu.memref_slice %arg2[%dma_wait3A_364] : memref<25000000xf32, #tpu.memory_space<hbm>> -> memref<3248xf32, #tpu.memory_space<hbm>>
      tpu.wait_dma2 semaphore(%arg30 : memref<!tpu.dma_semaphore, #tpu.memory_space<semaphore_mem>>) src(%dma_wait3A_365 : memref<3248xf32, #tpu.memory_space<hbm>>) dst(%dma_wait3A_363 : memref<3248xf32, #tpu.memory_space<vmem>>)
      %dma_wait3A_366 = arith.constant 0 : i32
      %dma_wait3A_367 = tpu.memref_slice %arg15[%dma_wait3A_366] : memref<3760xf32, #tpu.memory_space<vmem>> -> memref<3248xf32, #tpu.memory_space<vmem>>
      %dma_wait3A_368 = arith.constant 0 : i32
      %dma_wait3A_369 = tpu.memref_slice %arg2[%dma_wait3A_368] : memref<25000000xf32, #tpu.memory_space<hbm>> -> memref<3248xf32, #tpu.memory_space<hbm>>
      %dma_wait3A_370 = arith.constant 0 : i32
      %dma_wait3A_371 = tpu.memref_slice %arg15[%dma_wait3A_370] : memref<3760xf32, #tpu.memory_space<vmem>> -> memref<3248xf32, #tpu.memory_space<vmem>>
      %dma_wait3A_372 = arith.constant 0 : i32
      %dma_wait3A_373 = tpu.memref_slice %arg2[%dma_wait3A_372] : memref<25000000xf32, #tpu.memory_space<hbm>> -> memref<3248xf32, #tpu.memory_space<hbm>>
      tpu.wait_dma2 semaphore(%arg31 : memref<!tpu.dma_semaphore, #tpu.memory_space<semaphore_mem>>) src(%dma_wait3A_373 : memref<3248xf32, #tpu.memory_space<hbm>>) dst(%dma_wait3A_371 : memref<3248xf32, #tpu.memory_space<vmem>>)
      %dma_wait3A_374 = arith.constant 0 : i32
      %dma_wait3A_375 = tpu.memref_slice %arg16[%dma_wait3A_374] : memref<3760xf32, #tpu.memory_space<vmem>> -> memref<3248xf32, #tpu.memory_space<vmem>>
      %dma_wait3A_376 = arith.constant 0 : i32
      %dma_wait3A_377 = tpu.memref_slice %arg2[%dma_wait3A_376] : memref<25000000xf32, #tpu.memory_space<hbm>> -> memref<3248xf32, #tpu.memory_space<hbm>>
      %dma_wait3A_378 = arith.constant 0 : i32
      %dma_wait3A_379 = tpu.memref_slice %arg16[%dma_wait3A_378] : memref<3760xf32, #tpu.memory_space<vmem>> -> memref<3248xf32, #tpu.memory_space<vmem>>
      %dma_wait3A_380 = arith.constant 0 : i32
      %dma_wait3A_381 = tpu.memref_slice %arg2[%dma_wait3A_380] : memref<25000000xf32, #tpu.memory_space<hbm>> -> memref<3248xf32, #tpu.memory_space<hbm>>
      tpu.wait_dma2 semaphore(%arg32 : memref<!tpu.dma_semaphore, #tpu.memory_space<semaphore_mem>>) src(%dma_wait3A_381 : memref<3248xf32, #tpu.memory_space<hbm>>) dst(%dma_wait3A_379 : memref<3248xf32, #tpu.memory_space<vmem>>)
      %dma_wait3A_382 = arith.constant 0 : i32
      %dma_wait3A_383 = tpu.memref_slice %arg17[%dma_wait3A_382] : memref<3760xf32, #tpu.memory_space<vmem>> -> memref<3248xf32, #tpu.memory_space<vmem>>
      %dma_wait3A_384 = arith.constant 0 : i32
      %dma_wait3A_385 = tpu.memref_slice %arg2[%dma_wait3A_384] : memref<25000000xf32, #tpu.memory_space<hbm>> -> memref<3248xf32, #tpu.memory_space<hbm>>
      %dma_wait3A_386 = arith.constant 0 : i32
      %dma_wait3A_387 = tpu.memref_slice %arg17[%dma_wait3A_386] : memref<3760xf32, #tpu.memory_space<vmem>> -> memref<3248xf32, #tpu.memory_space<vmem>>
      %dma_wait3A_388 = arith.constant 0 : i32
      %dma_wait3A_389 = tpu.memref_slice %arg2[%dma_wait3A_388] : memref<25000000xf32, #tpu.memory_space<hbm>> -> memref<3248xf32, #tpu.memory_space<hbm>>
      tpu.wait_dma2 semaphore(%arg33 : memref<!tpu.dma_semaphore, #tpu.memory_space<semaphore_mem>>) src(%dma_wait3A_389 : memref<3248xf32, #tpu.memory_space<hbm>>) dst(%dma_wait3A_387 : memref<3248xf32, #tpu.memory_space<vmem>>)
      %dma_wait3A_390 = arith.constant 0 : i32
      %dma_wait3A_391 = tpu.memref_slice %arg18[%dma_wait3A_390] : memref<3760xf32, #tpu.memory_space<vmem>> -> memref<3248xf32, #tpu.memory_space<vmem>>
      %dma_wait3A_392 = arith.constant 0 : i32
      %dma_wait3A_393 = tpu.memref_slice %arg2[%dma_wait3A_392] : memref<25000000xf32, #tpu.memory_space<hbm>> -> memref<3248xf32, #tpu.memory_space<hbm>>
      %dma_wait3A_394 = arith.constant 0 : i32
      %dma_wait3A_395 = tpu.memref_slice %arg18[%dma_wait3A_394] : memref<3760xf32, #tpu.memory_space<vmem>> -> memref<3248xf32, #tpu.memory_space<vmem>>
      %dma_wait3A_396 = arith.constant 0 : i32
      %dma_wait3A_397 = tpu.memref_slice %arg2[%dma_wait3A_396] : memref<25000000xf32, #tpu.memory_space<hbm>> -> memref<3248xf32, #tpu.memory_space<hbm>>
      tpu.wait_dma2 semaphore(%arg34 : memref<!tpu.dma_semaphore, #tpu.memory_space<semaphore_mem>>) src(%dma_wait3A_397 : memref<3248xf32, #tpu.memory_space<hbm>>) dst(%dma_wait3A_395 : memref<3248xf32, #tpu.memory_space<vmem>>)
      %dma_wait3A_398 = arith.constant 0 : i32
      %dma_wait3A_399 = tpu.memref_slice %arg19[%dma_wait3A_398] : memref<3760xf32, #tpu.memory_space<vmem>> -> memref<3248xf32, #tpu.memory_space<vmem>>
      %dma_wait3A_400 = arith.constant 0 : i32
      %dma_wait3A_401 = tpu.memref_slice %arg2[%dma_wait3A_400] : memref<25000000xf32, #tpu.memory_space<hbm>> -> memref<3248xf32, #tpu.memory_space<hbm>>
      %dma_wait3A_402 = arith.constant 0 : i32
      %dma_wait3A_403 = tpu.memref_slice %arg19[%dma_wait3A_402] : memref<3760xf32, #tpu.memory_space<vmem>> -> memref<3248xf32, #tpu.memory_space<vmem>>
      %dma_wait3A_404 = arith.constant 0 : i32
      %dma_wait3A_405 = tpu.memref_slice %arg2[%dma_wait3A_404] : memref<25000000xf32, #tpu.memory_space<hbm>> -> memref<3248xf32, #tpu.memory_space<hbm>>
      tpu.wait_dma2 semaphore(%arg35 : memref<!tpu.dma_semaphore, #tpu.memory_space<semaphore_mem>>) src(%dma_wait3A_405 : memref<3248xf32, #tpu.memory_space<hbm>>) dst(%dma_wait3A_403 : memref<3248xf32, #tpu.memory_space<vmem>>)
      %mul3A_406 = arith.constant 16 : i32
      %mul3A_407 = arith.muli %scan3A_326, %mul3A_406 : i32
      %add3A_408 = arith.constant 0 : i32
      %add3A_409 = arith.addi %mul3A_407, %add3A_408 : i32
      %add3A_410 = arith.constant 0 : i32
      %add3A_411 = arith.addi %add3A_409, %add3A_410 : i32
      %lt3A = arith.constant 64 : i32
      %lt3A_412 = arith.cmpi slt, %add3A_411, %lt3A : i32
      %add3A_413 = arith.constant 48 : i32
      %add3A_414 = arith.addi %add3A_411, %add3A_413 : i32
      %select_n3A = arith.select %lt3A_412, %add3A_411, %add3A_414 : i32
      %get3A_415 = arith.index_cast %select_n3A : i32 to index
      %get3A_416 = tpu.vector_load %arg9[%get3A_415] {strides = array<i32>} : memref<288xf32, #tpu.memory_space<vmem>>, vector<16xf32>,
      %slice3A_417 = vector.extract_strided_slice %get3A_416 {offsets = [0], sizes = [1], strides = [1]} : vector<16xf32> to vector<1xf32>
      %squeeze3A_418 = vector.extract %slice3A_417[0] : f32 from vector<1xf32>
      %mul3A_419 = arith.constant 16 : i32
      %mul3A_420 = arith.muli %scan3A_326, %mul3A_419 : i32
      %add3A_421 = arith.constant 0 : i32
      %add3A_422 = arith.addi %mul3A_420, %add3A_421 : i32
      %add3A_423 = arith.constant 1 : i32
      %add3A_424 = arith.addi %add3A_422, %add3A_423 : i32
      %lt3A_425 = arith.constant 64 : i32
      %lt3A_426 = arith.cmpi slt, %add3A_424, %lt3A_425 : i32
      %add3A_427 = arith.constant 48 : i32
      %add3A_428 = arith.addi %add3A_424, %add3A_427 : i32
      %select_n3A_429 = arith.select %lt3A_426, %add3A_424, %add3A_428 : i32
      %get3A_430 = arith.index_cast %select_n3A_429 : i32 to index
      %get3A_431 = tpu.vector_load %arg9[%get3A_430] {strides = array<i32>} : memref<288xf32, #tpu.memory_space<vmem>>, vector<16xf32>,
      %slice3A_432 = vector.extract_strided_slice %get3A_431 {offsets = [0], sizes = [1], strides = [1]} : vector<16xf32> to vector<1xf32>
      %squeeze3A_433 = vector.extract %slice3A_432[0] : f32 from vector<1xf32>
      %mul3A_434 = arith.constant 16 : i32
      %mul3A_435 = arith.muli %scan3A_326, %mul3A_434 : i32
      %add3A_436 = arith.constant 0 : i32
      %add3A_437 = arith.addi %mul3A_435, %add3A_436 : i32
      %add3A_438 = arith.constant 2 : i32
      %add3A_439 = arith.addi %add3A_437, %add3A_438 : i32
      %lt3A_440 = arith.constant 64 : i32
      %lt3A_441 = arith.cmpi slt, %add3A_439, %lt3A_440 : i32
      %add3A_442 = arith.constant 48 : i32
      %add3A_443 = arith.addi %add3A_439, %add3A_442 : i32
      %select_n3A_444 = arith.select %lt3A_441, %add3A_439, %add3A_443 : i32
      %get3A_445 = arith.index_cast %select_n3A_444 : i32 to index
      %get3A_446 = tpu.vector_load %arg9[%get3A_445] {strides = array<i32>} : memref<288xf32, #tpu.memory_space<vmem>>, vector<16xf32>,
      %slice3A_447 = vector.extract_strided_slice %get3A_446 {offsets = [0], sizes = [1], strides = [1]} : vector<16xf32> to vector<1xf32>
      %squeeze3A_448 = vector.extract %slice3A_447[0] : f32 from vector<1xf32>
      %mul3A_449 = arith.constant 16 : i32
      %mul3A_450 = arith.muli %scan3A_326, %mul3A_449 : i32
      %add3A_451 = arith.constant 0 : i32
      %add3A_452 = arith.addi %mul3A_450, %add3A_451 : i32
      %add3A_453 = arith.constant 3 : i32
      %add3A_454 = arith.addi %add3A_452, %add3A_453 : i32
      %lt3A_455 = arith.constant 64 : i32
      %lt3A_456 = arith.cmpi slt, %add3A_454, %lt3A_455 : i32
      %add3A_457 = arith.constant 48 : i32
      %add3A_458 = arith.addi %add3A_454, %add3A_457 : i32
      %select_n3A_459 = arith.select %lt3A_456, %add3A_454, %add3A_458 : i32
      %get3A_460 = arith.index_cast %select_n3A_459 : i32 to index
      %get3A_461 = tpu.vector_load %arg9[%get3A_460] {strides = array<i32>} : memref<288xf32, #tpu.memory_space<vmem>>, vector<16xf32>,
      %slice3A_462 = vector.extract_strided_slice %get3A_461 {offsets = [0], sizes = [1], strides = [1]} : vector<16xf32> to vector<1xf32>
      %squeeze3A_463 = vector.extract %slice3A_462[0] : f32 from vector<1xf32>
      %mul3A_464 = arith.constant 16 : i32
      %mul3A_465 = arith.muli %scan3A_326, %mul3A_464 : i32
      %add3A_466 = arith.constant 0 : i32
      %add3A_467 = arith.addi %mul3A_465, %add3A_466 : i32
      %add3A_468 = arith.constant 4 : i32
      %add3A_469 = arith.addi %add3A_467, %add3A_468 : i32
      %lt3A_470 = arith.constant 64 : i32
      %lt3A_471 = arith.cmpi slt, %add3A_469, %lt3A_470 : i32
      %add3A_472 = arith.constant 48 : i32
      %add3A_473 = arith.addi %add3A_469, %add3A_472 : i32
      %select_n3A_474 = arith.select %lt3A_471, %add3A_469, %add3A_473 : i32
      %get3A_475 = arith.index_cast %select_n3A_474 : i32 to index
      %get3A_476 = tpu.vector_load %arg9[%get3A_475] {strides = array<i32>} : memref<288xf32, #tpu.memory_space<vmem>>, vector<16xf32>,
      %slice3A_477 = vector.extract_strided_slice %get3A_476 {offsets = [0], sizes = [1], strides = [1]} : vector<16xf32> to vector<1xf32>
      %squeeze3A_478 = vector.extract %slice3A_477[0] : f32 from vector<1xf32>
      %mul3A_479 = arith.constant 16 : i32
      %mul3A_480 = arith.muli %scan3A_326, %mul3A_479 : i32
      %add3A_481 = arith.constant 0 : i32
      %add3A_482 = arith.addi %mul3A_480, %add3A_481 : i32
      %add3A_483 = arith.constant 5 : i32
      %add3A_484 = arith.addi %add3A_482, %add3A_483 : i32
      %lt3A_485 = arith.constant 64 : i32
      %lt3A_486 = arith.cmpi slt, %add3A_484, %lt3A_485 : i32
      %add3A_487 = arith.constant 48 : i32
      %add3A_488 = arith.addi %add3A_484, %add3A_487 : i32
      %select_n3A_489 = arith.select %lt3A_486, %add3A_484, %add3A_488 : i32
      %get3A_490 = arith.index_cast %select_n3A_489 : i32 to index
      %get3A_491 = tpu.vector_load %arg9[%get3A_490] {strides = array<i32>} : memref<288xf32, #tpu.memory_space<vmem>>, vector<16xf32>,
      %slice3A_492 = vector.extract_strided_slice %get3A_491 {offsets = [0], sizes = [1], strides = [1]} : vector<16xf32> to vector<1xf32>
      %squeeze3A_493 = vector.extract %slice3A_492[0] : f32 from vector<1xf32>
      %mul3A_494 = arith.constant 16 : i32
      %mul3A_495 = arith.muli %scan3A_326, %mul3A_494 : i32
      %add3A_496 = arith.constant 0 : i32
      %add3A_497 = arith.addi %mul3A_495, %add3A_496 : i32
      %add3A_498 = arith.constant 6 : i32
      %add3A_499 = arith.addi %add3A_497, %add3A_498 : i32
      %lt3A_500 = arith.constant 64 : i32
      %lt3A_501 = arith.cmpi slt, %add3A_499, %lt3A_500 : i32
      %add3A_502 = arith.constant 48 : i32
      %add3A_503 = arith.addi %add3A_499, %add3A_502 : i32
      %select_n3A_504 = arith.select %lt3A_501, %add3A_499, %add3A_503 : i32
      %get3A_505 = arith.index_cast %select_n3A_504 : i32 to index
      %get3A_506 = tpu.vector_load %arg9[%get3A_505] {strides = array<i32>} : memref<288xf32, #tpu.memory_space<vmem>>, vector<16xf32>,
      %slice3A_507 = vector.extract_strided_slice %get3A_506 {offsets = [0], sizes = [1], strides = [1]} : vector<16xf32> to vector<1xf32>
      %squeeze3A_508 = vector.extract %slice3A_507[0] : f32 from vector<1xf32>
      %mul3A_509 = arith.constant 16 : i32
      %mul3A_510 = arith.muli %scan3A_326, %mul3A_509 : i32
      %add3A_511 = arith.constant 0 : i32
      %add3A_512 = arith.addi %mul3A_510, %add3A_511 : i32
      %add3A_513 = arith.constant 7 : i32
      %add3A_514 = arith.addi %add3A_512, %add3A_513 : i32
      %lt3A_515 = arith.constant 64 : i32
      %lt3A_516 = arith.cmpi slt, %add3A_514, %lt3A_515 : i32
      %add3A_517 = arith.constant 48 : i32
      %add3A_518 = arith.addi %add3A_514, %add3A_517 : i32
      %select_n3A_519 = arith.select %lt3A_516, %add3A_514, %add3A_518 : i32
      %get3A_520 = arith.index_cast %select_n3A_519 : i32 to index
      %get3A_521 = tpu.vector_load %arg9[%get3A_520] {strides = array<i32>} : memref<288xf32, #tpu.memory_space<vmem>>, vector<16xf32>,
      %slice3A_522 = vector.extract_strided_slice %get3A_521 {offsets = [0], sizes = [1], strides = [1]} : vector<16xf32> to vector<1xf32>
      %squeeze3A_523 = vector.extract %slice3A_522[0] : f32 from vector<1xf32>
      %parallel_loop3A_524 = arith.constant 0 : i32
      %parallel_loop3A_525 = arith.constant 202 : i32
      %parallel_loop3A_526 = arith.constant 1 : i32
      scf.for %parallel_loop3A_1215 = %parallel_loop3A_524 to %parallel_loop3A_525 step %parallel_loop3A_526  : i32 {
        %parallel_loop3A_1216 = arith.constant 16 : i32
        %parallel_loop3A_1217 = arith.muli %parallel_loop3A_1215, %parallel_loop3A_1216 : i32
        %parallel_loop3A_1218 = arith.addi %scan3A_327, %parallel_loop3A_1217 : i32
        %parallel_loop3A_1219 = arith.index_cast %parallel_loop3A_1218 : i32 to index
        %parallel_loop3A_1220 = tpu.vector_load %arg12[%parallel_loop3A_1219] {strides = array<i32>} : memref<3760xf32, #tpu.memory_space<vmem>>, vector<16xf32>,
        %parallel_loop3A_1221 = vector.broadcast %squeeze3A_418 : f32 to vector<16xf32>
        %parallel_loop3A_1222 = arith.mulf %parallel_loop3A_1221, %parallel_loop3A_1220 : vector<16xf32>
        %parallel_loop3A_1223 = arith.constant 16 : i32
        %parallel_loop3A_1224 = arith.muli %parallel_loop3A_1215, %parallel_loop3A_1223 : i32
        %parallel_loop3A_1225 = arith.addi %scan3A_328, %parallel_loop3A_1224 : i32
        %parallel_loop3A_1226 = arith.index_cast %parallel_loop3A_1225 : i32 to index
        %parallel_loop3A_1227 = tpu.vector_load %arg13[%parallel_loop3A_1226] {strides = array<i32>} : memref<3760xf32, #tpu.memory_space<vmem>>, vector<16xf32>,
        %parallel_loop3A_1228 = vector.broadcast %squeeze3A_433 : f32 to vector<16xf32>
        %parallel_loop3A_1229 = arith.mulf %parallel_loop3A_1228, %parallel_loop3A_1227 : vector<16xf32>
        %parallel_loop3A_1230 = arith.addf %parallel_loop3A_1222, %parallel_loop3A_1229 : vector<16xf32>
        %parallel_loop3A_1231 = arith.constant 16 : i32
        %parallel_loop3A_1232 = arith.muli %parallel_loop3A_1215, %parallel_loop3A_1231 : i32
        %parallel_loop3A_1233 = arith.addi %scan3A_329, %parallel_loop3A_1232 : i32
        %parallel_loop3A_1234 = arith.index_cast %parallel_loop3A_1233 : i32 to index
        %parallel_loop3A_1235 = tpu.vector_load %arg14[%parallel_loop3A_1234] {strides = array<i32>} : memref<3760xf32, #tpu.memory_space<vmem>>, vector<16xf32>,
        %parallel_loop3A_1236 = vector.broadcast %squeeze3A_448 : f32 to vector<16xf32>
        %parallel_loop3A_1237 = arith.mulf %parallel_loop3A_1236, %parallel_loop3A_1235 : vector<16xf32>
        %parallel_loop3A_1238 = arith.addf %parallel_loop3A_1230, %parallel_loop3A_1237 : vector<16xf32>
        %parallel_loop3A_1239 = arith.constant 16 : i32
        %parallel_loop3A_1240 = arith.muli %parallel_loop3A_1215, %parallel_loop3A_1239 : i32
        %parallel_loop3A_1241 = arith.addi %scan3A_330, %parallel_loop3A_1240 : i32
        %parallel_loop3A_1242 = arith.index_cast %parallel_loop3A_1241 : i32 to index
        %parallel_loop3A_1243 = tpu.vector_load %arg15[%parallel_loop3A_1242] {strides = array<i32>} : memref<3760xf32, #tpu.memory_space<vmem>>, vector<16xf32>,
        %parallel_loop3A_1244 = vector.broadcast %squeeze3A_463 : f32 to vector<16xf32>
        %parallel_loop3A_1245 = arith.mulf %parallel_loop3A_1244, %parallel_loop3A_1243 : vector<16xf32>
        %parallel_loop3A_1246 = arith.addf %parallel_loop3A_1238, %parallel_loop3A_1245 : vector<16xf32>
        %parallel_loop3A_1247 = arith.constant 16 : i32
        %parallel_loop3A_1248 = arith.muli %parallel_loop3A_1215, %parallel_loop3A_1247 : i32
        %parallel_loop3A_1249 = arith.addi %scan3A_331, %parallel_loop3A_1248 : i32
        %parallel_loop3A_1250 = arith.index_cast %parallel_loop3A_1249 : i32 to index
        %parallel_loop3A_1251 = tpu.vector_load %arg16[%parallel_loop3A_1250] {strides = array<i32>} : memref<3760xf32, #tpu.memory_space<vmem>>, vector<16xf32>,
        %parallel_loop3A_1252 = vector.broadcast %squeeze3A_478 : f32 to vector<16xf32>
        %parallel_loop3A_1253 = arith.mulf %parallel_loop3A_1252, %parallel_loop3A_1251 : vector<16xf32>
        %parallel_loop3A_1254 = arith.addf %parallel_loop3A_1246, %parallel_loop3A_1253 : vector<16xf32>
        %parallel_loop3A_1255 = arith.constant 16 : i32
        %parallel_loop3A_1256 = arith.muli %parallel_loop3A_1215, %parallel_loop3A_1255 : i32
        %parallel_loop3A_1257 = arith.addi %scan3A_332, %parallel_loop3A_1256 : i32
        %parallel_loop3A_1258 = arith.index_cast %parallel_loop3A_1257 : i32 to index
        %parallel_loop3A_1259 = tpu.vector_load %arg17[%parallel_loop3A_1258] {strides = array<i32>} : memref<3760xf32, #tpu.memory_space<vmem>>, vector<16xf32>,
        %parallel_loop3A_1260 = vector.broadcast %squeeze3A_493 : f32 to vector<16xf32>
        %parallel_loop3A_1261 = arith.mulf %parallel_loop3A_1260, %parallel_loop3A_1259 : vector<16xf32>
        %parallel_loop3A_1262 = arith.addf %parallel_loop3A_1254, %parallel_loop3A_1261 : vector<16xf32>
        %parallel_loop3A_1263 = arith.constant 16 : i32
        %parallel_loop3A_1264 = arith.muli %parallel_loop3A_1215, %parallel_loop3A_1263 : i32
        %parallel_loop3A_1265 = arith.addi %scan3A_333, %parallel_loop3A_1264 : i32
        %parallel_loop3A_1266 = arith.index_cast %parallel_loop3A_1265 : i32 to index
        %parallel_loop3A_1267 = tpu.vector_load %arg18[%parallel_loop3A_1266] {strides = array<i32>} : memref<3760xf32, #tpu.memory_space<vmem>>, vector<16xf32>,
        %parallel_loop3A_1268 = vector.broadcast %squeeze3A_508 : f32 to vector<16xf32>
        %parallel_loop3A_1269 = arith.mulf %parallel_loop3A_1268, %parallel_loop3A_1267 : vector<16xf32>
        %parallel_loop3A_1270 = arith.addf %parallel_loop3A_1262, %parallel_loop3A_1269 : vector<16xf32>
        %parallel_loop3A_1271 = arith.constant 16 : i32
        %parallel_loop3A_1272 = arith.muli %parallel_loop3A_1215, %parallel_loop3A_1271 : i32
        %parallel_loop3A_1273 = arith.addi %scan3A_334, %parallel_loop3A_1272 : i32
        %parallel_loop3A_1274 = arith.index_cast %parallel_loop3A_1273 : i32 to index
        %parallel_loop3A_1275 = tpu.vector_load %arg19[%parallel_loop3A_1274] {strides = array<i32>} : memref<3760xf32, #tpu.memory_space<vmem>>, vector<16xf32>,
        %parallel_loop3A_1276 = vector.broadcast %squeeze3A_523 : f32 to vector<16xf32>
        %parallel_loop3A_1277 = arith.mulf %parallel_loop3A_1276, %parallel_loop3A_1275 : vector<16xf32>
        %parallel_loop3A_1278 = arith.addf %parallel_loop3A_1270, %parallel_loop3A_1277 : vector<16xf32>
        %parallel_loop3A_1279 = arith.constant 16 : i32
        %parallel_loop3A_1280 = arith.muli %parallel_loop3A_1215, %parallel_loop3A_1279 : i32
        %parallel_loop3A_1281 = arith.index_cast %parallel_loop3A_1280 : i32 to index
        %parallel_loop3A_1282 = tpu.vector_load %arg10[%parallel_loop3A_1281] {strides = array<i32>} : memref<3232xf32, #tpu.memory_space<vmem>>, vector<16xf32>,
        tpu.vector_store %arg10[%parallel_loop3A_1281], %parallel_loop3A_1278 {add = true, strides = array<i32>} : memref<3232xf32, #tpu.memory_space<vmem>>, vector<16xf32>,
      } {sc.loop_unroll_factor = 4 : i64, sc.parallel_access}
      %eq3A_527 = arith.constant 0 : i32
      %eq3A_528 = arith.cmpi eq, %scan3A_326, %eq3A_527 : i32
      %convert_element_type3A_529 = arith.extui %eq3A_528 : i1 to i32
      %cond3A_530 = arith.constant 0 : i32
      %cond3A_531 = arith.cmpi ne, %convert_element_type3A_529, %cond3A_530 : i32
      scf.if %cond3A_531 {
        %get3A_1215 = arith.constant 256 : index
        %get3A_1216 = tpu.vector_load %arg9[%get3A_1215] {strides = array<i32>} : memref<288xf32, #tpu.memory_space<vmem>>, vector<16xf32>,
        %slice3A_1217 = vector.extract_strided_slice %get3A_1216 {offsets = [0], sizes = [1], strides = [1]} : vector<16xf32> to vector<1xf32>
        %squeeze3A_1218 = vector.extract %slice3A_1217[0] : f32 from vector<1xf32>
        %parallel_loop3A_1219 = arith.constant 0 : i32
        %parallel_loop3A_1220 = arith.constant 202 : i32
        %parallel_loop3A_1221 = arith.constant 1 : i32
        scf.for %parallel_loop3A_1222 = %parallel_loop3A_1219 to %parallel_loop3A_1220 step %parallel_loop3A_1221  : i32 {
          %parallel_loop3A_1223 = arith.constant 16 : i32
          %parallel_loop3A_1224 = arith.muli %parallel_loop3A_1222, %parallel_loop3A_1223 : i32
          %parallel_loop3A_1225 = arith.addi %scan3A_327, %parallel_loop3A_1224 : i32
          %parallel_loop3A_1226 = arith.index_cast %parallel_loop3A_1225 : i32 to index
          %parallel_loop3A_1227 = tpu.vector_load %arg12[%parallel_loop3A_1226] {strides = array<i32>} : memref<3760xf32, #tpu.memory_space<vmem>>, vector<16xf32>,
          %parallel_loop3A_1228 = arith.constant 16 : i32
          %parallel_loop3A_1229 = arith.muli %parallel_loop3A_1222, %parallel_loop3A_1228 : i32
          %parallel_loop3A_1230 = vector.broadcast %squeeze3A_1218 : f32 to vector<16xf32>
          %parallel_loop3A_1231 = arith.mulf %parallel_loop3A_1230, %parallel_loop3A_1227 : vector<16xf32>
          %parallel_loop3A_1232 = arith.index_cast %parallel_loop3A_1229 : i32 to index
          %parallel_loop3A_1233 = tpu.vector_load %arg11[%parallel_loop3A_1232] {strides = array<i32>} : memref<3232xf32, #tpu.memory_space<vmem>>, vector<16xf32>,
          tpu.vector_store %arg11[%parallel_loop3A_1232], %parallel_loop3A_1231 {add = true, strides = array<i32>} : memref<3232xf32, #tpu.memory_space<vmem>>, vector<16xf32>,
        } {sc.loop_unroll_factor = 8 : i64, sc.parallel_access}
      } else {
      }
      %mul3A_532 = arith.constant 16 : i32
      %mul3A_533 = arith.muli %scan3A_326, %mul3A_532 : i32
      %add3A_534 = arith.constant 0 : i32
      %add3A_535 = arith.addi %mul3A_533, %add3A_534 : i32
      %add3A_536 = arith.constant 0 : i32
      %add3A_537 = arith.addi %add3A_535, %add3A_536 : i32
      %add3A_538 = arith.constant 16 : i32
      %add3A_539 = arith.addi %add3A_537, %add3A_538 : i32
      %lt3A_540 = arith.constant 64 : i32
      %lt3A_541 = arith.cmpi slt, %add3A_539, %lt3A_540 : i32
      %add3A_542 = arith.constant 48 : i32
      %add3A_543 = arith.addi %add3A_539, %add3A_542 : i32
      %select_n3A_544 = arith.select %lt3A_541, %add3A_539, %add3A_543 : i32
      %get3A_545 = arith.index_cast %select_n3A_544 : i32 to index
      %get3A_546 = tpu.vector_load %arg8[%get3A_545] {strides = array<i32>} : memref<288xi32, #tpu.memory_space<vmem>>, vector<16xi32>,
      %slice3A_547 = vector.extract_strided_slice %get3A_546 {offsets = [0], sizes = [1], strides = [1]} : vector<16xi32> to vector<1xi32>
      %squeeze3A_548 = vector.extract %slice3A_547[0] : i32 from vector<1xi32>
      %add3A_549 = arith.addi %squeeze3A_548, %multiple_of3A : i32
      %shift_right_arithmetic3A_550 = arith.constant 3 : i32
      %shift_right_arithmetic3A_551 = arith.shrsi %add3A_549, %shift_right_arithmetic3A_550 : i32
      %shift_left3A_552 = arith.constant 3 : i32
      %shift_left3A_553 = arith.shli %shift_right_arithmetic3A_551, %shift_left3A_552 : i32
      %min3A_554 = arith.constant 24996752 : i32
      %min3A_555 = arith.minsi %shift_left3A_553, %min3A_554 : i32
      %multiple_of3A_556 = tpu.assume_multiple %min3A_555, 8 : i32
      %sub3A_557 = arith.subi %add3A_549, %multiple_of3A_556 : i32
      %lt3A_558 = arith.constant 208 : i32
      %lt3A_559 = arith.cmpi slt, %add3A_539, %lt3A_558 : i32
      %convert_element_type3A_560 = arith.extui %lt3A_559 : i1 to i32
      %cond3A_561 = arith.constant 0 : i32
      %cond3A_562 = arith.cmpi ne, %convert_element_type3A_560, %cond3A_561 : i32
      scf.if %cond3A_562 {
        %dma_start3A_1215 = arith.constant 0 : i32
        %dma_start3A_1216 = tpu.memref_slice %arg12[%dma_start3A_1215] : memref<3760xf32, #tpu.memory_space<vmem>> -> memref<3248xf32, #tpu.memory_space<vmem>>
        %dma_start3A_1217 = tpu.memref_slice %arg2[%multiple_of3A_556] : memref<25000000xf32, #tpu.memory_space<hbm>> -> memref<3248xf32, #tpu.memory_space<hbm>>
        %dma_start3A_1218 = arith.constant 0 : i32
        %dma_start3A_1219 = tpu.memref_slice %arg12[%dma_start3A_1218] : memref<3760xf32, #tpu.memory_space<vmem>> -> memref<3248xf32, #tpu.memory_space<vmem>>
        %dma_start3A_1220 = tpu.memref_slice %arg2[%multiple_of3A_556] : memref<25000000xf32, #tpu.memory_space<hbm>> -> memref<3248xf32, #tpu.memory_space<hbm>>
        tpu.enqueue_dma source(%dma_start3A_1220 : memref<3248xf32, #tpu.memory_space<hbm>>) target(%dma_start3A_1219 : memref<3248xf32, #tpu.memory_space<vmem>>) target_semaphore(%arg28 : memref<!tpu.dma_semaphore, #tpu.memory_space<semaphore_mem>>)
      } else {
      }
      %mul3A_563 = arith.constant 16 : i32
      %mul3A_564 = arith.muli %scan3A_326, %mul3A_563 : i32
      %add3A_565 = arith.constant 0 : i32
      %add3A_566 = arith.addi %mul3A_564, %add3A_565 : i32
      %add3A_567 = arith.constant 1 : i32
      %add3A_568 = arith.addi %add3A_566, %add3A_567 : i32
      %add3A_569 = arith.constant 16 : i32
      %add3A_570 = arith.addi %add3A_568, %add3A_569 : i32
      %lt3A_571 = arith.constant 64 : i32
      %lt3A_572 = arith.cmpi slt, %add3A_570, %lt3A_571 : i32
      %add3A_573 = arith.constant 48 : i32
      %add3A_574 = arith.addi %add3A_570, %add3A_573 : i32
      %select_n3A_575 = arith.select %lt3A_572, %add3A_570, %add3A_574 : i32
      %get3A_576 = arith.index_cast %select_n3A_575 : i32 to index
      %get3A_577 = tpu.vector_load %arg8[%get3A_576] {strides = array<i32>} : memref<288xi32, #tpu.memory_space<vmem>>, vector<16xi32>,
      %slice3A_578 = vector.extract_strided_slice %get3A_577 {offsets = [0], sizes = [1], strides = [1]} : vector<16xi32> to vector<1xi32>
      %squeeze3A_579 = vector.extract %slice3A_578[0] : i32 from vector<1xi32>
      %add3A_580 = arith.addi %squeeze3A_579, %multiple_of3A : i32
      %shift_right_arithmetic3A_581 = arith.constant 3 : i32
      %shift_right_arithmetic3A_582 = arith.shrsi %add3A_580, %shift_right_arithmetic3A_581 : i32
      %shift_left3A_583 = arith.constant 3 : i32
      %shift_left3A_584 = arith.shli %shift_right_arithmetic3A_582, %shift_left3A_583 : i32
      %min3A_585 = arith.constant 24996752 : i32
      %min3A_586 = arith.minsi %shift_left3A_584, %min3A_585 : i32
      %multiple_of3A_587 = tpu.assume_multiple %min3A_586, 8 : i32
      %sub3A_588 = arith.subi %add3A_580, %multiple_of3A_587 : i32
      %lt3A_589 = arith.constant 208 : i32
      %lt3A_590 = arith.cmpi slt, %add3A_570, %lt3A_589 : i32
      %convert_element_type3A_591 = arith.extui %lt3A_590 : i1 to i32
      %cond3A_592 = arith.constant 0 : i32
      %cond3A_593 = arith.cmpi ne, %convert_element_type3A_591, %cond3A_592 : i32
      scf.if %cond3A_593 {
        %dma_start3A_1215 = arith.constant 0 : i32
        %dma_start3A_1216 = tpu.memref_slice %arg13[%dma_start3A_1215] : memref<3760xf32, #tpu.memory_space<vmem>> -> memref<3248xf32, #tpu.memory_space<vmem>>
        %dma_start3A_1217 = tpu.memref_slice %arg2[%multiple_of3A_587] : memref<25000000xf32, #tpu.memory_space<hbm>> -> memref<3248xf32, #tpu.memory_space<hbm>>
        %dma_start3A_1218 = arith.constant 0 : i32
        %dma_start3A_1219 = tpu.memref_slice %arg13[%dma_start3A_1218] : memref<3760xf32, #tpu.memory_space<vmem>> -> memref<3248xf32, #tpu.memory_space<vmem>>
        %dma_start3A_1220 = tpu.memref_slice %arg2[%multiple_of3A_587] : memref<25000000xf32, #tpu.memory_space<hbm>> -> memref<3248xf32, #tpu.memory_space<hbm>>
        tpu.enqueue_dma source(%dma_start3A_1220 : memref<3248xf32, #tpu.memory_space<hbm>>) target(%dma_start3A_1219 : memref<3248xf32, #tpu.memory_space<vmem>>) target_semaphore(%arg29 : memref<!tpu.dma_semaphore, #tpu.memory_space<semaphore_mem>>)
      } else {
      }
      %mul3A_594 = arith.constant 16 : i32
      %mul3A_595 = arith.muli %scan3A_326, %mul3A_594 : i32
      %add3A_596 = arith.constant 0 : i32
      %add3A_597 = arith.addi %mul3A_595, %add3A_596 : i32
      %add3A_598 = arith.constant 2 : i32
      %add3A_599 = arith.addi %add3A_597, %add3A_598 : i32
      %add3A_600 = arith.constant 16 : i32
      %add3A_601 = arith.addi %add3A_599, %add3A_600 : i32
      %lt3A_602 = arith.constant 64 : i32
      %lt3A_603 = arith.cmpi slt, %add3A_601, %lt3A_602 : i32
      %add3A_604 = arith.constant 48 : i32
      %add3A_605 = arith.addi %add3A_601, %add3A_604 : i32
      %select_n3A_606 = arith.select %lt3A_603, %add3A_601, %add3A_605 : i32
      %get3A_607 = arith.index_cast %select_n3A_606 : i32 to index
      %get3A_608 = tpu.vector_load %arg8[%get3A_607] {strides = array<i32>} : memref<288xi32, #tpu.memory_space<vmem>>, vector<16xi32>,
      %slice3A_609 = vector.extract_strided_slice %get3A_608 {offsets = [0], sizes = [1], strides = [1]} : vector<16xi32> to vector<1xi32>
      %squeeze3A_610 = vector.extract %slice3A_609[0] : i32 from vector<1xi32>
      %add3A_611 = arith.addi %squeeze3A_610, %multiple_of3A : i32
      %shift_right_arithmetic3A_612 = arith.constant 3 : i32
      %shift_right_arithmetic3A_613 = arith.shrsi %add3A_611, %shift_right_arithmetic3A_612 : i32
      %shift_left3A_614 = arith.constant 3 : i32
      %shift_left3A_615 = arith.shli %shift_right_arithmetic3A_613, %shift_left3A_614 : i32
      %min3A_616 = arith.constant 24996752 : i32
      %min3A_617 = arith.minsi %shift_left3A_615, %min3A_616 : i32
      %multiple_of3A_618 = tpu.assume_multiple %min3A_617, 8 : i32
      %sub3A_619 = arith.subi %add3A_611, %multiple_of3A_618 : i32
      %lt3A_620 = arith.constant 208 : i32
      %lt3A_621 = arith.cmpi slt, %add3A_601, %lt3A_620 : i32
      %convert_element_type3A_622 = arith.extui %lt3A_621 : i1 to i32
      %cond3A_623 = arith.constant 0 : i32
      %cond3A_624 = arith.cmpi ne, %convert_element_type3A_622, %cond3A_623 : i32
      scf.if %cond3A_624 {
        %dma_start3A_1215 = arith.constant 0 : i32
        %dma_start3A_1216 = tpu.memref_slice %arg14[%dma_start3A_1215] : memref<3760xf32, #tpu.memory_space<vmem>> -> memref<3248xf32, #tpu.memory_space<vmem>>
        %dma_start3A_1217 = tpu.memref_slice %arg2[%multiple_of3A_618] : memref<25000000xf32, #tpu.memory_space<hbm>> -> memref<3248xf32, #tpu.memory_space<hbm>>
        %dma_start3A_1218 = arith.constant 0 : i32
        %dma_start3A_1219 = tpu.memref_slice %arg14[%dma_start3A_1218] : memref<3760xf32, #tpu.memory_space<vmem>> -> memref<3248xf32, #tpu.memory_space<vmem>>
        %dma_start3A_1220 = tpu.memref_slice %arg2[%multiple_of3A_618] : memref<25000000xf32, #tpu.memory_space<hbm>> -> memref<3248xf32, #tpu.memory_space<hbm>>
        tpu.enqueue_dma source(%dma_start3A_1220 : memref<3248xf32, #tpu.memory_space<hbm>>) target(%dma_start3A_1219 : memref<3248xf32, #tpu.memory_space<vmem>>) target_semaphore(%arg30 : memref<!tpu.dma_semaphore, #tpu.memory_space<semaphore_mem>>)
      } else {
      }
      %mul3A_625 = arith.constant 16 : i32
      %mul3A_626 = arith.muli %scan3A_326, %mul3A_625 : i32
      %add3A_627 = arith.constant 0 : i32
      %add3A_628 = arith.addi %mul3A_626, %add3A_627 : i32
      %add3A_629 = arith.constant 3 : i32
      %add3A_630 = arith.addi %add3A_628, %add3A_629 : i32
      %add3A_631 = arith.constant 16 : i32
      %add3A_632 = arith.addi %add3A_630, %add3A_631 : i32
      %lt3A_633 = arith.constant 64 : i32
      %lt3A_634 = arith.cmpi slt, %add3A_632, %lt3A_633 : i32
      %add3A_635 = arith.constant 48 : i32
      %add3A_636 = arith.addi %add3A_632, %add3A_635 : i32
      %select_n3A_637 = arith.select %lt3A_634, %add3A_632, %add3A_636 : i32
      %get3A_638 = arith.index_cast %select_n3A_637 : i32 to index
      %get3A_639 = tpu.vector_load %arg8[%get3A_638] {strides = array<i32>} : memref<288xi32, #tpu.memory_space<vmem>>, vector<16xi32>,
      %slice3A_640 = vector.extract_strided_slice %get3A_639 {offsets = [0], sizes = [1], strides = [1]} : vector<16xi32> to vector<1xi32>
      %squeeze3A_641 = vector.extract %slice3A_640[0] : i32 from vector<1xi32>
      %add3A_642 = arith.addi %squeeze3A_641, %multiple_of3A : i32
      %shift_right_arithmetic3A_643 = arith.constant 3 : i32
      %shift_right_arithmetic3A_644 = arith.shrsi %add3A_642, %shift_right_arithmetic3A_643 : i32
      %shift_left3A_645 = arith.constant 3 : i32
      %shift_left3A_646 = arith.shli %shift_right_arithmetic3A_644, %shift_left3A_645 : i32
      %min3A_647 = arith.constant 24996752 : i32
      %min3A_648 = arith.minsi %shift_left3A_646, %min3A_647 : i32
      %multiple_of3A_649 = tpu.assume_multiple %min3A_648, 8 : i32
      %sub3A_650 = arith.subi %add3A_642, %multiple_of3A_649 : i32
      %lt3A_651 = arith.constant 208 : i32
      %lt3A_652 = arith.cmpi slt, %add3A_632, %lt3A_651 : i32
      %convert_element_type3A_653 = arith.extui %lt3A_652 : i1 to i32
      %cond3A_654 = arith.constant 0 : i32
      %cond3A_655 = arith.cmpi ne, %convert_element_type3A_653, %cond3A_654 : i32
      scf.if %cond3A_655 {
        %dma_start3A_1215 = arith.constant 0 : i32
        %dma_start3A_1216 = tpu.memref_slice %arg15[%dma_start3A_1215] : memref<3760xf32, #tpu.memory_space<vmem>> -> memref<3248xf32, #tpu.memory_space<vmem>>
        %dma_start3A_1217 = tpu.memref_slice %arg2[%multiple_of3A_649] : memref<25000000xf32, #tpu.memory_space<hbm>> -> memref<3248xf32, #tpu.memory_space<hbm>>
        %dma_start3A_1218 = arith.constant 0 : i32
        %dma_start3A_1219 = tpu.memref_slice %arg15[%dma_start3A_1218] : memref<3760xf32, #tpu.memory_space<vmem>> -> memref<3248xf32, #tpu.memory_space<vmem>>
        %dma_start3A_1220 = tpu.memref_slice %arg2[%multiple_of3A_649] : memref<25000000xf32, #tpu.memory_space<hbm>> -> memref<3248xf32, #tpu.memory_space<hbm>>
        tpu.enqueue_dma source(%dma_start3A_1220 : memref<3248xf32, #tpu.memory_space<hbm>>) target(%dma_start3A_1219 : memref<3248xf32, #tpu.memory_space<vmem>>) target_semaphore(%arg31 : memref<!tpu.dma_semaphore, #tpu.memory_space<semaphore_mem>>)
      } else {
      }
      %mul3A_656 = arith.constant 16 : i32
      %mul3A_657 = arith.muli %scan3A_326, %mul3A_656 : i32
      %add3A_658 = arith.constant 0 : i32
      %add3A_659 = arith.addi %mul3A_657, %add3A_658 : i32
      %add3A_660 = arith.constant 4 : i32
      %add3A_661 = arith.addi %add3A_659, %add3A_660 : i32
      %add3A_662 = arith.constant 16 : i32
      %add3A_663 = arith.addi %add3A_661, %add3A_662 : i32
      %lt3A_664 = arith.constant 64 : i32
      %lt3A_665 = arith.cmpi slt, %add3A_663, %lt3A_664 : i32
      %add3A_666 = arith.constant 48 : i32
      %add3A_667 = arith.addi %add3A_663, %add3A_666 : i32
      %select_n3A_668 = arith.select %lt3A_665, %add3A_663, %add3A_667 : i32
      %get3A_669 = arith.index_cast %select_n3A_668 : i32 to index
      %get3A_670 = tpu.vector_load %arg8[%get3A_669] {strides = array<i32>} : memref<288xi32, #tpu.memory_space<vmem>>, vector<16xi32>,
      %slice3A_671 = vector.extract_strided_slice %get3A_670 {offsets = [0], sizes = [1], strides = [1]} : vector<16xi32> to vector<1xi32>
      %squeeze3A_672 = vector.extract %slice3A_671[0] : i32 from vector<1xi32>
      %add3A_673 = arith.addi %squeeze3A_672, %multiple_of3A : i32
      %shift_right_arithmetic3A_674 = arith.constant 3 : i32
      %shift_right_arithmetic3A_675 = arith.shrsi %add3A_673, %shift_right_arithmetic3A_674 : i32
      %shift_left3A_676 = arith.constant 3 : i32
      %shift_left3A_677 = arith.shli %shift_right_arithmetic3A_675, %shift_left3A_676 : i32
      %min3A_678 = arith.constant 24996752 : i32
      %min3A_679 = arith.minsi %shift_left3A_677, %min3A_678 : i32
      %multiple_of3A_680 = tpu.assume_multiple %min3A_679, 8 : i32
      %sub3A_681 = arith.subi %add3A_673, %multiple_of3A_680 : i32
      %lt3A_682 = arith.constant 208 : i32
      %lt3A_683 = arith.cmpi slt, %add3A_663, %lt3A_682 : i32
      %convert_element_type3A_684 = arith.extui %lt3A_683 : i1 to i32
      %cond3A_685 = arith.constant 0 : i32
      %cond3A_686 = arith.cmpi ne, %convert_element_type3A_684, %cond3A_685 : i32
      scf.if %cond3A_686 {
        %dma_start3A_1215 = arith.constant 0 : i32
        %dma_start3A_1216 = tpu.memref_slice %arg16[%dma_start3A_1215] : memref<3760xf32, #tpu.memory_space<vmem>> -> memref<3248xf32, #tpu.memory_space<vmem>>
        %dma_start3A_1217 = tpu.memref_slice %arg2[%multiple_of3A_680] : memref<25000000xf32, #tpu.memory_space<hbm>> -> memref<3248xf32, #tpu.memory_space<hbm>>
        %dma_start3A_1218 = arith.constant 0 : i32
        %dma_start3A_1219 = tpu.memref_slice %arg16[%dma_start3A_1218] : memref<3760xf32, #tpu.memory_space<vmem>> -> memref<3248xf32, #tpu.memory_space<vmem>>
        %dma_start3A_1220 = tpu.memref_slice %arg2[%multiple_of3A_680] : memref<25000000xf32, #tpu.memory_space<hbm>> -> memref<3248xf32, #tpu.memory_space<hbm>>
        tpu.enqueue_dma source(%dma_start3A_1220 : memref<3248xf32, #tpu.memory_space<hbm>>) target(%dma_start3A_1219 : memref<3248xf32, #tpu.memory_space<vmem>>) target_semaphore(%arg32 : memref<!tpu.dma_semaphore, #tpu.memory_space<semaphore_mem>>)
      } else {
      }
      %mul3A_687 = arith.constant 16 : i32
      %mul3A_688 = arith.muli %scan3A_326, %mul3A_687 : i32
      %add3A_689 = arith.constant 0 : i32
      %add3A_690 = arith.addi %mul3A_688, %add3A_689 : i32
      %add3A_691 = arith.constant 5 : i32
      %add3A_692 = arith.addi %add3A_690, %add3A_691 : i32
      %add3A_693 = arith.constant 16 : i32
      %add3A_694 = arith.addi %add3A_692, %add3A_693 : i32
      %lt3A_695 = arith.constant 64 : i32
      %lt3A_696 = arith.cmpi slt, %add3A_694, %lt3A_695 : i32
      %add3A_697 = arith.constant 48 : i32
      %add3A_698 = arith.addi %add3A_694, %add3A_697 : i32
      %select_n3A_699 = arith.select %lt3A_696, %add3A_694, %add3A_698 : i32
      %get3A_700 = arith.index_cast %select_n3A_699 : i32 to index
      %get3A_701 = tpu.vector_load %arg8[%get3A_700] {strides = array<i32>} : memref<288xi32, #tpu.memory_space<vmem>>, vector<16xi32>,
      %slice3A_702 = vector.extract_strided_slice %get3A_701 {offsets = [0], sizes = [1], strides = [1]} : vector<16xi32> to vector<1xi32>
      %squeeze3A_703 = vector.extract %slice3A_702[0] : i32 from vector<1xi32>
      %add3A_704 = arith.addi %squeeze3A_703, %multiple_of3A : i32
      %shift_right_arithmetic3A_705 = arith.constant 3 : i32
      %shift_right_arithmetic3A_706 = arith.shrsi %add3A_704, %shift_right_arithmetic3A_705 : i32
      %shift_left3A_707 = arith.constant 3 : i32
      %shift_left3A_708 = arith.shli %shift_right_arithmetic3A_706, %shift_left3A_707 : i32
      %min3A_709 = arith.constant 24996752 : i32
      %min3A_710 = arith.minsi %shift_left3A_708, %min3A_709 : i32
      %multiple_of3A_711 = tpu.assume_multiple %min3A_710, 8 : i32
      %sub3A_712 = arith.subi %add3A_704, %multiple_of3A_711 : i32
      %lt3A_713 = arith.constant 208 : i32
      %lt3A_714 = arith.cmpi slt, %add3A_694, %lt3A_713 : i32
      %convert_element_type3A_715 = arith.extui %lt3A_714 : i1 to i32
      %cond3A_716 = arith.constant 0 : i32
      %cond3A_717 = arith.cmpi ne, %convert_element_type3A_715, %cond3A_716 : i32
      scf.if %cond3A_717 {
        %dma_start3A_1215 = arith.constant 0 : i32
        %dma_start3A_1216 = tpu.memref_slice %arg17[%dma_start3A_1215] : memref<3760xf32, #tpu.memory_space<vmem>> -> memref<3248xf32, #tpu.memory_space<vmem>>
        %dma_start3A_1217 = tpu.memref_slice %arg2[%multiple_of3A_711] : memref<25000000xf32, #tpu.memory_space<hbm>> -> memref<3248xf32, #tpu.memory_space<hbm>>
        %dma_start3A_1218 = arith.constant 0 : i32
        %dma_start3A_1219 = tpu.memref_slice %arg17[%dma_start3A_1218] : memref<3760xf32, #tpu.memory_space<vmem>> -> memref<3248xf32, #tpu.memory_space<vmem>>
        %dma_start3A_1220 = tpu.memref_slice %arg2[%multiple_of3A_711] : memref<25000000xf32, #tpu.memory_space<hbm>> -> memref<3248xf32, #tpu.memory_space<hbm>>
        tpu.enqueue_dma source(%dma_start3A_1220 : memref<3248xf32, #tpu.memory_space<hbm>>) target(%dma_start3A_1219 : memref<3248xf32, #tpu.memory_space<vmem>>) target_semaphore(%arg33 : memref<!tpu.dma_semaphore, #tpu.memory_space<semaphore_mem>>)
      } else {
      }
      %mul3A_718 = arith.constant 16 : i32
      %mul3A_719 = arith.muli %scan3A_326, %mul3A_718 : i32
      %add3A_720 = arith.constant 0 : i32
      %add3A_721 = arith.addi %mul3A_719, %add3A_720 : i32
      %add3A_722 = arith.constant 6 : i32
      %add3A_723 = arith.addi %add3A_721, %add3A_722 : i32
      %add3A_724 = arith.constant 16 : i32
      %add3A_725 = arith.addi %add3A_723, %add3A_724 : i32
      %lt3A_726 = arith.constant 64 : i32
      %lt3A_727 = arith.cmpi slt, %add3A_725, %lt3A_726 : i32
      %add3A_728 = arith.constant 48 : i32
      %add3A_729 = arith.addi %add3A_725, %add3A_728 : i32
      %select_n3A_730 = arith.select %lt3A_727, %add3A_725, %add3A_729 : i32
      %get3A_731 = arith.index_cast %select_n3A_730 : i32 to index
      %get3A_732 = tpu.vector_load %arg8[%get3A_731] {strides = array<i32>} : memref<288xi32, #tpu.memory_space<vmem>>, vector<16xi32>,
      %slice3A_733 = vector.extract_strided_slice %get3A_732 {offsets = [0], sizes = [1], strides = [1]} : vector<16xi32> to vector<1xi32>
      %squeeze3A_734 = vector.extract %slice3A_733[0] : i32 from vector<1xi32>
      %add3A_735 = arith.addi %squeeze3A_734, %multiple_of3A : i32
      %shift_right_arithmetic3A_736 = arith.constant 3 : i32
      %shift_right_arithmetic3A_737 = arith.shrsi %add3A_735, %shift_right_arithmetic3A_736 : i32
      %shift_left3A_738 = arith.constant 3 : i32
      %shift_left3A_739 = arith.shli %shift_right_arithmetic3A_737, %shift_left3A_738 : i32
      %min3A_740 = arith.constant 24996752 : i32
      %min3A_741 = arith.minsi %shift_left3A_739, %min3A_740 : i32
      %multiple_of3A_742 = tpu.assume_multiple %min3A_741, 8 : i32
      %sub3A_743 = arith.subi %add3A_735, %multiple_of3A_742 : i32
      %lt3A_744 = arith.constant 208 : i32
      %lt3A_745 = arith.cmpi slt, %add3A_725, %lt3A_744 : i32
      %convert_element_type3A_746 = arith.extui %lt3A_745 : i1 to i32
      %cond3A_747 = arith.constant 0 : i32
      %cond3A_748 = arith.cmpi ne, %convert_element_type3A_746, %cond3A_747 : i32
      scf.if %cond3A_748 {
        %dma_start3A_1215 = arith.constant 0 : i32
        %dma_start3A_1216 = tpu.memref_slice %arg18[%dma_start3A_1215] : memref<3760xf32, #tpu.memory_space<vmem>> -> memref<3248xf32, #tpu.memory_space<vmem>>
        %dma_start3A_1217 = tpu.memref_slice %arg2[%multiple_of3A_742] : memref<25000000xf32, #tpu.memory_space<hbm>> -> memref<3248xf32, #tpu.memory_space<hbm>>
        %dma_start3A_1218 = arith.constant 0 : i32
        %dma_start3A_1219 = tpu.memref_slice %arg18[%dma_start3A_1218] : memref<3760xf32, #tpu.memory_space<vmem>> -> memref<3248xf32, #tpu.memory_space<vmem>>
        %dma_start3A_1220 = tpu.memref_slice %arg2[%multiple_of3A_742] : memref<25000000xf32, #tpu.memory_space<hbm>> -> memref<3248xf32, #tpu.memory_space<hbm>>
        tpu.enqueue_dma source(%dma_start3A_1220 : memref<3248xf32, #tpu.memory_space<hbm>>) target(%dma_start3A_1219 : memref<3248xf32, #tpu.memory_space<vmem>>) target_semaphore(%arg34 : memref<!tpu.dma_semaphore, #tpu.memory_space<semaphore_mem>>)
      } else {
      }
      %mul3A_749 = arith.constant 16 : i32
      %mul3A_750 = arith.muli %scan3A_326, %mul3A_749 : i32
      %add3A_751 = arith.constant 0 : i32
      %add3A_752 = arith.addi %mul3A_750, %add3A_751 : i32
      %add3A_753 = arith.constant 7 : i32
      %add3A_754 = arith.addi %add3A_752, %add3A_753 : i32
      %add3A_755 = arith.constant 16 : i32
      %add3A_756 = arith.addi %add3A_754, %add3A_755 : i32
      %lt3A_757 = arith.constant 64 : i32
      %lt3A_758 = arith.cmpi slt, %add3A_756, %lt3A_757 : i32
      %add3A_759 = arith.constant 48 : i32
      %add3A_760 = arith.addi %add3A_756, %add3A_759 : i32
      %select_n3A_761 = arith.select %lt3A_758, %add3A_756, %add3A_760 : i32
      %get3A_762 = arith.index_cast %select_n3A_761 : i32 to index
      %get3A_763 = tpu.vector_load %arg8[%get3A_762] {strides = array<i32>} : memref<288xi32, #tpu.memory_space<vmem>>, vector<16xi32>,
      %slice3A_764 = vector.extract_strided_slice %get3A_763 {offsets = [0], sizes = [1], strides = [1]} : vector<16xi32> to vector<1xi32>
      %squeeze3A_765 = vector.extract %slice3A_764[0] : i32 from vector<1xi32>
      %add3A_766 = arith.addi %squeeze3A_765, %multiple_of3A : i32
      %shift_right_arithmetic3A_767 = arith.constant 3 : i32
      %shift_right_arithmetic3A_768 = arith.shrsi %add3A_766, %shift_right_arithmetic3A_767 : i32
      %shift_left3A_769 = arith.constant 3 : i32
      %shift_left3A_770 = arith.shli %shift_right_arithmetic3A_768, %shift_left3A_769 : i32
      %min3A_771 = arith.constant 24996752 : i32
      %min3A_772 = arith.minsi %shift_left3A_770, %min3A_771 : i32
      %multiple_of3A_773 = tpu.assume_multiple %min3A_772, 8 : i32
      %sub3A_774 = arith.subi %add3A_766, %multiple_of3A_773 : i32
      %lt3A_775 = arith.constant 208 : i32
      %lt3A_776 = arith.cmpi slt, %add3A_756, %lt3A_775 : i32
      %convert_element_type3A_777 = arith.extui %lt3A_776 : i1 to i32
      %cond3A_778 = arith.constant 0 : i32
      %cond3A_779 = arith.cmpi ne, %convert_element_type3A_777, %cond3A_778 : i32
      scf.if %cond3A_779 {
        %dma_start3A_1215 = arith.constant 0 : i32
        %dma_start3A_1216 = tpu.memref_slice %arg19[%dma_start3A_1215] : memref<3760xf32, #tpu.memory_space<vmem>> -> memref<3248xf32, #tpu.memory_space<vmem>>
        %dma_start3A_1217 = tpu.memref_slice %arg2[%multiple_of3A_773] : memref<25000000xf32, #tpu.memory_space<hbm>> -> memref<3248xf32, #tpu.memory_space<hbm>>
        %dma_start3A_1218 = arith.constant 0 : i32
        %dma_start3A_1219 = tpu.memref_slice %arg19[%dma_start3A_1218] : memref<3760xf32, #tpu.memory_space<vmem>> -> memref<3248xf32, #tpu.memory_space<vmem>>
        %dma_start3A_1220 = tpu.memref_slice %arg2[%multiple_of3A_773] : memref<25000000xf32, #tpu.memory_space<hbm>> -> memref<3248xf32, #tpu.memory_space<hbm>>
        tpu.enqueue_dma source(%dma_start3A_1220 : memref<3248xf32, #tpu.memory_space<hbm>>) target(%dma_start3A_1219 : memref<3248xf32, #tpu.memory_space<vmem>>) target_semaphore(%arg35 : memref<!tpu.dma_semaphore, #tpu.memory_space<semaphore_mem>>)
      } else {
      }
      %dma_wait3A_780 = arith.constant 0 : i32
      %dma_wait3A_781 = tpu.memref_slice %arg20[%dma_wait3A_780] : memref<3760xf32, #tpu.memory_space<vmem>> -> memref<3248xf32, #tpu.memory_space<vmem>>
      %dma_wait3A_782 = arith.constant 0 : i32
      %dma_wait3A_783 = tpu.memref_slice %arg2[%dma_wait3A_782] : memref<25000000xf32, #tpu.memory_space<hbm>> -> memref<3248xf32, #tpu.memory_space<hbm>>
      %dma_wait3A_784 = arith.constant 0 : i32
      %dma_wait3A_785 = tpu.memref_slice %arg20[%dma_wait3A_784] : memref<3760xf32, #tpu.memory_space<vmem>> -> memref<3248xf32, #tpu.memory_space<vmem>>
      %dma_wait3A_786 = arith.constant 0 : i32
      %dma_wait3A_787 = tpu.memref_slice %arg2[%dma_wait3A_786] : memref<25000000xf32, #tpu.memory_space<hbm>> -> memref<3248xf32, #tpu.memory_space<hbm>>
      tpu.wait_dma2 semaphore(%arg36 : memref<!tpu.dma_semaphore, #tpu.memory_space<semaphore_mem>>) src(%dma_wait3A_787 : memref<3248xf32, #tpu.memory_space<hbm>>) dst(%dma_wait3A_785 : memref<3248xf32, #tpu.memory_space<vmem>>)
      %dma_wait3A_788 = arith.constant 0 : i32
      %dma_wait3A_789 = tpu.memref_slice %arg21[%dma_wait3A_788] : memref<3760xf32, #tpu.memory_space<vmem>> -> memref<3248xf32, #tpu.memory_space<vmem>>
      %dma_wait3A_790 = arith.constant 0 : i32
      %dma_wait3A_791 = tpu.memref_slice %arg2[%dma_wait3A_790] : memref<25000000xf32, #tpu.memory_space<hbm>> -> memref<3248xf32, #tpu.memory_space<hbm>>
      %dma_wait3A_792 = arith.constant 0 : i32
      %dma_wait3A_793 = tpu.memref_slice %arg21[%dma_wait3A_792] : memref<3760xf32, #tpu.memory_space<vmem>> -> memref<3248xf32, #tpu.memory_space<vmem>>
      %dma_wait3A_794 = arith.constant 0 : i32
      %dma_wait3A_795 = tpu.memref_slice %arg2[%dma_wait3A_794] : memref<25000000xf32, #tpu.memory_space<hbm>> -> memref<3248xf32, #tpu.memory_space<hbm>>
      tpu.wait_dma2 semaphore(%arg37 : memref<!tpu.dma_semaphore, #tpu.memory_space<semaphore_mem>>) src(%dma_wait3A_795 : memref<3248xf32, #tpu.memory_space<hbm>>) dst(%dma_wait3A_793 : memref<3248xf32, #tpu.memory_space<vmem>>)
      %dma_wait3A_796 = arith.constant 0 : i32
      %dma_wait3A_797 = tpu.memref_slice %arg22[%dma_wait3A_796] : memref<3760xf32, #tpu.memory_space<vmem>> -> memref<3248xf32, #tpu.memory_space<vmem>>
      %dma_wait3A_798 = arith.constant 0 : i32
      %dma_wait3A_799 = tpu.memref_slice %arg2[%dma_wait3A_798] : memref<25000000xf32, #tpu.memory_space<hbm>> -> memref<3248xf32, #tpu.memory_space<hbm>>
      %dma_wait3A_800 = arith.constant 0 : i32
      %dma_wait3A_801 = tpu.memref_slice %arg22[%dma_wait3A_800] : memref<3760xf32, #tpu.memory_space<vmem>> -> memref<3248xf32, #tpu.memory_space<vmem>>
      %dma_wait3A_802 = arith.constant 0 : i32
      %dma_wait3A_803 = tpu.memref_slice %arg2[%dma_wait3A_802] : memref<25000000xf32, #tpu.memory_space<hbm>> -> memref<3248xf32, #tpu.memory_space<hbm>>
      tpu.wait_dma2 semaphore(%arg38 : memref<!tpu.dma_semaphore, #tpu.memory_space<semaphore_mem>>) src(%dma_wait3A_803 : memref<3248xf32, #tpu.memory_space<hbm>>) dst(%dma_wait3A_801 : memref<3248xf32, #tpu.memory_space<vmem>>)
      %dma_wait3A_804 = arith.constant 0 : i32
      %dma_wait3A_805 = tpu.memref_slice %arg23[%dma_wait3A_804] : memref<3760xf32, #tpu.memory_space<vmem>> -> memref<3248xf32, #tpu.memory_space<vmem>>
      %dma_wait3A_806 = arith.constant 0 : i32
      %dma_wait3A_807 = tpu.memref_slice %arg2[%dma_wait3A_806] : memref<25000000xf32, #tpu.memory_space<hbm>> -> memref<3248xf32, #tpu.memory_space<hbm>>
      %dma_wait3A_808 = arith.constant 0 : i32
      %dma_wait3A_809 = tpu.memref_slice %arg23[%dma_wait3A_808] : memref<3760xf32, #tpu.memory_space<vmem>> -> memref<3248xf32, #tpu.memory_space<vmem>>
      %dma_wait3A_810 = arith.constant 0 : i32
      %dma_wait3A_811 = tpu.memref_slice %arg2[%dma_wait3A_810] : memref<25000000xf32, #tpu.memory_space<hbm>> -> memref<3248xf32, #tpu.memory_space<hbm>>
      tpu.wait_dma2 semaphore(%arg39 : memref<!tpu.dma_semaphore, #tpu.memory_space<semaphore_mem>>) src(%dma_wait3A_811 : memref<3248xf32, #tpu.memory_space<hbm>>) dst(%dma_wait3A_809 : memref<3248xf32, #tpu.memory_space<vmem>>)
      %dma_wait3A_812 = arith.constant 0 : i32
      %dma_wait3A_813 = tpu.memref_slice %arg24[%dma_wait3A_812] : memref<3760xf32, #tpu.memory_space<vmem>> -> memref<3248xf32, #tpu.memory_space<vmem>>
      %dma_wait3A_814 = arith.constant 0 : i32
      %dma_wait3A_815 = tpu.memref_slice %arg2[%dma_wait3A_814] : memref<25000000xf32, #tpu.memory_space<hbm>> -> memref<3248xf32, #tpu.memory_space<hbm>>
      %dma_wait3A_816 = arith.constant 0 : i32
      %dma_wait3A_817 = tpu.memref_slice %arg24[%dma_wait3A_816] : memref<3760xf32, #tpu.memory_space<vmem>> -> memref<3248xf32, #tpu.memory_space<vmem>>
      %dma_wait3A_818 = arith.constant 0 : i32
      %dma_wait3A_819 = tpu.memref_slice %arg2[%dma_wait3A_818] : memref<25000000xf32, #tpu.memory_space<hbm>> -> memref<3248xf32, #tpu.memory_space<hbm>>
      tpu.wait_dma2 semaphore(%arg40 : memref<!tpu.dma_semaphore, #tpu.memory_space<semaphore_mem>>) src(%dma_wait3A_819 : memref<3248xf32, #tpu.memory_space<hbm>>) dst(%dma_wait3A_817 : memref<3248xf32, #tpu.memory_space<vmem>>)
      %dma_wait3A_820 = arith.constant 0 : i32
      %dma_wait3A_821 = tpu.memref_slice %arg25[%dma_wait3A_820] : memref<3760xf32, #tpu.memory_space<vmem>> -> memref<3248xf32, #tpu.memory_space<vmem>>
      %dma_wait3A_822 = arith.constant 0 : i32
      %dma_wait3A_823 = tpu.memref_slice %arg2[%dma_wait3A_822] : memref<25000000xf32, #tpu.memory_space<hbm>> -> memref<3248xf32, #tpu.memory_space<hbm>>
      %dma_wait3A_824 = arith.constant 0 : i32
      %dma_wait3A_825 = tpu.memref_slice %arg25[%dma_wait3A_824] : memref<3760xf32, #tpu.memory_space<vmem>> -> memref<3248xf32, #tpu.memory_space<vmem>>
      %dma_wait3A_826 = arith.constant 0 : i32
      %dma_wait3A_827 = tpu.memref_slice %arg2[%dma_wait3A_826] : memref<25000000xf32, #tpu.memory_space<hbm>> -> memref<3248xf32, #tpu.memory_space<hbm>>
      tpu.wait_dma2 semaphore(%arg41 : memref<!tpu.dma_semaphore, #tpu.memory_space<semaphore_mem>>) src(%dma_wait3A_827 : memref<3248xf32, #tpu.memory_space<hbm>>) dst(%dma_wait3A_825 : memref<3248xf32, #tpu.memory_space<vmem>>)
      %dma_wait3A_828 = arith.constant 0 : i32
      %dma_wait3A_829 = tpu.memref_slice %arg26[%dma_wait3A_828] : memref<3760xf32, #tpu.memory_space<vmem>> -> memref<3248xf32, #tpu.memory_space<vmem>>
      %dma_wait3A_830 = arith.constant 0 : i32
      %dma_wait3A_831 = tpu.memref_slice %arg2[%dma_wait3A_830] : memref<25000000xf32, #tpu.memory_space<hbm>> -> memref<3248xf32, #tpu.memory_space<hbm>>
      %dma_wait3A_832 = arith.constant 0 : i32
      %dma_wait3A_833 = tpu.memref_slice %arg26[%dma_wait3A_832] : memref<3760xf32, #tpu.memory_space<vmem>> -> memref<3248xf32, #tpu.memory_space<vmem>>
      %dma_wait3A_834 = arith.constant 0 : i32
      %dma_wait3A_835 = tpu.memref_slice %arg2[%dma_wait3A_834] : memref<25000000xf32, #tpu.memory_space<hbm>> -> memref<3248xf32, #tpu.memory_space<hbm>>
      tpu.wait_dma2 semaphore(%arg42 : memref<!tpu.dma_semaphore, #tpu.memory_space<semaphore_mem>>) src(%dma_wait3A_835 : memref<3248xf32, #tpu.memory_space<hbm>>) dst(%dma_wait3A_833 : memref<3248xf32, #tpu.memory_space<vmem>>)
      %dma_wait3A_836 = arith.constant 0 : i32
      %dma_wait3A_837 = tpu.memref_slice %arg27[%dma_wait3A_836] : memref<3760xf32, #tpu.memory_space<vmem>> -> memref<3248xf32, #tpu.memory_space<vmem>>
      %dma_wait3A_838 = arith.constant 0 : i32
      %dma_wait3A_839 = tpu.memref_slice %arg2[%dma_wait3A_838] : memref<25000000xf32, #tpu.memory_space<hbm>> -> memref<3248xf32, #tpu.memory_space<hbm>>
      %dma_wait3A_840 = arith.constant 0 : i32
      %dma_wait3A_841 = tpu.memref_slice %arg27[%dma_wait3A_840] : memref<3760xf32, #tpu.memory_space<vmem>> -> memref<3248xf32, #tpu.memory_space<vmem>>
      %dma_wait3A_842 = arith.constant 0 : i32
      %dma_wait3A_843 = tpu.memref_slice %arg2[%dma_wait3A_842] : memref<25000000xf32, #tpu.memory_space<hbm>> -> memref<3248xf32, #tpu.memory_space<hbm>>
      tpu.wait_dma2 semaphore(%arg43 : memref<!tpu.dma_semaphore, #tpu.memory_space<semaphore_mem>>) src(%dma_wait3A_843 : memref<3248xf32, #tpu.memory_space<hbm>>) dst(%dma_wait3A_841 : memref<3248xf32, #tpu.memory_space<vmem>>)
      %mul3A_844 = arith.constant 16 : i32
      %mul3A_845 = arith.muli %scan3A_326, %mul3A_844 : i32
      %add3A_846 = arith.constant 8 : i32
      %add3A_847 = arith.addi %mul3A_845, %add3A_846 : i32
      %add3A_848 = arith.constant 0 : i32
      %add3A_849 = arith.addi %add3A_847, %add3A_848 : i32
      %lt3A_850 = arith.constant 64 : i32
      %lt3A_851 = arith.cmpi slt, %add3A_849, %lt3A_850 : i32
      %add3A_852 = arith.constant 48 : i32
      %add3A_853 = arith.addi %add3A_849, %add3A_852 : i32
      %select_n3A_854 = arith.select %lt3A_851, %add3A_849, %add3A_853 : i32
      %get3A_855 = arith.index_cast %select_n3A_854 : i32 to index
      %get3A_856 = tpu.vector_load %arg9[%get3A_855] {strides = array<i32>} : memref<288xf32, #tpu.memory_space<vmem>>, vector<16xf32>,
      %slice3A_857 = vector.extract_strided_slice %get3A_856 {offsets = [0], sizes = [1], strides = [1]} : vector<16xf32> to vector<1xf32>
      %squeeze3A_858 = vector.extract %slice3A_857[0] : f32 from vector<1xf32>
      %mul3A_859 = arith.constant 16 : i32
      %mul3A_860 = arith.muli %scan3A_326, %mul3A_859 : i32
      %add3A_861 = arith.constant 8 : i32
      %add3A_862 = arith.addi %mul3A_860, %add3A_861 : i32
      %add3A_863 = arith.constant 1 : i32
      %add3A_864 = arith.addi %add3A_862, %add3A_863 : i32
      %lt3A_865 = arith.constant 64 : i32
      %lt3A_866 = arith.cmpi slt, %add3A_864, %lt3A_865 : i32
      %add3A_867 = arith.constant 48 : i32
      %add3A_868 = arith.addi %add3A_864, %add3A_867 : i32
      %select_n3A_869 = arith.select %lt3A_866, %add3A_864, %add3A_868 : i32
      %get3A_870 = arith.index_cast %select_n3A_869 : i32 to index
      %get3A_871 = tpu.vector_load %arg9[%get3A_870] {strides = array<i32>} : memref<288xf32, #tpu.memory_space<vmem>>, vector<16xf32>,
      %slice3A_872 = vector.extract_strided_slice %get3A_871 {offsets = [0], sizes = [1], strides = [1]} : vector<16xf32> to vector<1xf32>
      %squeeze3A_873 = vector.extract %slice3A_872[0] : f32 from vector<1xf32>
      %mul3A_874 = arith.constant 16 : i32
      %mul3A_875 = arith.muli %scan3A_326, %mul3A_874 : i32
      %add3A_876 = arith.constant 8 : i32
      %add3A_877 = arith.addi %mul3A_875, %add3A_876 : i32
      %add3A_878 = arith.constant 2 : i32
      %add3A_879 = arith.addi %add3A_877, %add3A_878 : i32
      %lt3A_880 = arith.constant 64 : i32
      %lt3A_881 = arith.cmpi slt, %add3A_879, %lt3A_880 : i32
      %add3A_882 = arith.constant 48 : i32
      %add3A_883 = arith.addi %add3A_879, %add3A_882 : i32
      %select_n3A_884 = arith.select %lt3A_881, %add3A_879, %add3A_883 : i32
      %get3A_885 = arith.index_cast %select_n3A_884 : i32 to index
      %get3A_886 = tpu.vector_load %arg9[%get3A_885] {strides = array<i32>} : memref<288xf32, #tpu.memory_space<vmem>>, vector<16xf32>,
      %slice3A_887 = vector.extract_strided_slice %get3A_886 {offsets = [0], sizes = [1], strides = [1]} : vector<16xf32> to vector<1xf32>
      %squeeze3A_888 = vector.extract %slice3A_887[0] : f32 from vector<1xf32>
      %mul3A_889 = arith.constant 16 : i32
      %mul3A_890 = arith.muli %scan3A_326, %mul3A_889 : i32
      %add3A_891 = arith.constant 8 : i32
      %add3A_892 = arith.addi %mul3A_890, %add3A_891 : i32
      %add3A_893 = arith.constant 3 : i32
      %add3A_894 = arith.addi %add3A_892, %add3A_893 : i32
      %lt3A_895 = arith.constant 64 : i32
      %lt3A_896 = arith.cmpi slt, %add3A_894, %lt3A_895 : i32
      %add3A_897 = arith.constant 48 : i32
      %add3A_898 = arith.addi %add3A_894, %add3A_897 : i32
      %select_n3A_899 = arith.select %lt3A_896, %add3A_894, %add3A_898 : i32
      %get3A_900 = arith.index_cast %select_n3A_899 : i32 to index
      %get3A_901 = tpu.vector_load %arg9[%get3A_900] {strides = array<i32>} : memref<288xf32, #tpu.memory_space<vmem>>, vector<16xf32>,
      %slice3A_902 = vector.extract_strided_slice %get3A_901 {offsets = [0], sizes = [1], strides = [1]} : vector<16xf32> to vector<1xf32>
      %squeeze3A_903 = vector.extract %slice3A_902[0] : f32 from vector<1xf32>
      %mul3A_904 = arith.constant 16 : i32
      %mul3A_905 = arith.muli %scan3A_326, %mul3A_904 : i32
      %add3A_906 = arith.constant 8 : i32
      %add3A_907 = arith.addi %mul3A_905, %add3A_906 : i32
      %add3A_908 = arith.constant 4 : i32
      %add3A_909 = arith.addi %add3A_907, %add3A_908 : i32
      %lt3A_910 = arith.constant 64 : i32
      %lt3A_911 = arith.cmpi slt, %add3A_909, %lt3A_910 : i32
      %add3A_912 = arith.constant 48 : i32
      %add3A_913 = arith.addi %add3A_909, %add3A_912 : i32
      %select_n3A_914 = arith.select %lt3A_911, %add3A_909, %add3A_913 : i32
      %get3A_915 = arith.index_cast %select_n3A_914 : i32 to index
      %get3A_916 = tpu.vector_load %arg9[%get3A_915] {strides = array<i32>} : memref<288xf32, #tpu.memory_space<vmem>>, vector<16xf32>,
      %slice3A_917 = vector.extract_strided_slice %get3A_916 {offsets = [0], sizes = [1], strides = [1]} : vector<16xf32> to vector<1xf32>
      %squeeze3A_918 = vector.extract %slice3A_917[0] : f32 from vector<1xf32>
      %mul3A_919 = arith.constant 16 : i32
      %mul3A_920 = arith.muli %scan3A_326, %mul3A_919 : i32
      %add3A_921 = arith.constant 8 : i32
      %add3A_922 = arith.addi %mul3A_920, %add3A_921 : i32
      %add3A_923 = arith.constant 5 : i32
      %add3A_924 = arith.addi %add3A_922, %add3A_923 : i32
      %lt3A_925 = arith.constant 64 : i32
      %lt3A_926 = arith.cmpi slt, %add3A_924, %lt3A_925 : i32
      %add3A_927 = arith.constant 48 : i32
      %add3A_928 = arith.addi %add3A_924, %add3A_927 : i32
      %select_n3A_929 = arith.select %lt3A_926, %add3A_924, %add3A_928 : i32
      %get3A_930 = arith.index_cast %select_n3A_929 : i32 to index
      %get3A_931 = tpu.vector_load %arg9[%get3A_930] {strides = array<i32>} : memref<288xf32, #tpu.memory_space<vmem>>, vector<16xf32>,
      %slice3A_932 = vector.extract_strided_slice %get3A_931 {offsets = [0], sizes = [1], strides = [1]} : vector<16xf32> to vector<1xf32>
      %squeeze3A_933 = vector.extract %slice3A_932[0] : f32 from vector<1xf32>
      %mul3A_934 = arith.constant 16 : i32
      %mul3A_935 = arith.muli %scan3A_326, %mul3A_934 : i32
      %add3A_936 = arith.constant 8 : i32
      %add3A_937 = arith.addi %mul3A_935, %add3A_936 : i32
      %add3A_938 = arith.constant 6 : i32
      %add3A_939 = arith.addi %add3A_937, %add3A_938 : i32
      %lt3A_940 = arith.constant 64 : i32
      %lt3A_941 = arith.cmpi slt, %add3A_939, %lt3A_940 : i32
      %add3A_942 = arith.constant 48 : i32
      %add3A_943 = arith.addi %add3A_939, %add3A_942 : i32
      %select_n3A_944 = arith.select %lt3A_941, %add3A_939, %add3A_943 : i32
      %get3A_945 = arith.index_cast %select_n3A_944 : i32 to index
      %get3A_946 = tpu.vector_load %arg9[%get3A_945] {strides = array<i32>} : memref<288xf32, #tpu.memory_space<vmem>>, vector<16xf32>,
      %slice3A_947 = vector.extract_strided_slice %get3A_946 {offsets = [0], sizes = [1], strides = [1]} : vector<16xf32> to vector<1xf32>
      %squeeze3A_948 = vector.extract %slice3A_947[0] : f32 from vector<1xf32>
      %mul3A_949 = arith.constant 16 : i32
      %mul3A_950 = arith.muli %scan3A_326, %mul3A_949 : i32
      %add3A_951 = arith.constant 8 : i32
      %add3A_952 = arith.addi %mul3A_950, %add3A_951 : i32
      %add3A_953 = arith.constant 7 : i32
      %add3A_954 = arith.addi %add3A_952, %add3A_953 : i32
      %lt3A_955 = arith.constant 64 : i32
      %lt3A_956 = arith.cmpi slt, %add3A_954, %lt3A_955 : i32
      %add3A_957 = arith.constant 48 : i32
      %add3A_958 = arith.addi %add3A_954, %add3A_957 : i32
      %select_n3A_959 = arith.select %lt3A_956, %add3A_954, %add3A_958 : i32
      %get3A_960 = arith.index_cast %select_n3A_959 : i32 to index
      %get3A_961 = tpu.vector_load %arg9[%get3A_960] {strides = array<i32>} : memref<288xf32, #tpu.memory_space<vmem>>, vector<16xf32>,
      %slice3A_962 = vector.extract_strided_slice %get3A_961 {offsets = [0], sizes = [1], strides = [1]} : vector<16xf32> to vector<1xf32>
      %squeeze3A_963 = vector.extract %slice3A_962[0] : f32 from vector<1xf32>
      %parallel_loop3A_964 = arith.constant 0 : i32
      %parallel_loop3A_965 = arith.constant 202 : i32
      %parallel_loop3A_966 = arith.constant 1 : i32
      scf.for %parallel_loop3A_1215 = %parallel_loop3A_964 to %parallel_loop3A_965 step %parallel_loop3A_966  : i32 {
        %parallel_loop3A_1216 = arith.constant 16 : i32
        %parallel_loop3A_1217 = arith.muli %parallel_loop3A_1215, %parallel_loop3A_1216 : i32
        %parallel_loop3A_1218 = arith.addi %scan3A_335, %parallel_loop3A_1217 : i32
        %parallel_loop3A_1219 = arith.index_cast %parallel_loop3A_1218 : i32 to index
        %parallel_loop3A_1220 = tpu.vector_load %arg20[%parallel_loop3A_1219] {strides = array<i32>} : memref<3760xf32, #tpu.memory_space<vmem>>, vector<16xf32>,
        %parallel_loop3A_1221 = vector.broadcast %squeeze3A_858 : f32 to vector<16xf32>
        %parallel_loop3A_1222 = arith.mulf %parallel_loop3A_1221, %parallel_loop3A_1220 : vector<16xf32>
        %parallel_loop3A_1223 = arith.constant 16 : i32
        %parallel_loop3A_1224 = arith.muli %parallel_loop3A_1215, %parallel_loop3A_1223 : i32
        %parallel_loop3A_1225 = arith.addi %scan3A_336, %parallel_loop3A_1224 : i32
        %parallel_loop3A_1226 = arith.index_cast %parallel_loop3A_1225 : i32 to index
        %parallel_loop3A_1227 = tpu.vector_load %arg21[%parallel_loop3A_1226] {strides = array<i32>} : memref<3760xf32, #tpu.memory_space<vmem>>, vector<16xf32>,
        %parallel_loop3A_1228 = vector.broadcast %squeeze3A_873 : f32 to vector<16xf32>
        %parallel_loop3A_1229 = arith.mulf %parallel_loop3A_1228, %parallel_loop3A_1227 : vector<16xf32>
        %parallel_loop3A_1230 = arith.addf %parallel_loop3A_1222, %parallel_loop3A_1229 : vector<16xf32>
        %parallel_loop3A_1231 = arith.constant 16 : i32
        %parallel_loop3A_1232 = arith.muli %parallel_loop3A_1215, %parallel_loop3A_1231 : i32
        %parallel_loop3A_1233 = arith.addi %scan3A_337, %parallel_loop3A_1232 : i32
        %parallel_loop3A_1234 = arith.index_cast %parallel_loop3A_1233 : i32 to index
        %parallel_loop3A_1235 = tpu.vector_load %arg22[%parallel_loop3A_1234] {strides = array<i32>} : memref<3760xf32, #tpu.memory_space<vmem>>, vector<16xf32>,
        %parallel_loop3A_1236 = vector.broadcast %squeeze3A_888 : f32 to vector<16xf32>
        %parallel_loop3A_1237 = arith.mulf %parallel_loop3A_1236, %parallel_loop3A_1235 : vector<16xf32>
        %parallel_loop3A_1238 = arith.addf %parallel_loop3A_1230, %parallel_loop3A_1237 : vector<16xf32>
        %parallel_loop3A_1239 = arith.constant 16 : i32
        %parallel_loop3A_1240 = arith.muli %parallel_loop3A_1215, %parallel_loop3A_1239 : i32
        %parallel_loop3A_1241 = arith.addi %scan3A_338, %parallel_loop3A_1240 : i32
        %parallel_loop3A_1242 = arith.index_cast %parallel_loop3A_1241 : i32 to index
        %parallel_loop3A_1243 = tpu.vector_load %arg23[%parallel_loop3A_1242] {strides = array<i32>} : memref<3760xf32, #tpu.memory_space<vmem>>, vector<16xf32>,
        %parallel_loop3A_1244 = vector.broadcast %squeeze3A_903 : f32 to vector<16xf32>
        %parallel_loop3A_1245 = arith.mulf %parallel_loop3A_1244, %parallel_loop3A_1243 : vector<16xf32>
        %parallel_loop3A_1246 = arith.addf %parallel_loop3A_1238, %parallel_loop3A_1245 : vector<16xf32>
        %parallel_loop3A_1247 = arith.constant 16 : i32
        %parallel_loop3A_1248 = arith.muli %parallel_loop3A_1215, %parallel_loop3A_1247 : i32
        %parallel_loop3A_1249 = arith.addi %scan3A_339, %parallel_loop3A_1248 : i32
        %parallel_loop3A_1250 = arith.index_cast %parallel_loop3A_1249 : i32 to index
        %parallel_loop3A_1251 = tpu.vector_load %arg24[%parallel_loop3A_1250] {strides = array<i32>} : memref<3760xf32, #tpu.memory_space<vmem>>, vector<16xf32>,
        %parallel_loop3A_1252 = vector.broadcast %squeeze3A_918 : f32 to vector<16xf32>
        %parallel_loop3A_1253 = arith.mulf %parallel_loop3A_1252, %parallel_loop3A_1251 : vector<16xf32>
        %parallel_loop3A_1254 = arith.addf %parallel_loop3A_1246, %parallel_loop3A_1253 : vector<16xf32>
        %parallel_loop3A_1255 = arith.constant 16 : i32
        %parallel_loop3A_1256 = arith.muli %parallel_loop3A_1215, %parallel_loop3A_1255 : i32
        %parallel_loop3A_1257 = arith.addi %scan3A_340, %parallel_loop3A_1256 : i32
        %parallel_loop3A_1258 = arith.index_cast %parallel_loop3A_1257 : i32 to index
        %parallel_loop3A_1259 = tpu.vector_load %arg25[%parallel_loop3A_1258] {strides = array<i32>} : memref<3760xf32, #tpu.memory_space<vmem>>, vector<16xf32>,
        %parallel_loop3A_1260 = vector.broadcast %squeeze3A_933 : f32 to vector<16xf32>
        %parallel_loop3A_1261 = arith.mulf %parallel_loop3A_1260, %parallel_loop3A_1259 : vector<16xf32>
        %parallel_loop3A_1262 = arith.addf %parallel_loop3A_1254, %parallel_loop3A_1261 : vector<16xf32>
        %parallel_loop3A_1263 = arith.constant 16 : i32
        %parallel_loop3A_1264 = arith.muli %parallel_loop3A_1215, %parallel_loop3A_1263 : i32
        %parallel_loop3A_1265 = arith.addi %scan3A_341, %parallel_loop3A_1264 : i32
        %parallel_loop3A_1266 = arith.index_cast %parallel_loop3A_1265 : i32 to index
        %parallel_loop3A_1267 = tpu.vector_load %arg26[%parallel_loop3A_1266] {strides = array<i32>} : memref<3760xf32, #tpu.memory_space<vmem>>, vector<16xf32>,
        %parallel_loop3A_1268 = vector.broadcast %squeeze3A_948 : f32 to vector<16xf32>
        %parallel_loop3A_1269 = arith.mulf %parallel_loop3A_1268, %parallel_loop3A_1267 : vector<16xf32>
        %parallel_loop3A_1270 = arith.addf %parallel_loop3A_1262, %parallel_loop3A_1269 : vector<16xf32>
        %parallel_loop3A_1271 = arith.constant 16 : i32
        %parallel_loop3A_1272 = arith.muli %parallel_loop3A_1215, %parallel_loop3A_1271 : i32
        %parallel_loop3A_1273 = arith.addi %scan3A_342, %parallel_loop3A_1272 : i32
        %parallel_loop3A_1274 = arith.index_cast %parallel_loop3A_1273 : i32 to index
        %parallel_loop3A_1275 = tpu.vector_load %arg27[%parallel_loop3A_1274] {strides = array<i32>} : memref<3760xf32, #tpu.memory_space<vmem>>, vector<16xf32>,
        %parallel_loop3A_1276 = vector.broadcast %squeeze3A_963 : f32 to vector<16xf32>
        %parallel_loop3A_1277 = arith.mulf %parallel_loop3A_1276, %parallel_loop3A_1275 : vector<16xf32>
        %parallel_loop3A_1278 = arith.addf %parallel_loop3A_1270, %parallel_loop3A_1277 : vector<16xf32>
        %parallel_loop3A_1279 = arith.constant 16 : i32
        %parallel_loop3A_1280 = arith.muli %parallel_loop3A_1215, %parallel_loop3A_1279 : i32
        %parallel_loop3A_1281 = arith.index_cast %parallel_loop3A_1280 : i32 to index
        %parallel_loop3A_1282 = tpu.vector_load %arg10[%parallel_loop3A_1281] {strides = array<i32>} : memref<3232xf32, #tpu.memory_space<vmem>>, vector<16xf32>,
        tpu.vector_store %arg10[%parallel_loop3A_1281], %parallel_loop3A_1278 {add = true, strides = array<i32>} : memref<3232xf32, #tpu.memory_space<vmem>>, vector<16xf32>,
      } {sc.loop_unroll_factor = 4 : i64, sc.parallel_access}
      %mul3A_967 = arith.constant 16 : i32
      %mul3A_968 = arith.muli %scan3A_326, %mul3A_967 : i32
      %add3A_969 = arith.constant 8 : i32
      %add3A_970 = arith.addi %mul3A_968, %add3A_969 : i32
      %add3A_971 = arith.constant 0 : i32
      %add3A_972 = arith.addi %add3A_970, %add3A_971 : i32
      %add3A_973 = arith.constant 16 : i32
      %add3A_974 = arith.addi %add3A_972, %add3A_973 : i32
      %lt3A_975 = arith.constant 64 : i32
      %lt3A_976 = arith.cmpi slt, %add3A_974, %lt3A_975 : i32
      %add3A_977 = arith.constant 48 : i32
      %add3A_978 = arith.addi %add3A_974, %add3A_977 : i32
      %select_n3A_979 = arith.select %lt3A_976, %add3A_974, %add3A_978 : i32
      %get3A_980 = arith.index_cast %select_n3A_979 : i32 to index
      %get3A_981 = tpu.vector_load %arg8[%get3A_980] {strides = array<i32>} : memref<288xi32, #tpu.memory_space<vmem>>, vector<16xi32>,
      %slice3A_982 = vector.extract_strided_slice %get3A_981 {offsets = [0], sizes = [1], strides = [1]} : vector<16xi32> to vector<1xi32>
      %squeeze3A_983 = vector.extract %slice3A_982[0] : i32 from vector<1xi32>
      %add3A_984 = arith.addi %squeeze3A_983, %multiple_of3A : i32
      %shift_right_arithmetic3A_985 = arith.constant 3 : i32
      %shift_right_arithmetic3A_986 = arith.shrsi %add3A_984, %shift_right_arithmetic3A_985 : i32
      %shift_left3A_987 = arith.constant 3 : i32
      %shift_left3A_988 = arith.shli %shift_right_arithmetic3A_986, %shift_left3A_987 : i32
      %min3A_989 = arith.constant 24996752 : i32
      %min3A_990 = arith.minsi %shift_left3A_988, %min3A_989 : i32
      %multiple_of3A_991 = tpu.assume_multiple %min3A_990, 8 : i32
      %sub3A_992 = arith.subi %add3A_984, %multiple_of3A_991 : i32
      %lt3A_993 = arith.constant 208 : i32
      %lt3A_994 = arith.cmpi slt, %add3A_974, %lt3A_993 : i32
      %convert_element_type3A_995 = arith.extui %lt3A_994 : i1 to i32
      %cond3A_996 = arith.constant 0 : i32
      %cond3A_997 = arith.cmpi ne, %convert_element_type3A_995, %cond3A_996 : i32
      scf.if %cond3A_997 {
        %dma_start3A_1215 = arith.constant 0 : i32
        %dma_start3A_1216 = tpu.memref_slice %arg20[%dma_start3A_1215] : memref<3760xf32, #tpu.memory_space<vmem>> -> memref<3248xf32, #tpu.memory_space<vmem>>
        %dma_start3A_1217 = tpu.memref_slice %arg2[%multiple_of3A_991] : memref<25000000xf32, #tpu.memory_space<hbm>> -> memref<3248xf32, #tpu.memory_space<hbm>>
        %dma_start3A_1218 = arith.constant 0 : i32
        %dma_start3A_1219 = tpu.memref_slice %arg20[%dma_start3A_1218] : memref<3760xf32, #tpu.memory_space<vmem>> -> memref<3248xf32, #tpu.memory_space<vmem>>
        %dma_start3A_1220 = tpu.memref_slice %arg2[%multiple_of3A_991] : memref<25000000xf32, #tpu.memory_space<hbm>> -> memref<3248xf32, #tpu.memory_space<hbm>>
        tpu.enqueue_dma source(%dma_start3A_1220 : memref<3248xf32, #tpu.memory_space<hbm>>) target(%dma_start3A_1219 : memref<3248xf32, #tpu.memory_space<vmem>>) target_semaphore(%arg36 : memref<!tpu.dma_semaphore, #tpu.memory_space<semaphore_mem>>)
      } else {
      }
      %mul3A_998 = arith.constant 16 : i32
      %mul3A_999 = arith.muli %scan3A_326, %mul3A_998 : i32
      %add3A_1000 = arith.constant 8 : i32
      %add3A_1001 = arith.addi %mul3A_999, %add3A_1000 : i32
      %add3A_1002 = arith.constant 1 : i32
      %add3A_1003 = arith.addi %add3A_1001, %add3A_1002 : i32
      %add3A_1004 = arith.constant 16 : i32
      %add3A_1005 = arith.addi %add3A_1003, %add3A_1004 : i32
      %lt3A_1006 = arith.constant 64 : i32
      %lt3A_1007 = arith.cmpi slt, %add3A_1005, %lt3A_1006 : i32
      %add3A_1008 = arith.constant 48 : i32
      %add3A_1009 = arith.addi %add3A_1005, %add3A_1008 : i32
      %select_n3A_1010 = arith.select %lt3A_1007, %add3A_1005, %add3A_1009 : i32
      %get3A_1011 = arith.index_cast %select_n3A_1010 : i32 to index
      %get3A_1012 = tpu.vector_load %arg8[%get3A_1011] {strides = array<i32>} : memref<288xi32, #tpu.memory_space<vmem>>, vector<16xi32>,
      %slice3A_1013 = vector.extract_strided_slice %get3A_1012 {offsets = [0], sizes = [1], strides = [1]} : vector<16xi32> to vector<1xi32>
      %squeeze3A_1014 = vector.extract %slice3A_1013[0] : i32 from vector<1xi32>
      %add3A_1015 = arith.addi %squeeze3A_1014, %multiple_of3A : i32
      %shift_right_arithmetic3A_1016 = arith.constant 3 : i32
      %shift_right_arithmetic3A_1017 = arith.shrsi %add3A_1015, %shift_right_arithmetic3A_1016 : i32
      %shift_left3A_1018 = arith.constant 3 : i32
      %shift_left3A_1019 = arith.shli %shift_right_arithmetic3A_1017, %shift_left3A_1018 : i32
      %min3A_1020 = arith.constant 24996752 : i32
      %min3A_1021 = arith.minsi %shift_left3A_1019, %min3A_1020 : i32
      %multiple_of3A_1022 = tpu.assume_multiple %min3A_1021, 8 : i32
      %sub3A_1023 = arith.subi %add3A_1015, %multiple_of3A_1022 : i32
      %lt3A_1024 = arith.constant 208 : i32
      %lt3A_1025 = arith.cmpi slt, %add3A_1005, %lt3A_1024 : i32
      %convert_element_type3A_1026 = arith.extui %lt3A_1025 : i1 to i32
      %cond3A_1027 = arith.constant 0 : i32
      %cond3A_1028 = arith.cmpi ne, %convert_element_type3A_1026, %cond3A_1027 : i32
      scf.if %cond3A_1028 {
        %dma_start3A_1215 = arith.constant 0 : i32
        %dma_start3A_1216 = tpu.memref_slice %arg21[%dma_start3A_1215] : memref<3760xf32, #tpu.memory_space<vmem>> -> memref<3248xf32, #tpu.memory_space<vmem>>
        %dma_start3A_1217 = tpu.memref_slice %arg2[%multiple_of3A_1022] : memref<25000000xf32, #tpu.memory_space<hbm>> -> memref<3248xf32, #tpu.memory_space<hbm>>
        %dma_start3A_1218 = arith.constant 0 : i32
        %dma_start3A_1219 = tpu.memref_slice %arg21[%dma_start3A_1218] : memref<3760xf32, #tpu.memory_space<vmem>> -> memref<3248xf32, #tpu.memory_space<vmem>>
        %dma_start3A_1220 = tpu.memref_slice %arg2[%multiple_of3A_1022] : memref<25000000xf32, #tpu.memory_space<hbm>> -> memref<3248xf32, #tpu.memory_space<hbm>>
        tpu.enqueue_dma source(%dma_start3A_1220 : memref<3248xf32, #tpu.memory_space<hbm>>) target(%dma_start3A_1219 : memref<3248xf32, #tpu.memory_space<vmem>>) target_semaphore(%arg37 : memref<!tpu.dma_semaphore, #tpu.memory_space<semaphore_mem>>)
      } else {
      }
      %mul3A_1029 = arith.constant 16 : i32
      %mul3A_1030 = arith.muli %scan3A_326, %mul3A_1029 : i32
      %add3A_1031 = arith.constant 8 : i32
      %add3A_1032 = arith.addi %mul3A_1030, %add3A_1031 : i32
      %add3A_1033 = arith.constant 2 : i32
      %add3A_1034 = arith.addi %add3A_1032, %add3A_1033 : i32
      %add3A_1035 = arith.constant 16 : i32
      %add3A_1036 = arith.addi %add3A_1034, %add3A_1035 : i32
      %lt3A_1037 = arith.constant 64 : i32
      %lt3A_1038 = arith.cmpi slt, %add3A_1036, %lt3A_1037 : i32
      %add3A_1039 = arith.constant 48 : i32
      %add3A_1040 = arith.addi %add3A_1036, %add3A_1039 : i32
      %select_n3A_1041 = arith.select %lt3A_1038, %add3A_1036, %add3A_1040 : i32
      %get3A_1042 = arith.index_cast %select_n3A_1041 : i32 to index
      %get3A_1043 = tpu.vector_load %arg8[%get3A_1042] {strides = array<i32>} : memref<288xi32, #tpu.memory_space<vmem>>, vector<16xi32>,
      %slice3A_1044 = vector.extract_strided_slice %get3A_1043 {offsets = [0], sizes = [1], strides = [1]} : vector<16xi32> to vector<1xi32>
      %squeeze3A_1045 = vector.extract %slice3A_1044[0] : i32 from vector<1xi32>
      %add3A_1046 = arith.addi %squeeze3A_1045, %multiple_of3A : i32
      %shift_right_arithmetic3A_1047 = arith.constant 3 : i32
      %shift_right_arithmetic3A_1048 = arith.shrsi %add3A_1046, %shift_right_arithmetic3A_1047 : i32
      %shift_left3A_1049 = arith.constant 3 : i32
      %shift_left3A_1050 = arith.shli %shift_right_arithmetic3A_1048, %shift_left3A_1049 : i32
      %min3A_1051 = arith.constant 24996752 : i32
      %min3A_1052 = arith.minsi %shift_left3A_1050, %min3A_1051 : i32
      %multiple_of3A_1053 = tpu.assume_multiple %min3A_1052, 8 : i32
      %sub3A_1054 = arith.subi %add3A_1046, %multiple_of3A_1053 : i32
      %lt3A_1055 = arith.constant 208 : i32
      %lt3A_1056 = arith.cmpi slt, %add3A_1036, %lt3A_1055 : i32
      %convert_element_type3A_1057 = arith.extui %lt3A_1056 : i1 to i32
      %cond3A_1058 = arith.constant 0 : i32
      %cond3A_1059 = arith.cmpi ne, %convert_element_type3A_1057, %cond3A_1058 : i32
      scf.if %cond3A_1059 {
        %dma_start3A_1215 = arith.constant 0 : i32
        %dma_start3A_1216 = tpu.memref_slice %arg22[%dma_start3A_1215] : memref<3760xf32, #tpu.memory_space<vmem>> -> memref<3248xf32, #tpu.memory_space<vmem>>
        %dma_start3A_1217 = tpu.memref_slice %arg2[%multiple_of3A_1053] : memref<25000000xf32, #tpu.memory_space<hbm>> -> memref<3248xf32, #tpu.memory_space<hbm>>
        %dma_start3A_1218 = arith.constant 0 : i32
        %dma_start3A_1219 = tpu.memref_slice %arg22[%dma_start3A_1218] : memref<3760xf32, #tpu.memory_space<vmem>> -> memref<3248xf32, #tpu.memory_space<vmem>>
        %dma_start3A_1220 = tpu.memref_slice %arg2[%multiple_of3A_1053] : memref<25000000xf32, #tpu.memory_space<hbm>> -> memref<3248xf32, #tpu.memory_space<hbm>>
        tpu.enqueue_dma source(%dma_start3A_1220 : memref<3248xf32, #tpu.memory_space<hbm>>) target(%dma_start3A_1219 : memref<3248xf32, #tpu.memory_space<vmem>>) target_semaphore(%arg38 : memref<!tpu.dma_semaphore, #tpu.memory_space<semaphore_mem>>)
      } else {
      }
      %mul3A_1060 = arith.constant 16 : i32
      %mul3A_1061 = arith.muli %scan3A_326, %mul3A_1060 : i32
      %add3A_1062 = arith.constant 8 : i32
      %add3A_1063 = arith.addi %mul3A_1061, %add3A_1062 : i32
      %add3A_1064 = arith.constant 3 : i32
      %add3A_1065 = arith.addi %add3A_1063, %add3A_1064 : i32
      %add3A_1066 = arith.constant 16 : i32
      %add3A_1067 = arith.addi %add3A_1065, %add3A_1066 : i32
      %lt3A_1068 = arith.constant 64 : i32
      %lt3A_1069 = arith.cmpi slt, %add3A_1067, %lt3A_1068 : i32
      %add3A_1070 = arith.constant 48 : i32
      %add3A_1071 = arith.addi %add3A_1067, %add3A_1070 : i32
      %select_n3A_1072 = arith.select %lt3A_1069, %add3A_1067, %add3A_1071 : i32
      %get3A_1073 = arith.index_cast %select_n3A_1072 : i32 to index
      %get3A_1074 = tpu.vector_load %arg8[%get3A_1073] {strides = array<i32>} : memref<288xi32, #tpu.memory_space<vmem>>, vector<16xi32>,
      %slice3A_1075 = vector.extract_strided_slice %get3A_1074 {offsets = [0], sizes = [1], strides = [1]} : vector<16xi32> to vector<1xi32>
      %squeeze3A_1076 = vector.extract %slice3A_1075[0] : i32 from vector<1xi32>
      %add3A_1077 = arith.addi %squeeze3A_1076, %multiple_of3A : i32
      %shift_right_arithmetic3A_1078 = arith.constant 3 : i32
      %shift_right_arithmetic3A_1079 = arith.shrsi %add3A_1077, %shift_right_arithmetic3A_1078 : i32
      %shift_left3A_1080 = arith.constant 3 : i32
      %shift_left3A_1081 = arith.shli %shift_right_arithmetic3A_1079, %shift_left3A_1080 : i32
      %min3A_1082 = arith.constant 24996752 : i32
      %min3A_1083 = arith.minsi %shift_left3A_1081, %min3A_1082 : i32
      %multiple_of3A_1084 = tpu.assume_multiple %min3A_1083, 8 : i32
      %sub3A_1085 = arith.subi %add3A_1077, %multiple_of3A_1084 : i32
      %lt3A_1086 = arith.constant 208 : i32
      %lt3A_1087 = arith.cmpi slt, %add3A_1067, %lt3A_1086 : i32
      %convert_element_type3A_1088 = arith.extui %lt3A_1087 : i1 to i32
      %cond3A_1089 = arith.constant 0 : i32
      %cond3A_1090 = arith.cmpi ne, %convert_element_type3A_1088, %cond3A_1089 : i32
      scf.if %cond3A_1090 {
        %dma_start3A_1215 = arith.constant 0 : i32
        %dma_start3A_1216 = tpu.memref_slice %arg23[%dma_start3A_1215] : memref<3760xf32, #tpu.memory_space<vmem>> -> memref<3248xf32, #tpu.memory_space<vmem>>
        %dma_start3A_1217 = tpu.memref_slice %arg2[%multiple_of3A_1084] : memref<25000000xf32, #tpu.memory_space<hbm>> -> memref<3248xf32, #tpu.memory_space<hbm>>
        %dma_start3A_1218 = arith.constant 0 : i32
        %dma_start3A_1219 = tpu.memref_slice %arg23[%dma_start3A_1218] : memref<3760xf32, #tpu.memory_space<vmem>> -> memref<3248xf32, #tpu.memory_space<vmem>>
        %dma_start3A_1220 = tpu.memref_slice %arg2[%multiple_of3A_1084] : memref<25000000xf32, #tpu.memory_space<hbm>> -> memref<3248xf32, #tpu.memory_space<hbm>>
        tpu.enqueue_dma source(%dma_start3A_1220 : memref<3248xf32, #tpu.memory_space<hbm>>) target(%dma_start3A_1219 : memref<3248xf32, #tpu.memory_space<vmem>>) target_semaphore(%arg39 : memref<!tpu.dma_semaphore, #tpu.memory_space<semaphore_mem>>)
      } else {
      }
      %mul3A_1091 = arith.constant 16 : i32
      %mul3A_1092 = arith.muli %scan3A_326, %mul3A_1091 : i32
      %add3A_1093 = arith.constant 8 : i32
      %add3A_1094 = arith.addi %mul3A_1092, %add3A_1093 : i32
      %add3A_1095 = arith.constant 4 : i32
      %add3A_1096 = arith.addi %add3A_1094, %add3A_1095 : i32
      %add3A_1097 = arith.constant 16 : i32
      %add3A_1098 = arith.addi %add3A_1096, %add3A_1097 : i32
      %lt3A_1099 = arith.constant 64 : i32
      %lt3A_1100 = arith.cmpi slt, %add3A_1098, %lt3A_1099 : i32
      %add3A_1101 = arith.constant 48 : i32
      %add3A_1102 = arith.addi %add3A_1098, %add3A_1101 : i32
      %select_n3A_1103 = arith.select %lt3A_1100, %add3A_1098, %add3A_1102 : i32
      %get3A_1104 = arith.index_cast %select_n3A_1103 : i32 to index
      %get3A_1105 = tpu.vector_load %arg8[%get3A_1104] {strides = array<i32>} : memref<288xi32, #tpu.memory_space<vmem>>, vector<16xi32>,
      %slice3A_1106 = vector.extract_strided_slice %get3A_1105 {offsets = [0], sizes = [1], strides = [1]} : vector<16xi32> to vector<1xi32>
      %squeeze3A_1107 = vector.extract %slice3A_1106[0] : i32 from vector<1xi32>
      %add3A_1108 = arith.addi %squeeze3A_1107, %multiple_of3A : i32
      %shift_right_arithmetic3A_1109 = arith.constant 3 : i32
      %shift_right_arithmetic3A_1110 = arith.shrsi %add3A_1108, %shift_right_arithmetic3A_1109 : i32
      %shift_left3A_1111 = arith.constant 3 : i32
      %shift_left3A_1112 = arith.shli %shift_right_arithmetic3A_1110, %shift_left3A_1111 : i32
      %min3A_1113 = arith.constant 24996752 : i32
      %min3A_1114 = arith.minsi %shift_left3A_1112, %min3A_1113 : i32
      %multiple_of3A_1115 = tpu.assume_multiple %min3A_1114, 8 : i32
      %sub3A_1116 = arith.subi %add3A_1108, %multiple_of3A_1115 : i32
      %lt3A_1117 = arith.constant 208 : i32
      %lt3A_1118 = arith.cmpi slt, %add3A_1098, %lt3A_1117 : i32
      %convert_element_type3A_1119 = arith.extui %lt3A_1118 : i1 to i32
      %cond3A_1120 = arith.constant 0 : i32
      %cond3A_1121 = arith.cmpi ne, %convert_element_type3A_1119, %cond3A_1120 : i32
      scf.if %cond3A_1121 {
        %dma_start3A_1215 = arith.constant 0 : i32
        %dma_start3A_1216 = tpu.memref_slice %arg24[%dma_start3A_1215] : memref<3760xf32, #tpu.memory_space<vmem>> -> memref<3248xf32, #tpu.memory_space<vmem>>
        %dma_start3A_1217 = tpu.memref_slice %arg2[%multiple_of3A_1115] : memref<25000000xf32, #tpu.memory_space<hbm>> -> memref<3248xf32, #tpu.memory_space<hbm>>
        %dma_start3A_1218 = arith.constant 0 : i32
        %dma_start3A_1219 = tpu.memref_slice %arg24[%dma_start3A_1218] : memref<3760xf32, #tpu.memory_space<vmem>> -> memref<3248xf32, #tpu.memory_space<vmem>>
        %dma_start3A_1220 = tpu.memref_slice %arg2[%multiple_of3A_1115] : memref<25000000xf32, #tpu.memory_space<hbm>> -> memref<3248xf32, #tpu.memory_space<hbm>>
        tpu.enqueue_dma source(%dma_start3A_1220 : memref<3248xf32, #tpu.memory_space<hbm>>) target(%dma_start3A_1219 : memref<3248xf32, #tpu.memory_space<vmem>>) target_semaphore(%arg40 : memref<!tpu.dma_semaphore, #tpu.memory_space<semaphore_mem>>)
      } else {
      }
      %mul3A_1122 = arith.constant 16 : i32
      %mul3A_1123 = arith.muli %scan3A_326, %mul3A_1122 : i32
      %add3A_1124 = arith.constant 8 : i32
      %add3A_1125 = arith.addi %mul3A_1123, %add3A_1124 : i32
      %add3A_1126 = arith.constant 5 : i32
      %add3A_1127 = arith.addi %add3A_1125, %add3A_1126 : i32
      %add3A_1128 = arith.constant 16 : i32
      %add3A_1129 = arith.addi %add3A_1127, %add3A_1128 : i32
      %lt3A_1130 = arith.constant 64 : i32
      %lt3A_1131 = arith.cmpi slt, %add3A_1129, %lt3A_1130 : i32
      %add3A_1132 = arith.constant 48 : i32
      %add3A_1133 = arith.addi %add3A_1129, %add3A_1132 : i32
      %select_n3A_1134 = arith.select %lt3A_1131, %add3A_1129, %add3A_1133 : i32
      %get3A_1135 = arith.index_cast %select_n3A_1134 : i32 to index
      %get3A_1136 = tpu.vector_load %arg8[%get3A_1135] {strides = array<i32>} : memref<288xi32, #tpu.memory_space<vmem>>, vector<16xi32>,
      %slice3A_1137 = vector.extract_strided_slice %get3A_1136 {offsets = [0], sizes = [1], strides = [1]} : vector<16xi32> to vector<1xi32>
      %squeeze3A_1138 = vector.extract %slice3A_1137[0] : i32 from vector<1xi32>
      %add3A_1139 = arith.addi %squeeze3A_1138, %multiple_of3A : i32
      %shift_right_arithmetic3A_1140 = arith.constant 3 : i32
      %shift_right_arithmetic3A_1141 = arith.shrsi %add3A_1139, %shift_right_arithmetic3A_1140 : i32
      %shift_left3A_1142 = arith.constant 3 : i32
      %shift_left3A_1143 = arith.shli %shift_right_arithmetic3A_1141, %shift_left3A_1142 : i32
      %min3A_1144 = arith.constant 24996752 : i32
      %min3A_1145 = arith.minsi %shift_left3A_1143, %min3A_1144 : i32
      %multiple_of3A_1146 = tpu.assume_multiple %min3A_1145, 8 : i32
      %sub3A_1147 = arith.subi %add3A_1139, %multiple_of3A_1146 : i32
      %lt3A_1148 = arith.constant 208 : i32
      %lt3A_1149 = arith.cmpi slt, %add3A_1129, %lt3A_1148 : i32
      %convert_element_type3A_1150 = arith.extui %lt3A_1149 : i1 to i32
      %cond3A_1151 = arith.constant 0 : i32
      %cond3A_1152 = arith.cmpi ne, %convert_element_type3A_1150, %cond3A_1151 : i32
      scf.if %cond3A_1152 {
        %dma_start3A_1215 = arith.constant 0 : i32
        %dma_start3A_1216 = tpu.memref_slice %arg25[%dma_start3A_1215] : memref<3760xf32, #tpu.memory_space<vmem>> -> memref<3248xf32, #tpu.memory_space<vmem>>
        %dma_start3A_1217 = tpu.memref_slice %arg2[%multiple_of3A_1146] : memref<25000000xf32, #tpu.memory_space<hbm>> -> memref<3248xf32, #tpu.memory_space<hbm>>
        %dma_start3A_1218 = arith.constant 0 : i32
        %dma_start3A_1219 = tpu.memref_slice %arg25[%dma_start3A_1218] : memref<3760xf32, #tpu.memory_space<vmem>> -> memref<3248xf32, #tpu.memory_space<vmem>>
        %dma_start3A_1220 = tpu.memref_slice %arg2[%multiple_of3A_1146] : memref<25000000xf32, #tpu.memory_space<hbm>> -> memref<3248xf32, #tpu.memory_space<hbm>>
        tpu.enqueue_dma source(%dma_start3A_1220 : memref<3248xf32, #tpu.memory_space<hbm>>) target(%dma_start3A_1219 : memref<3248xf32, #tpu.memory_space<vmem>>) target_semaphore(%arg41 : memref<!tpu.dma_semaphore, #tpu.memory_space<semaphore_mem>>)
      } else {
      }
      %mul3A_1153 = arith.constant 16 : i32
      %mul3A_1154 = arith.muli %scan3A_326, %mul3A_1153 : i32
      %add3A_1155 = arith.constant 8 : i32
      %add3A_1156 = arith.addi %mul3A_1154, %add3A_1155 : i32
      %add3A_1157 = arith.constant 6 : i32
      %add3A_1158 = arith.addi %add3A_1156, %add3A_1157 : i32
      %add3A_1159 = arith.constant 16 : i32
      %add3A_1160 = arith.addi %add3A_1158, %add3A_1159 : i32
      %lt3A_1161 = arith.constant 64 : i32
      %lt3A_1162 = arith.cmpi slt, %add3A_1160, %lt3A_1161 : i32
      %add3A_1163 = arith.constant 48 : i32
      %add3A_1164 = arith.addi %add3A_1160, %add3A_1163 : i32
      %select_n3A_1165 = arith.select %lt3A_1162, %add3A_1160, %add3A_1164 : i32
      %get3A_1166 = arith.index_cast %select_n3A_1165 : i32 to index
      %get3A_1167 = tpu.vector_load %arg8[%get3A_1166] {strides = array<i32>} : memref<288xi32, #tpu.memory_space<vmem>>, vector<16xi32>,
      %slice3A_1168 = vector.extract_strided_slice %get3A_1167 {offsets = [0], sizes = [1], strides = [1]} : vector<16xi32> to vector<1xi32>
      %squeeze3A_1169 = vector.extract %slice3A_1168[0] : i32 from vector<1xi32>
      %add3A_1170 = arith.addi %squeeze3A_1169, %multiple_of3A : i32
      %shift_right_arithmetic3A_1171 = arith.constant 3 : i32
      %shift_right_arithmetic3A_1172 = arith.shrsi %add3A_1170, %shift_right_arithmetic3A_1171 : i32
      %shift_left3A_1173 = arith.constant 3 : i32
      %shift_left3A_1174 = arith.shli %shift_right_arithmetic3A_1172, %shift_left3A_1173 : i32
      %min3A_1175 = arith.constant 24996752 : i32
      %min3A_1176 = arith.minsi %shift_left3A_1174, %min3A_1175 : i32
      %multiple_of3A_1177 = tpu.assume_multiple %min3A_1176, 8 : i32
      %sub3A_1178 = arith.subi %add3A_1170, %multiple_of3A_1177 : i32
      %lt3A_1179 = arith.constant 208 : i32
      %lt3A_1180 = arith.cmpi slt, %add3A_1160, %lt3A_1179 : i32
      %convert_element_type3A_1181 = arith.extui %lt3A_1180 : i1 to i32
      %cond3A_1182 = arith.constant 0 : i32
      %cond3A_1183 = arith.cmpi ne, %convert_element_type3A_1181, %cond3A_1182 : i32
      scf.if %cond3A_1183 {
        %dma_start3A_1215 = arith.constant 0 : i32
        %dma_start3A_1216 = tpu.memref_slice %arg26[%dma_start3A_1215] : memref<3760xf32, #tpu.memory_space<vmem>> -> memref<3248xf32, #tpu.memory_space<vmem>>
        %dma_start3A_1217 = tpu.memref_slice %arg2[%multiple_of3A_1177] : memref<25000000xf32, #tpu.memory_space<hbm>> -> memref<3248xf32, #tpu.memory_space<hbm>>
        %dma_start3A_1218 = arith.constant 0 : i32
        %dma_start3A_1219 = tpu.memref_slice %arg26[%dma_start3A_1218] : memref<3760xf32, #tpu.memory_space<vmem>> -> memref<3248xf32, #tpu.memory_space<vmem>>
        %dma_start3A_1220 = tpu.memref_slice %arg2[%multiple_of3A_1177] : memref<25000000xf32, #tpu.memory_space<hbm>> -> memref<3248xf32, #tpu.memory_space<hbm>>
        tpu.enqueue_dma source(%dma_start3A_1220 : memref<3248xf32, #tpu.memory_space<hbm>>) target(%dma_start3A_1219 : memref<3248xf32, #tpu.memory_space<vmem>>) target_semaphore(%arg42 : memref<!tpu.dma_semaphore, #tpu.memory_space<semaphore_mem>>)
      } else {
      }
      %mul3A_1184 = arith.constant 16 : i32
      %mul3A_1185 = arith.muli %scan3A_326, %mul3A_1184 : i32
      %add3A_1186 = arith.constant 8 : i32
      %add3A_1187 = arith.addi %mul3A_1185, %add3A_1186 : i32
      %add3A_1188 = arith.constant 7 : i32
      %add3A_1189 = arith.addi %add3A_1187, %add3A_1188 : i32
      %add3A_1190 = arith.constant 16 : i32
      %add3A_1191 = arith.addi %add3A_1189, %add3A_1190 : i32
      %lt3A_1192 = arith.constant 64 : i32
      %lt3A_1193 = arith.cmpi slt, %add3A_1191, %lt3A_1192 : i32
      %add3A_1194 = arith.constant 48 : i32
      %add3A_1195 = arith.addi %add3A_1191, %add3A_1194 : i32
      %select_n3A_1196 = arith.select %lt3A_1193, %add3A_1191, %add3A_1195 : i32
      %get3A_1197 = arith.index_cast %select_n3A_1196 : i32 to index
      %get3A_1198 = tpu.vector_load %arg8[%get3A_1197] {strides = array<i32>} : memref<288xi32, #tpu.memory_space<vmem>>, vector<16xi32>,
      %slice3A_1199 = vector.extract_strided_slice %get3A_1198 {offsets = [0], sizes = [1], strides = [1]} : vector<16xi32> to vector<1xi32>
      %squeeze3A_1200 = vector.extract %slice3A_1199[0] : i32 from vector<1xi32>
      %add3A_1201 = arith.addi %squeeze3A_1200, %multiple_of3A : i32
      %shift_right_arithmetic3A_1202 = arith.constant 3 : i32
      %shift_right_arithmetic3A_1203 = arith.shrsi %add3A_1201, %shift_right_arithmetic3A_1202 : i32
      %shift_left3A_1204 = arith.constant 3 : i32
      %shift_left3A_1205 = arith.shli %shift_right_arithmetic3A_1203, %shift_left3A_1204 : i32
      %min3A_1206 = arith.constant 24996752 : i32
      %min3A_1207 = arith.minsi %shift_left3A_1205, %min3A_1206 : i32
      %multiple_of3A_1208 = tpu.assume_multiple %min3A_1207, 8 : i32
      %sub3A_1209 = arith.subi %add3A_1201, %multiple_of3A_1208 : i32
      %lt3A_1210 = arith.constant 208 : i32
      %lt3A_1211 = arith.cmpi slt, %add3A_1191, %lt3A_1210 : i32
      %convert_element_type3A_1212 = arith.extui %lt3A_1211 : i1 to i32
      %cond3A_1213 = arith.constant 0 : i32
      %cond3A_1214 = arith.cmpi ne, %convert_element_type3A_1212, %cond3A_1213 : i32
      scf.if %cond3A_1214 {
        %dma_start3A_1215 = arith.constant 0 : i32
        %dma_start3A_1216 = tpu.memref_slice %arg27[%dma_start3A_1215] : memref<3760xf32, #tpu.memory_space<vmem>> -> memref<3248xf32, #tpu.memory_space<vmem>>
        %dma_start3A_1217 = tpu.memref_slice %arg2[%multiple_of3A_1208] : memref<25000000xf32, #tpu.memory_space<hbm>> -> memref<3248xf32, #tpu.memory_space<hbm>>
        %dma_start3A_1218 = arith.constant 0 : i32
        %dma_start3A_1219 = tpu.memref_slice %arg27[%dma_start3A_1218] : memref<3760xf32, #tpu.memory_space<vmem>> -> memref<3248xf32, #tpu.memory_space<vmem>>
        %dma_start3A_1220 = tpu.memref_slice %arg2[%multiple_of3A_1208] : memref<25000000xf32, #tpu.memory_space<hbm>> -> memref<3248xf32, #tpu.memory_space<hbm>>
        tpu.enqueue_dma source(%dma_start3A_1220 : memref<3248xf32, #tpu.memory_space<hbm>>) target(%dma_start3A_1219 : memref<3248xf32, #tpu.memory_space<vmem>>) target_semaphore(%arg43 : memref<!tpu.dma_semaphore, #tpu.memory_space<semaphore_mem>>)
      } else {
      }
      scf.yield %sub3A_557, %sub3A_588, %sub3A_619, %sub3A_650, %sub3A_681, %sub3A_712, %sub3A_743, %sub3A_774, %sub3A_992, %sub3A_1023, %sub3A_1054, %sub3A_1085, %sub3A_1116, %sub3A_1147, %sub3A_1178, %sub3A_1209 : i32, i32, i32, i32, i32, i32, i32, i32, i32, i32, i32, i32, i32, i32, i32, i32
    }
    %scan3A_315 = arith.constant 13 : i32
    "tpu.region"() ({
      %run_scoped3A = tpu.sem_alloc : memref<!tpu.dma_semaphore, #tpu.memory_space<semaphore_mem>>
      %dma_start3A_326 = tpu.memref_slice %arg6[%multiple_of3A] : memref<103424xf32, #tpu.memory_space<hbm>> -> memref<3232xf32, #tpu.memory_space<hbm>>
      %dma_start3A_327 = tpu.memref_slice %arg6[%multiple_of3A] : memref<103424xf32, #tpu.memory_space<hbm>> -> memref<3232xf32, #tpu.memory_space<hbm>>
      tpu.enqueue_dma source(%arg10 : memref<3232xf32, #tpu.memory_space<vmem>>) target(%dma_start3A_327 : memref<3232xf32, #tpu.memory_space<hbm>>) target_semaphore(%run_scoped3A : memref<!tpu.dma_semaphore, #tpu.memory_space<semaphore_mem>>)
      %dma_wait3A = tpu.memref_slice %arg6[%multiple_of3A] : memref<103424xf32, #tpu.memory_space<hbm>> -> memref<3232xf32, #tpu.memory_space<hbm>>
      %dma_wait3A_328 = tpu.memref_slice %arg6[%multiple_of3A] : memref<103424xf32, #tpu.memory_space<hbm>> -> memref<3232xf32, #tpu.memory_space<hbm>>
      tpu.wait_dma2 semaphore(%run_scoped3A : memref<!tpu.dma_semaphore, #tpu.memory_space<semaphore_mem>>) src(%arg10 : memref<3232xf32, #tpu.memory_space<vmem>>) dst(%dma_wait3A_328 : memref<3232xf32, #tpu.memory_space<hbm>>)
      tpu.yield
    }) : () -> ()
    %ne3A_316 = arith.constant 31 : i32
    %ne3A_317 = arith.cmpi ne, %add3A, %ne3A_316 : i32
    %convert_element_type3A_318 = arith.extui %ne3A_317 : i1 to i32
    %cond3A_319 = arith.constant 0 : i32
    %cond3A_320 = arith.cmpi ne, %convert_element_type3A_318, %cond3A_319 : i32
    scf.if %cond3A_320 {
      "tpu.region"() ({
        %run_scoped3A = tpu.sem_alloc : memref<!tpu.dma_semaphore, #tpu.memory_space<semaphore_mem>>
        %dma_start3A_326 = tpu.memref_slice %arg7[%multiple_of3A] : memref<102928xf32, #tpu.memory_space<hbm>> -> memref<3232xf32, #tpu.memory_space<hbm>>
        %dma_start3A_327 = tpu.memref_slice %arg7[%multiple_of3A] : memref<102928xf32, #tpu.memory_space<hbm>> -> memref<3232xf32, #tpu.memory_space<hbm>>
        tpu.enqueue_dma source(%arg11 : memref<3232xf32, #tpu.memory_space<vmem>>) target(%dma_start3A_327 : memref<3232xf32, #tpu.memory_space<hbm>>) target_semaphore(%run_scoped3A : memref<!tpu.dma_semaphore, #tpu.memory_space<semaphore_mem>>)
        %dma_wait3A = tpu.memref_slice %arg7[%multiple_of3A] : memref<102928xf32, #tpu.memory_space<hbm>> -> memref<3232xf32, #tpu.memory_space<hbm>>
        %dma_wait3A_328 = tpu.memref_slice %arg7[%multiple_of3A] : memref<102928xf32, #tpu.memory_space<hbm>> -> memref<3232xf32, #tpu.memory_space<hbm>>
        tpu.wait_dma2 semaphore(%run_scoped3A : memref<!tpu.dma_semaphore, #tpu.memory_space<semaphore_mem>>) src(%arg11 : memref<3232xf32, #tpu.memory_space<vmem>>) dst(%dma_wait3A_328 : memref<3232xf32, #tpu.memory_space<hbm>>)
        tpu.yield
      }) : () -> ()
    } else {
    }
    %eq3A_321 = arith.constant 31 : i32
    %eq3A_322 = arith.cmpi eq, %add3A, %eq3A_321 : i32
    %convert_element_type3A_323 = arith.extui %eq3A_322 : i1 to i32
    %cond3A_324 = arith.constant 0 : i32
    %cond3A_325 = arith.cmpi ne, %convert_element_type3A_323, %cond3A_324 : i32
    scf.if %cond3A_325 {
      "tpu.region"() ({
        %run_scoped3A = tpu.sem_alloc : memref<!tpu.dma_semaphore, #tpu.memory_space<semaphore_mem>>
        %dma_start3A_326 = arith.constant 0 : i32
        %dma_start3A_327 = tpu.memref_slice %arg11[%dma_start3A_326] : memref<3232xf32, #tpu.memory_space<vmem>> -> memref<2736xf32, #tpu.memory_space<vmem>>
        %dma_start3A_328 = tpu.memref_slice %arg7[%multiple_of3A] : memref<102928xf32, #tpu.memory_space<hbm>> -> memref<2736xf32, #tpu.memory_space<hbm>>
        %dma_start3A_329 = tpu.memref_slice %arg7[%multiple_of3A] : memref<102928xf32, #tpu.memory_space<hbm>> -> memref<2736xf32, #tpu.memory_space<hbm>>
        %dma_start3A_330 = arith.constant 0 : i32
        %dma_start3A_331 = tpu.memref_slice %arg11[%dma_start3A_330] : memref<3232xf32, #tpu.memory_space<vmem>> -> memref<2736xf32, #tpu.memory_space<vmem>>
        tpu.enqueue_dma source(%dma_start3A_331 : memref<2736xf32, #tpu.memory_space<vmem>>) target(%dma_start3A_329 : memref<2736xf32, #tpu.memory_space<hbm>>) target_semaphore(%run_scoped3A : memref<!tpu.dma_semaphore, #tpu.memory_space<semaphore_mem>>)
        %dma_wait3A = arith.constant 0 : i32
        %dma_wait3A_332 = tpu.memref_slice %arg11[%dma_wait3A] : memref<3232xf32, #tpu.memory_space<vmem>> -> memref<2736xf32, #tpu.memory_space<vmem>>
        %dma_wait3A_333 = tpu.memref_slice %arg7[%multiple_of3A] : memref<102928xf32, #tpu.memory_space<hbm>> -> memref<2736xf32, #tpu.memory_space<hbm>>
        %dma_wait3A_334 = tpu.memref_slice %arg7[%multiple_of3A] : memref<102928xf32, #tpu.memory_space<hbm>> -> memref<2736xf32, #tpu.memory_space<hbm>>
        %dma_wait3A_335 = arith.constant 0 : i32
        %dma_wait3A_336 = tpu.memref_slice %arg11[%dma_wait3A_335] : memref<3232xf32, #tpu.memory_space<vmem>> -> memref<2736xf32, #tpu.memory_space<vmem>>
        tpu.wait_dma2 semaphore(%run_scoped3A : memref<!tpu.dma_semaphore, #tpu.memory_space<semaphore_mem>>) src(%dma_wait3A_336 : memref<2736xf32, #tpu.memory_space<vmem>>) dst(%dma_wait3A_334 : memref<2736xf32, #tpu.memory_space<hbm>>)
        tpu.yield
      }) : () -> ()
    } else {
    }
    return
  }
}

module attributes {stable_mosaic.version = 14 : i64} {
  func.func @_weights_body(%arg0: memref<256x1xf32, #tpu.memory_space<vmem>>, %arg1: memref<1x256xf32, #tpu.memory_space<vmem>>, %arg2: memref<256x1xf32, #tpu.memory_space<vmem>>, %arg3: memref<1x256xf32, #tpu.memory_space<vmem>>, %arg4: memref<256x1xf32, #tpu.memory_space<vmem>>, %arg5: memref<1x1xf32, #tpu.memory_space<vmem>>, %arg6: memref<256x1xf32, #tpu.memory_space<vmem>>, %arg7: memref<1x1xf32, #tpu.memory_space<vmem>>) attributes {dimension_semantics = [], scalar_prefetch = 0 : i64, scratch_operands = 0 : i64, tpu.core_type = #tpu.core_type<tc>} {
    %get3A = arith.constant 0 : index
    %get3A_0 = arith.constant 0 : index
    %get3A_1 = vector.load %arg0[%get3A, %get3A_0] : memref<256x1xf32, #tpu.memory_space<vmem>>, vector<256x1xf32>
    %neg3A = arith.constant 0.000000e+00 : f32
    %neg3A_2 = vector.broadcast %neg3A : f32 to vector<256x1xf32>
    %neg3A_3 = arith.subf %neg3A_2, %get3A_1 : vector<256x1xf32>
    %get3A_4 = arith.constant 0 : index
    %get3A_5 = arith.constant 0 : index
    %get3A_6 = vector.load %arg1[%get3A_4, %get3A_5] : memref<1x256xf32, #tpu.memory_space<vmem>>, vector<1x256xf32>
    %neg3A_7 = arith.constant 0.000000e+00 : f32
    %neg3A_8 = vector.broadcast %neg3A_7 : f32 to vector<1x256xf32>
    %neg3A_9 = arith.subf %neg3A_8, %get3A_6 : vector<1x256xf32>
    %get3A_10 = arith.constant 0 : index
    %get3A_11 = arith.constant 0 : index
    %get3A_12 = vector.load %arg2[%get3A_10, %get3A_11] : memref<256x1xf32, #tpu.memory_space<vmem>>, vector<256x1xf32>
    %neg3A_13 = arith.constant 0.000000e+00 : f32
    %neg3A_14 = vector.broadcast %neg3A_13 : f32 to vector<256x1xf32>
    %neg3A_15 = arith.subf %neg3A_14, %get3A_12 : vector<256x1xf32>
    %get3A_16 = arith.constant 0 : index
    %get3A_17 = arith.constant 0 : index
    %get3A_18 = vector.load %arg3[%get3A_16, %get3A_17] : memref<1x256xf32, #tpu.memory_space<vmem>>, vector<1x256xf32>
    %neg3A_19 = arith.constant 0.000000e+00 : f32
    %neg3A_20 = vector.broadcast %neg3A_19 : f32 to vector<1x256xf32>
    %neg3A_21 = arith.subf %neg3A_20, %get3A_18 : vector<1x256xf32>
    %iota3A = tpu.iota {dimensions = array<i32: 0>} : vector<256x256xi32>
    %iota3A_22 = tpu.iota {dimensions = array<i32: 1>} : vector<256x256xi32>
    %lt3A = arith.cmpi slt, %iota3A_22, %iota3A : vector<256x256xi32>
    %lt3A_23 = vector.broadcast %neg3A_9 : vector<1x256xf32> to vector<256x256xf32>
    %lt3A_24 = vector.broadcast %neg3A_3 : vector<256x1xf32> to vector<256x256xf32>
    %lt3A_25 = arith.cmpf olt, %lt3A_23, %lt3A_24 : vector<256x256xf32>
    %convert_element_type3A = arith.extui %lt3A_25 : vector<256x256xi1> to vector<256x256xi32>
    %convert_element_type3A_26 = arith.sitofp %convert_element_type3A : vector<256x256xi32> to vector<256x256xf32>
    %eq3A = vector.broadcast %neg3A_9 : vector<1x256xf32> to vector<256x256xf32>
    %eq3A_27 = vector.broadcast %neg3A_3 : vector<256x1xf32> to vector<256x256xf32>
    %eq3A_28 = arith.cmpf oeq, %eq3A, %eq3A_27 : vector<256x256xf32>
    %and3A = arith.andi %eq3A_28, %lt3A : vector<256x256xi1>
    %convert_element_type3A_29 = arith.extui %and3A : vector<256x256xi1> to vector<256x256xi32>
    %convert_element_type3A_30 = arith.sitofp %convert_element_type3A_29 : vector<256x256xi32> to vector<256x256xf32>
    %add3A = arith.addf %convert_element_type3A_26, %convert_element_type3A_30 : vector<256x256xf32>
    %reduce_sum3A = arith.constant dense<0.000000e+00> : vector<256xf32>
    %reduce_sum3A_31 = vector.multi_reduction <add>, %add3A, %reduce_sum3A [1] : vector<256x256xf32> to vector<256xf32>
    %broadcast_in_dim3A = vector.shape_cast %reduce_sum3A_31 : vector<256xf32> to vector<256x1xf32>
    %lt3A_32 = arith.cmpi slt, %iota3A_22, %iota3A : vector<256x256xi32>
    %lt3A_33 = vector.broadcast %neg3A_21 : vector<1x256xf32> to vector<256x256xf32>
    %lt3A_34 = vector.broadcast %neg3A_3 : vector<256x1xf32> to vector<256x256xf32>
    %lt3A_35 = arith.cmpf olt, %lt3A_33, %lt3A_34 : vector<256x256xf32>
    %convert_element_type3A_36 = arith.extui %lt3A_35 : vector<256x256xi1> to vector<256x256xi32>
    %convert_element_type3A_37 = arith.sitofp %convert_element_type3A_36 : vector<256x256xi32> to vector<256x256xf32>
    %eq3A_38 = vector.broadcast %neg3A_21 : vector<1x256xf32> to vector<256x256xf32>
    %eq3A_39 = vector.broadcast %neg3A_3 : vector<256x1xf32> to vector<256x256xf32>
    %eq3A_40 = arith.cmpf oeq, %eq3A_38, %eq3A_39 : vector<256x256xf32>
    %and3A_41 = arith.andi %eq3A_40, %lt3A_32 : vector<256x256xi1>
    %convert_element_type3A_42 = arith.extui %and3A_41 : vector<256x256xi1> to vector<256x256xi32>
    %convert_element_type3A_43 = arith.sitofp %convert_element_type3A_42 : vector<256x256xi32> to vector<256x256xf32>
    %add3A_44 = arith.addf %convert_element_type3A_37, %convert_element_type3A_43 : vector<256x256xf32>
    %reduce_sum3A_45 = arith.constant dense<0.000000e+00> : vector<256xf32>
    %reduce_sum3A_46 = vector.multi_reduction <add>, %add3A_44, %reduce_sum3A_45 [1] : vector<256x256xf32> to vector<256xf32>
    %broadcast_in_dim3A_47 = vector.shape_cast %reduce_sum3A_46 : vector<256xf32> to vector<256x1xf32>
    %add3A_48 = arith.addf %broadcast_in_dim3A, %broadcast_in_dim3A_47 : vector<256x1xf32>
    %le3A = arith.cmpi sle, %iota3A_22, %iota3A : vector<256x256xi32>
    %lt3A_49 = vector.broadcast %neg3A_9 : vector<1x256xf32> to vector<256x256xf32>
    %lt3A_50 = vector.broadcast %neg3A_15 : vector<256x1xf32> to vector<256x256xf32>
    %lt3A_51 = arith.cmpf olt, %lt3A_49, %lt3A_50 : vector<256x256xf32>
    %convert_element_type3A_52 = arith.extui %lt3A_51 : vector<256x256xi1> to vector<256x256xi32>
    %convert_element_type3A_53 = arith.sitofp %convert_element_type3A_52 : vector<256x256xi32> to vector<256x256xf32>
    %eq3A_54 = vector.broadcast %neg3A_9 : vector<1x256xf32> to vector<256x256xf32>
    %eq3A_55 = vector.broadcast %neg3A_15 : vector<256x1xf32> to vector<256x256xf32>
    %eq3A_56 = arith.cmpf oeq, %eq3A_54, %eq3A_55 : vector<256x256xf32>
    %and3A_57 = arith.andi %eq3A_56, %le3A : vector<256x256xi1>
    %convert_element_type3A_58 = arith.extui %and3A_57 : vector<256x256xi1> to vector<256x256xi32>
    %convert_element_type3A_59 = arith.sitofp %convert_element_type3A_58 : vector<256x256xi32> to vector<256x256xf32>
    %add3A_60 = arith.addf %convert_element_type3A_53, %convert_element_type3A_59 : vector<256x256xf32>
    %reduce_sum3A_61 = arith.constant dense<0.000000e+00> : vector<256xf32>
    %reduce_sum3A_62 = vector.multi_reduction <add>, %add3A_60, %reduce_sum3A_61 [1] : vector<256x256xf32> to vector<256xf32>
    %broadcast_in_dim3A_63 = vector.shape_cast %reduce_sum3A_62 : vector<256xf32> to vector<256x1xf32>
    %lt3A_64 = arith.cmpi slt, %iota3A_22, %iota3A : vector<256x256xi32>
    %lt3A_65 = vector.broadcast %neg3A_21 : vector<1x256xf32> to vector<256x256xf32>
    %lt3A_66 = vector.broadcast %neg3A_15 : vector<256x1xf32> to vector<256x256xf32>
    %lt3A_67 = arith.cmpf olt, %lt3A_65, %lt3A_66 : vector<256x256xf32>
    %convert_element_type3A_68 = arith.extui %lt3A_67 : vector<256x256xi1> to vector<256x256xi32>
    %convert_element_type3A_69 = arith.sitofp %convert_element_type3A_68 : vector<256x256xi32> to vector<256x256xf32>
    %eq3A_70 = vector.broadcast %neg3A_21 : vector<1x256xf32> to vector<256x256xf32>
    %eq3A_71 = vector.broadcast %neg3A_15 : vector<256x1xf32> to vector<256x256xf32>
    %eq3A_72 = arith.cmpf oeq, %eq3A_70, %eq3A_71 : vector<256x256xf32>
    %and3A_73 = arith.andi %eq3A_72, %lt3A_64 : vector<256x256xi1>
    %convert_element_type3A_74 = arith.extui %and3A_73 : vector<256x256xi1> to vector<256x256xi32>
    %convert_element_type3A_75 = arith.sitofp %convert_element_type3A_74 : vector<256x256xi32> to vector<256x256xf32>
    %add3A_76 = arith.addf %convert_element_type3A_69, %convert_element_type3A_75 : vector<256x256xf32>
    %reduce_sum3A_77 = arith.constant dense<0.000000e+00> : vector<256xf32>
    %reduce_sum3A_78 = vector.multi_reduction <add>, %add3A_76, %reduce_sum3A_77 [1] : vector<256x256xf32> to vector<256xf32>
    %broadcast_in_dim3A_79 = vector.shape_cast %reduce_sum3A_78 : vector<256xf32> to vector<256x1xf32>
    %add3A_80 = arith.addf %broadcast_in_dim3A_63, %broadcast_in_dim3A_79 : vector<256x1xf32>
    %sub3A = arith.subf %add3A_48, %add3A_80 : vector<256x1xf32>
    %mul3A = arith.constant 0.00195694715 : f32
    %mul3A_81 = vector.broadcast %mul3A : f32 to vector<256x1xf32>
    %mul3A_82 = arith.mulf %sub3A, %mul3A_81 : vector<256x1xf32>
    %get3A_83 = arith.constant 0 : index
    %get3A_84 = arith.constant 0 : index
    %get3A_85 = vector.load %arg4[%get3A_83, %get3A_84] : memref<256x1xf32, #tpu.memory_space<vmem>>, vector<256x1xf32>
    %mul3A_86 = arith.mulf %mul3A_82, %get3A_85 : vector<256x1xf32>
    %mul3A_87 = arith.constant 0.001953125 : f32
    %mul3A_88 = vector.broadcast %mul3A_87 : f32 to vector<256x1xf32>
    %mul3A_89 = arith.mulf %mul3A_86, %mul3A_88 : vector<256x1xf32>
    %swap3A = arith.constant 0 : index
    %swap3A_90 = arith.constant 0 : index
    %swap3A_91 = vector.load %arg6[%swap3A, %swap3A_90] : memref<256x1xf32, #tpu.memory_space<vmem>>, vector<256x1xf32>
    tpu.vector_store %arg6[%swap3A, %swap3A_90], %mul3A_89 {strides = array<i32>} : memref<256x1xf32, #tpu.memory_space<vmem>>, vector<256x1xf32>,
    %get3A_92 = arith.constant 0 : index
    %get3A_93 = arith.constant 0 : index
    %get3A_94 = vector.load %arg5[%get3A_92, %get3A_93] : memref<1x1xf32, #tpu.memory_space<vmem>>, vector<1x1xf32>
    %get3A_95 = arith.constant 0 : index
    %get3A_96 = arith.constant 0 : index
    %get3A_97 = vector.load %arg4[%get3A_95, %get3A_96] : memref<256x1xf32, #tpu.memory_space<vmem>>, vector<1x1xf32>
    %mul3A_98 = arith.mulf %get3A_94, %get3A_97 : vector<1x1xf32>
    %swap3A_99 = arith.constant 0 : index
    %swap3A_100 = arith.constant 0 : index
    %swap3A_101 = vector.load %arg7[%swap3A_99, %swap3A_100] : memref<1x1xf32, #tpu.memory_space<vmem>>, vector<1x1xf32>
    tpu.vector_store %arg7[%swap3A_99, %swap3A_100], %mul3A_98 {strides = array<i32>} : memref<1x1xf32, #tpu.memory_space<vmem>>, vector<1x1xf32>,
    return
  }
}

module attributes {stable_mosaic.version = 14 : i64} {
  func.func @_tc_accum_body(%arg0: memref<25000000xf32, #tpu.memory_space<hbm>>, %arg1: memref<104192xf32, #tpu.memory_space<hbm>>, %arg2: memref<288xi32, #tpu.memory_space<smem>>, %arg3: memref<288xf32, #tpu.memory_space<smem>>, %arg4: memref<102928xf32, #tpu.memory_space<vmem>>, %arg5: memref<808x128xf32, #tpu.memory_space<vmem>>, %arg6: memref<103424xf32, #tpu.memory_space<vmem>>, %arg7: memref<103424xf32, #tpu.memory_space<vmem>>, %arg8: memref<!tpu.dma_semaphore, #tpu.memory_space<semaphore_mem>>, %arg9: memref<!tpu.dma_semaphore, #tpu.memory_space<semaphore_mem>>) attributes {dimension_semantics = [], scalar_prefetch = 0 : i64, scratch_operands = 5 : i64, tpu.core_type = #tpu.core_type<tc>} {
    %iota3A = tpu.iota {dimensions = array<i32: 1>} : vector<808x128xi32>
    %broadcast_in_dim3A = arith.constant 0.000000e+00 : f32
    %broadcast_in_dim3A_0 = vector.broadcast %broadcast_in_dim3A : f32 to vector<808x128xf32>
    %swap3A = arith.constant 0 : index
    %swap3A_1 = arith.constant 0 : index
    %swap3A_2 = vector.load %arg5[%swap3A, %swap3A_1] : memref<808x128xf32, #tpu.memory_space<vmem>>, vector<808x128xf32>
    tpu.vector_store %arg5[%swap3A, %swap3A_1], %broadcast_in_dim3A_0 {strides = array<i32>} : memref<808x128xf32, #tpu.memory_space<vmem>>, vector<808x128xf32>,
    %broadcast_in_dim3A_3 = arith.constant 0.000000e+00 : f32
    %broadcast_in_dim3A_4 = vector.broadcast %broadcast_in_dim3A_3 : f32 to vector<256xf32>
    %swap3A_5 = arith.constant 103168 : index
    %swap3A_6 = vector.load %arg6[%swap3A_5] : memref<103424xf32, #tpu.memory_space<vmem>>, vector<256xf32>
    tpu.vector_store %arg6[%swap3A_5], %broadcast_in_dim3A_4 {strides = array<i32>} : memref<103424xf32, #tpu.memory_space<vmem>>, vector<256xf32>,
    %swap3A_7 = arith.constant 103168 : index
    %swap3A_8 = vector.load %arg7[%swap3A_7] : memref<103424xf32, #tpu.memory_space<vmem>>, vector<256xf32>
    tpu.vector_store %arg7[%swap3A_7], %broadcast_in_dim3A_4 {strides = array<i32>} : memref<103424xf32, #tpu.memory_space<vmem>>, vector<256xf32>,
    %get3A = arith.constant 64 : index
    %get3A_9 = memref.load %arg2[%get3A] : memref<288xi32, #tpu.memory_space<smem>>
    %shift_right_arithmetic3A = arith.constant 7 : i32
    %shift_right_arithmetic3A_10 = arith.shrsi %get3A_9, %shift_right_arithmetic3A : i32
    %shift_left3A = arith.constant 7 : i32
    %shift_left3A_11 = arith.shli %shift_right_arithmetic3A_10, %shift_left3A : i32
    %multiple_of3A = tpu.assume_multiple %shift_left3A_11, 128 : i32
    %sub3A = arith.subi %get3A_9, %multiple_of3A : i32
    %le3A = arith.constant 24896832 : i32
    %le3A_12 = arith.cmpi sle, %multiple_of3A, %le3A : i32
    %convert_element_type3A = arith.extui %le3A_12 : i1 to i32
    %cond3A = arith.constant 0 : i32
    %cond3A_13 = arith.cmpi ne, %convert_element_type3A, %cond3A : i32
    scf.if %cond3A_13 {
      %dma_start3A = arith.constant 0 : i32
      %dma_start3A_28 = tpu.memref_slice %arg6[%dma_start3A] : memref<103424xf32, #tpu.memory_space<vmem>> -> memref<103168xf32, #tpu.memory_space<vmem>>
      %dma_start3A_29 = tpu.memref_slice %arg0[%multiple_of3A] : memref<25000000xf32, #tpu.memory_space<hbm>> -> memref<103168xf32, #tpu.memory_space<hbm>>
      tpu.enqueue_dma source(%dma_start3A_29 : memref<103168xf32, #tpu.memory_space<hbm>>) target(%dma_start3A_28 : memref<103168xf32, #tpu.memory_space<vmem>>) target_semaphore(%arg8 : memref<!tpu.dma_semaphore, #tpu.memory_space<semaphore_mem>>)
    } else {
    }
    %gt3A = arith.constant 24896832 : i32
    %gt3A_14 = arith.cmpi sgt, %multiple_of3A, %gt3A : i32
    %convert_element_type3A_15 = arith.extui %gt3A_14 : i1 to i32
    %cond3A_16 = arith.constant 0 : i32
    %cond3A_17 = arith.cmpi ne, %convert_element_type3A_15, %cond3A_16 : i32
    scf.if %cond3A_17 {
      %sub3A_28 = arith.constant 24896000 : i32
      %sub3A_29 = arith.subi %multiple_of3A, %sub3A_28 : i32
      %multiple_of3A_30 = tpu.assume_multiple %sub3A_29, 128 : i32
      %dma_start3A = arith.constant 0 : i32
      %dma_start3A_31 = tpu.memref_slice %arg6[%dma_start3A] : memref<103424xf32, #tpu.memory_space<vmem>> -> memref<103168xf32, #tpu.memory_space<vmem>>
      %dma_start3A_32 = tpu.memref_slice %arg1[%multiple_of3A_30] : memref<104192xf32, #tpu.memory_space<hbm>> -> memref<103168xf32, #tpu.memory_space<hbm>>
      tpu.enqueue_dma source(%dma_start3A_32 : memref<103168xf32, #tpu.memory_space<hbm>>) target(%dma_start3A_31 : memref<103168xf32, #tpu.memory_space<vmem>>) target_semaphore(%arg8 : memref<!tpu.dma_semaphore, #tpu.memory_space<semaphore_mem>>)
    } else {
    }
    %scan3A = arith.constant 0 : i32
    %scan3A_18 = arith.constant 24 : i32
    %scan3A_19 = arith.addi %scan3A, %scan3A_18 : i32
    %scan3A_20 = arith.constant 1 : i32
    %scan3A_21 = scf.for %scan3A_28 = %scan3A to %scan3A_19 step %scan3A_20 iter_args(%scan3A_29 = %sub3A) -> (i32)  : i32 {
      %mul3A = arith.constant 2 : i32
      %mul3A_30 = arith.muli %mul3A, %scan3A_28 : i32
      %add3A = arith.constant 64 : i32
      %add3A_31 = arith.addi %add3A, %mul3A_30 : i32
      %add3A_32 = arith.constant 1 : i32
      %add3A_33 = arith.addi %add3A_31, %add3A_32 : i32
      %get3A_34 = arith.index_cast %add3A_33 : i32 to index
      %get3A_35 = memref.load %arg2[%get3A_34] : memref<288xi32, #tpu.memory_space<smem>>
      %shift_right_arithmetic3A_36 = arith.constant 7 : i32
      %shift_right_arithmetic3A_37 = arith.shrsi %get3A_35, %shift_right_arithmetic3A_36 : i32
      %shift_left3A_38 = arith.constant 7 : i32
      %shift_left3A_39 = arith.shli %shift_right_arithmetic3A_37, %shift_left3A_38 : i32
      %multiple_of3A_40 = tpu.assume_multiple %shift_left3A_39, 128 : i32
      %sub3A_41 = arith.subi %get3A_35, %multiple_of3A_40 : i32
      %le3A_42 = arith.constant 24896832 : i32
      %le3A_43 = arith.cmpi sle, %multiple_of3A_40, %le3A_42 : i32
      %convert_element_type3A_44 = arith.extui %le3A_43 : i1 to i32
      %cond3A_45 = arith.constant 0 : i32
      %cond3A_46 = arith.cmpi ne, %convert_element_type3A_44, %cond3A_45 : i32
      scf.if %cond3A_46 {
        %dma_start3A = arith.constant 0 : i32
        %dma_start3A_136 = tpu.memref_slice %arg7[%dma_start3A] : memref<103424xf32, #tpu.memory_space<vmem>> -> memref<103168xf32, #tpu.memory_space<vmem>>
        %dma_start3A_137 = tpu.memref_slice %arg0[%multiple_of3A_40] : memref<25000000xf32, #tpu.memory_space<hbm>> -> memref<103168xf32, #tpu.memory_space<hbm>>
        tpu.enqueue_dma source(%dma_start3A_137 : memref<103168xf32, #tpu.memory_space<hbm>>) target(%dma_start3A_136 : memref<103168xf32, #tpu.memory_space<vmem>>) target_semaphore(%arg9 : memref<!tpu.dma_semaphore, #tpu.memory_space<semaphore_mem>>)
      } else {
      }
      %gt3A_47 = arith.constant 24896832 : i32
      %gt3A_48 = arith.cmpi sgt, %multiple_of3A_40, %gt3A_47 : i32
      %convert_element_type3A_49 = arith.extui %gt3A_48 : i1 to i32
      %cond3A_50 = arith.constant 0 : i32
      %cond3A_51 = arith.cmpi ne, %convert_element_type3A_49, %cond3A_50 : i32
      scf.if %cond3A_51 {
        %sub3A_136 = arith.constant 24896000 : i32
        %sub3A_137 = arith.subi %multiple_of3A_40, %sub3A_136 : i32
        %multiple_of3A_138 = tpu.assume_multiple %sub3A_137, 128 : i32
        %dma_start3A = arith.constant 0 : i32
        %dma_start3A_139 = tpu.memref_slice %arg7[%dma_start3A] : memref<103424xf32, #tpu.memory_space<vmem>> -> memref<103168xf32, #tpu.memory_space<vmem>>
        %dma_start3A_140 = tpu.memref_slice %arg1[%multiple_of3A_138] : memref<104192xf32, #tpu.memory_space<hbm>> -> memref<103168xf32, #tpu.memory_space<hbm>>
        tpu.enqueue_dma source(%dma_start3A_140 : memref<103168xf32, #tpu.memory_space<hbm>>) target(%dma_start3A_139 : memref<103168xf32, #tpu.memory_space<vmem>>) target_semaphore(%arg9 : memref<!tpu.dma_semaphore, #tpu.memory_space<semaphore_mem>>)
      } else {
      }
      %dma_wait3A = arith.constant 0 : i32
      %dma_wait3A_52 = tpu.memref_slice %arg6[%dma_wait3A] : memref<103424xf32, #tpu.memory_space<vmem>> -> memref<103168xf32, #tpu.memory_space<vmem>>
      %dma_wait3A_53 = arith.constant 0 : i32
      %dma_wait3A_54 = tpu.memref_slice %arg0[%dma_wait3A_53] : memref<25000000xf32, #tpu.memory_space<hbm>> -> memref<103168xf32, #tpu.memory_space<hbm>>
      tpu.wait_dma2 semaphore(%arg8 : memref<!tpu.dma_semaphore, #tpu.memory_space<semaphore_mem>>) src(%dma_wait3A_54 : memref<103168xf32, #tpu.memory_space<hbm>>) dst(%dma_wait3A_52 : memref<103168xf32, #tpu.memory_space<vmem>>)
      %get3A_55 = arith.constant 0 : index
      %get3A_56 = vector.load %arg6[%get3A_55] : memref<103424xf32, #tpu.memory_space<vmem>>, vector<103424xf32>
      %reshape3A_57 = vector.shape_cast %get3A_56 : vector<103424xf32> to vector<808x128xf32>
      %sub3A_58 = arith.constant 128 : i32
      %sub3A_59 = arith.subi %sub3A_58, %scan3A_29 : i32
      %roll3A = tpu.dynamic_rotate %reshape3A_57 by %sub3A_59 dim 1 : vector<808x128xf32>, i32 -> vector<808x128xf32>
      %roll3A_60 = arith.constant 807 : i32
      %roll3A_61 = tpu.dynamic_rotate %roll3A by %roll3A_60 dim 0 : vector<808x128xf32>, i32 -> vector<808x128xf32>
      %sub3A_62 = arith.constant 128 : i32
      %sub3A_63 = arith.subi %sub3A_62, %scan3A_29 : i32
      %lt3A = vector.broadcast %sub3A_63 : i32 to vector<808x128xi32>
      %lt3A_64 = arith.cmpi slt, %iota3A, %lt3A : vector<808x128xi32>
      %select_n3A = arith.select %lt3A_64, %roll3A, %roll3A_61 : vector<808x128xi1>, vector<808x128xf32>
      %get3A_65 = arith.constant 0 : index
      %get3A_66 = arith.constant 0 : index
      %get3A_67 = vector.load %arg5[%get3A_65, %get3A_66] : memref<808x128xf32, #tpu.memory_space<vmem>>, vector<808x128xf32>
      %get3A_68 = arith.index_cast %add3A_31 : i32 to index
      %get3A_69 = memref.load %arg3[%get3A_68] : memref<288xf32, #tpu.memory_space<smem>>
      %mul3A_70 = vector.broadcast %get3A_69 : f32 to vector<808x128xf32>
      %mul3A_71 = arith.mulf %select_n3A, %mul3A_70 : vector<808x128xf32>
      %add3A_72 = arith.addf %get3A_67, %mul3A_71 : vector<808x128xf32>
      %swap3A_73 = arith.constant 0 : index
      %swap3A_74 = arith.constant 0 : index
      %swap3A_75 = vector.load %arg5[%swap3A_73, %swap3A_74] : memref<808x128xf32, #tpu.memory_space<vmem>>, vector<808x128xf32>
      tpu.vector_store %arg5[%swap3A_73, %swap3A_74], %add3A_72 {strides = array<i32>} : memref<808x128xf32, #tpu.memory_space<vmem>>, vector<808x128xf32>,
      %get3A_76 = arith.constant 807 : index
      %get3A_77 = arith.constant 0 : index
      %get3A_78 = vector.load %arg5[%get3A_76, %get3A_77] : memref<808x128xf32, #tpu.memory_space<vmem>>, vector<1x128xf32>
      %reduce_sum3A = vector.shape_cast %get3A_78 : vector<1x128xf32> to vector<1x1x128xf32>
      %reduce_sum3A_79 = arith.constant dense<0.000000e+00> : vector<1xf32>
      %reduce_sum3A_80 = vector.multi_reduction <add>, %reduce_sum3A, %reduce_sum3A_79 [1, 2] : vector<1x1x128xf32> to vector<1xf32>
      %reduce_sum3A_81 = vector.shape_cast %reduce_sum3A_80 : vector<1xf32> to vector<1x1x1xf32>
      %reduce_sum3A_82 = vector.extract %reduce_sum3A_81[0, 0, 0] : f32 from vector<1x1x1xf32>
      %abs3A = math.absf %reduce_sum3A_82 : f32
      %min3A = arith.constant 0.000000e+00 : f32
      %min3A_83 = arith.minimumf %abs3A, %min3A : f32
      %convert_element_type3A_84 = arith.fptosi %min3A_83 : f32 to i32
      %add3A_85 = arith.constant 2 : i32
      %add3A_86 = arith.addi %add3A_31, %add3A_85 : i32
      %get3A_87 = arith.index_cast %add3A_86 : i32 to index
      %get3A_88 = memref.load %arg2[%get3A_87] : memref<288xi32, #tpu.memory_space<smem>>
      %shift_right_arithmetic3A_89 = arith.constant 7 : i32
      %shift_right_arithmetic3A_90 = arith.shrsi %get3A_88, %shift_right_arithmetic3A_89 : i32
      %shift_left3A_91 = arith.constant 7 : i32
      %shift_left3A_92 = arith.shli %shift_right_arithmetic3A_90, %shift_left3A_91 : i32
      %multiple_of3A_93 = tpu.assume_multiple %shift_left3A_92, 128 : i32
      %sub3A_94 = arith.subi %get3A_88, %multiple_of3A_93 : i32
      %add3A_95 = arith.addi %multiple_of3A_93, %convert_element_type3A_84 : i32
      %multiple_of3A_96 = tpu.assume_multiple %add3A_95, 128 : i32
      %mul3A_97 = arith.constant 2 : i32
      %mul3A_98 = arith.muli %mul3A_97, %scan3A_28 : i32
      %add3A_99 = arith.constant 2 : i32
      %add3A_100 = arith.addi %mul3A_98, %add3A_99 : i32
      %lt3A_101 = arith.constant 48 : i32
      %lt3A_102 = arith.cmpi slt, %add3A_100, %lt3A_101 : i32
      %convert_element_type3A_103 = arith.extui %lt3A_102 : i1 to i32
      %cond3A_104 = arith.constant 0 : i32
      %cond3A_105 = arith.cmpi ne, %convert_element_type3A_103, %cond3A_104 : i32
      scf.if %cond3A_105 {
        %le3A_136 = arith.constant 24896832 : i32
        %le3A_137 = arith.cmpi sle, %multiple_of3A_96, %le3A_136 : i32
        %convert_element_type3A_138 = arith.extui %le3A_137 : i1 to i32
        %cond3A_139 = arith.constant 0 : i32
        %cond3A_140 = arith.cmpi ne, %convert_element_type3A_138, %cond3A_139 : i32
        scf.if %cond3A_140 {
          %dma_start3A = arith.constant 0 : i32
          %dma_start3A_146 = tpu.memref_slice %arg6[%dma_start3A] : memref<103424xf32, #tpu.memory_space<vmem>> -> memref<103168xf32, #tpu.memory_space<vmem>>
          %dma_start3A_147 = tpu.memref_slice %arg0[%multiple_of3A_96] : memref<25000000xf32, #tpu.memory_space<hbm>> -> memref<103168xf32, #tpu.memory_space<hbm>>
          tpu.enqueue_dma source(%dma_start3A_147 : memref<103168xf32, #tpu.memory_space<hbm>>) target(%dma_start3A_146 : memref<103168xf32, #tpu.memory_space<vmem>>) target_semaphore(%arg8 : memref<!tpu.dma_semaphore, #tpu.memory_space<semaphore_mem>>)
        } else {
        }
        %gt3A_141 = arith.constant 24896832 : i32
        %gt3A_142 = arith.cmpi sgt, %multiple_of3A_96, %gt3A_141 : i32
        %convert_element_type3A_143 = arith.extui %gt3A_142 : i1 to i32
        %cond3A_144 = arith.constant 0 : i32
        %cond3A_145 = arith.cmpi ne, %convert_element_type3A_143, %cond3A_144 : i32
        scf.if %cond3A_145 {
          %sub3A_146 = arith.constant 24896000 : i32
          %sub3A_147 = arith.subi %multiple_of3A_96, %sub3A_146 : i32
          %multiple_of3A_148 = tpu.assume_multiple %sub3A_147, 128 : i32
          %dma_start3A = arith.constant 0 : i32
          %dma_start3A_149 = tpu.memref_slice %arg6[%dma_start3A] : memref<103424xf32, #tpu.memory_space<vmem>> -> memref<103168xf32, #tpu.memory_space<vmem>>
          %dma_start3A_150 = tpu.memref_slice %arg1[%multiple_of3A_148] : memref<104192xf32, #tpu.memory_space<hbm>> -> memref<103168xf32, #tpu.memory_space<hbm>>
          tpu.enqueue_dma source(%dma_start3A_150 : memref<103168xf32, #tpu.memory_space<hbm>>) target(%dma_start3A_149 : memref<103168xf32, #tpu.memory_space<vmem>>) target_semaphore(%arg8 : memref<!tpu.dma_semaphore, #tpu.memory_space<semaphore_mem>>)
        } else {
        }
      } else {
      }
      %dma_wait3A_106 = arith.constant 0 : i32
      %dma_wait3A_107 = tpu.memref_slice %arg7[%dma_wait3A_106] : memref<103424xf32, #tpu.memory_space<vmem>> -> memref<103168xf32, #tpu.memory_space<vmem>>
      %dma_wait3A_108 = arith.constant 0 : i32
      %dma_wait3A_109 = tpu.memref_slice %arg0[%dma_wait3A_108] : memref<25000000xf32, #tpu.memory_space<hbm>> -> memref<103168xf32, #tpu.memory_space<hbm>>
      tpu.wait_dma2 semaphore(%arg9 : memref<!tpu.dma_semaphore, #tpu.memory_space<semaphore_mem>>) src(%dma_wait3A_109 : memref<103168xf32, #tpu.memory_space<hbm>>) dst(%dma_wait3A_107 : memref<103168xf32, #tpu.memory_space<vmem>>)
      %add3A_110 = arith.constant 1 : i32
      %add3A_111 = arith.addi %add3A_31, %add3A_110 : i32
      %get3A_112 = arith.constant 0 : index
      %get3A_113 = vector.load %arg7[%get3A_112] : memref<103424xf32, #tpu.memory_space<vmem>>, vector<103424xf32>
      %reshape3A_114 = vector.shape_cast %get3A_113 : vector<103424xf32> to vector<808x128xf32>
      %sub3A_115 = arith.constant 128 : i32
      %sub3A_116 = arith.subi %sub3A_115, %sub3A_41 : i32
      %roll3A_117 = tpu.dynamic_rotate %reshape3A_114 by %sub3A_116 dim 1 : vector<808x128xf32>, i32 -> vector<808x128xf32>
      %roll3A_118 = arith.constant 807 : i32
      %roll3A_119 = tpu.dynamic_rotate %roll3A_117 by %roll3A_118 dim 0 : vector<808x128xf32>, i32 -> vector<808x128xf32>
      %sub3A_120 = arith.constant 128 : i32
      %sub3A_121 = arith.subi %sub3A_120, %sub3A_41 : i32
      %lt3A_122 = vector.broadcast %sub3A_121 : i32 to vector<808x128xi32>
      %lt3A_123 = arith.cmpi slt, %iota3A, %lt3A_122 : vector<808x128xi32>
      %select_n3A_124 = arith.select %lt3A_123, %roll3A_117, %roll3A_119 : vector<808x128xi1>, vector<808x128xf32>
      %get3A_125 = arith.constant 0 : index
      %get3A_126 = arith.constant 0 : index
      %get3A_127 = vector.load %arg5[%get3A_125, %get3A_126] : memref<808x128xf32, #tpu.memory_space<vmem>>, vector<808x128xf32>
      %get3A_128 = arith.index_cast %add3A_111 : i32 to index
      %get3A_129 = memref.load %arg3[%get3A_128] : memref<288xf32, #tpu.memory_space<smem>>
      %mul3A_130 = vector.broadcast %get3A_129 : f32 to vector<808x128xf32>
      %mul3A_131 = arith.mulf %select_n3A_124, %mul3A_130 : vector<808x128xf32>
      %add3A_132 = arith.addf %get3A_127, %mul3A_131 : vector<808x128xf32>
      %swap3A_133 = arith.constant 0 : index
      %swap3A_134 = arith.constant 0 : index
      %swap3A_135 = vector.load %arg5[%swap3A_133, %swap3A_134] : memref<808x128xf32, #tpu.memory_space<vmem>>, vector<808x128xf32>
      tpu.vector_store %arg5[%swap3A_133, %swap3A_134], %add3A_132 {strides = array<i32>} : memref<808x128xf32, #tpu.memory_space<vmem>>, vector<808x128xf32>,
      scf.yield %sub3A_94 : i32
    }
    %scan3A_22 = arith.constant 24 : i32
    %get3A_23 = arith.constant 0 : index
    %get3A_24 = arith.constant 0 : index
    %get3A_25 = vector.load %arg5[%get3A_23, %get3A_24] : memref<808x128xf32, #tpu.memory_space<vmem>>, vector<808x128xf32>
    %reshape3A = vector.shape_cast %get3A_25 : vector<808x128xf32> to vector<103424xf32>
    %slice3A = vector.extract_strided_slice %reshape3A {offsets = [0], sizes = [102928], strides = [1]} : vector<103424xf32> to vector<102928xf32>
    %swap3A_26 = arith.constant 0 : index
    %swap3A_27 = vector.load %arg4[%swap3A_26] : memref<102928xf32, #tpu.memory_space<vmem>>, vector<102928xf32>
    tpu.vector_store %arg4[%swap3A_26], %slice3A {strides = array<i32>} : memref<102928xf32, #tpu.memory_space<vmem>>, vector<102928xf32>,
    return
  }
}

module attributes {stable_mosaic.version = 14 : i64} {
  func.func @_clip_body(%arg0: memref<103424xf32, #tpu.memory_space<vmem>>, %arg1: memref<102928xf32, #tpu.memory_space<vmem>>, %arg2: memref<102928xf32, #tpu.memory_space<vmem>>) attributes {dimension_semantics = [], scalar_prefetch = 0 : i64, scratch_operands = 0 : i64, tpu.core_type = #tpu.core_type<tc>} {
    %get3A = arith.constant 0 : index
    %get3A_0 = vector.load %arg0[%get3A] : memref<103424xf32, #tpu.memory_space<vmem>>, vector<102928xf32>
    %get3A_1 = arith.constant 0 : index
    %get3A_2 = vector.load %arg1[%get3A_1] : memref<102928xf32, #tpu.memory_space<vmem>>, vector<102928xf32>
    %add3A = arith.addf %get3A_0, %get3A_2 : vector<102928xf32>
    %mul3A = arith.mulf %add3A, %add3A : vector<102928xf32>
    %reduce_sum3A = vector.shape_cast %mul3A : vector<102928xf32> to vector<1x102928xf32>
    %reduce_sum3A_3 = arith.constant dense<0.000000e+00> : vector<1xf32>
    %reduce_sum3A_4 = vector.multi_reduction <add>, %reduce_sum3A, %reduce_sum3A_3 [1] : vector<1x102928xf32> to vector<1xf32>
    %reduce_sum3A_5 = vector.shape_cast %reduce_sum3A_4 : vector<1xf32> to vector<1x1xf32>
    %reduce_sum3A_6 = vector.extract %reduce_sum3A_5[0, 0] : f32 from vector<1x1xf32>
    %sqrt3A = math.sqrt %reduce_sum3A_6 : f32
    %max3A = arith.constant 4.000000e+01 : f32
    %max3A_7 = arith.maximumf %sqrt3A, %max3A : f32
    %div3A = arith.constant 4.000000e+01 : f32
    %div3A_8 = arith.divf %div3A, %max3A_7 : f32
    %mul3A_9 = vector.broadcast %div3A_8 : f32 to vector<102928xf32>
    %mul3A_10 = arith.mulf %add3A, %mul3A_9 : vector<102928xf32>
    %swap3A = arith.constant 0 : index
    %swap3A_11 = vector.load %arg2[%swap3A] : memref<102928xf32, #tpu.memory_space<vmem>>, vector<102928xf32>
    tpu.vector_store %arg2[%swap3A], %mul3A_10 {strides = array<i32>} : memref<102928xf32, #tpu.memory_space<vmem>>, vector<102928xf32>,
    return
  }
}

</mosaic_0001>

<sc_bundles>
// kernel: kernel.6.cloned.1.call-start
scs
__scs_entry_jumppad:
0x0: {  	(pc) =	sbr.rel $0x88, $3  }
0x1: {  	(tag) =	ssettag $0x0;
	lr =	simm.s32 $0x1  }
0x2: {  	[smem:$0x3F9B] =	sst lr;
	_ =	strace $0xD0000000  }
0x3: {  	_ = 	snop  }
0x4: {  	_ = 	snop  }
0x5: {  	_ = 	snop  }
0x6: {  	_ = 	snop  }
0x7: {  	_ = 	snop  }
__scs_overlays_trampoline_lowered:
0x8: {  	[smem:$0x3FAA] =	sst s0  }
0x9: {  	[smem:$0x3FAB] =	sst s1  }
0xa: {  	[smem:$0x3FAC] =	sst s2  }
0xb: {  	[smem:$0x3FAD] =	sst s3  }
0xc: {  	[smem:$0x3FAE] =	sst s4  }
0xd: {  	[smem:$0x3FAF] =	sst s5  }
0xe: {  	[smem:$0x3FB0] =	sst s6  }
0xf: {  	[smem:$0x3FB1] =	sst s7  }
0x10: {  	[smem:$0x3FB2] =	sst s8  }
0x11: {  	[smem:$0x3FB3] =	sst s9;
	s0 =	simm.s32 @!p0 $0x0  }
0x12: {  	s1 =	sld [smem:$0x3F99];
	s0 =	simm.s32 @p0 $0x1  }
0x13: {  	[smem:$0x3FB4] =	sst s0;
	s0 =	simm.s32 @!p1 $0x0  }
0x14: {  	s2 =	sld [smem:$0x3F98];
	s0 =	simm.s32 @p1 $0x1  }
0x15: {  	[smem:$0x3FB5] =	sst s0;
	s0 =	simm.s32 @!p2 $0x0  }
0x16: {  	s3 =	sld [smem:$0x3FDB];
	s0 =	simm.s32 @p2 $0x1  }
0x17: {  	s4 =	simm.s32 $0x1BF5;
	[smem:$0x3FB7] =	sst s0  }
0x18: {  	s0 =	sld [smem:$0x3F9A];
	_ =	swait.ge [sflag:s4], $0x0  }
0x19: {  	s7 =	sld [smem:$0x3F9B]  }
0x1a: {  	s8 =	sadd.s32 $0xFFFFE003, lr  }
0x1b: {  	s9 =	sadd.s32 $0xFFFFFEF7, lr;
	s5 =	simm.s32 $0xFFFFFFFF;
	p2 =	slt.u32 s8, $0xFFFFF086  }
0x1c: {  	p1 =	slt.u32 s9, $0xF7A;
	s5 =	simm.s32 @!p2 $0x0  }
0x1d: {  	s5 =	simm.s32 @p1 $0x1;
	p0 =	seq.s32 s7, s2  }
0x1e: {  	s7 =	smul.u32 @!p0 $0xF7A, s2;
	p2 =	seq.s32 @!p0 s5, $0x0  }
0x1f: {  	s9 =	smul.u32 $0xF7A, s1;
	s8 =	simm.s32 @!p0 $0x1BF5;
	p2 =	por !p2, p0  }
0x20: {  	[sflag:s8] =	ssyncset.s32 @!p0 $0xFFFFF086;
	s6 =	sadd.s32 @!p0 s3, s7;
	s7 =	simm.s32 @!p0 $0x108  }
0x21: {  	s3 =	sadd.s32 s3, s9;
	s6 =	sadd.s32 @!p0 $0x88, s6;
	s7 =	simm.s32 @p2 $0x1082  }
0x22: {  	[simem:s7], [sflag:s8] =	dma.local @!p0 [hbm:s6], $0xF7A  }
0x23: {  	s9 =	sor.u32 $0xD0000000, s2;
	s6 =	simm.s32 $0x108;
	_ =	swait.ge @!p0 [sflag:s8], $0x0  }
0x24: {  	s3 =	sadd.s32 $0x88, s3;
	s6 =	simm.s32 @!p1 $0x1082;
	[sflag:s4] =	ssyncset.s32 $0xFFFFF086  }
0x25: {  	[simem:s6], [sflag:s4] =	dma.local [hbm:s3], $0xF7A  }
0x26: {  	[smem:$0x3F9B] =	sst s1;
	(tag) =	ssettag s2;
	_ =	strace s9  }
0x27: {  	s1 =	sld [smem:$0x3FAB]  }
0x28: {  	s2 =	sld [smem:$0x3FAC]  }
0x29: {  	s4 =	sld [smem:$0x3FAE]  }
0x2a: {  	p0 =	seq.s32 s5, $0x0;
	s5 =	sld [smem:$0x3FAF]  }
0x2b: {  	s6 =	sld [smem:$0x3FB0]  }
0x2c: {  	s7 =	sld [smem:$0x3FB1]  }
0x2d: {  	s3 =	simm.s32 $0x108;
	s8 =	sld [smem:$0x3FB2]  }
0x2e: {  	s3 =	simm.s32 @!p0 $0x1082;
	s9 =	sld [smem:$0x3FB3]  }
0x2f: {  	lr =	sadd.s32 s0, s3;
	s0 =	sld [smem:$0x3FAA]  }
0x30: {  	s3 =	sld [smem:$0x3FAD]  }
0x31: {  	[smem:$0x3FB6] =	sst s10  }
0x32: {  	s10 =	sld [smem:$0x3FB4];
	_ =	sdelay $0x3  }
0x33: {  	p0 =	seq.s32 s10, $0x1;
	s10 =	sld [smem:$0x3FB6];
	_ =	sdelay $0x3  }
0x34: {  	[smem:$0x3FB6] =	sst s10  }
0x35: {  	s10 =	sld [smem:$0x3FB5];
	_ =	sdelay $0x3  }
0x36: {  	p1 =	seq.s32 s10, $0x1;
	s10 =	sld [smem:$0x3FB6];
	_ =	sdelay $0x3  }
0x37: {  	[smem:$0x3FB6] =	sst s10  }
0x38: {  	s10 =	sld [smem:$0x3FB7]  }
0x39: {  	_ = 	snop;
	(pc) =	sbr.ind lr, $3  }
0x3a: {  	_ = 	snop  }
0x3b: {  	_ = 	snop  }
0x3c: {  	p2 =	seq.s32 s10, $0x1;
	s10 =	sld [smem:$0x3FB6]  }
0x3d: {  	_ =	shalt  }
0x3e: {  	_ =	shalt  }
0x3f: {  	_ =	shalt  }
0x40: {  	_ =	shalt  }
0x41: {  	_ =	shalt  }
0x42: {  	_ =	shalt  }
0x43: {  	_ =	shalt  }
0x44: {  	_ =	shalt  }
0x45: {  	_ =	shalt  }
0x46: {  	_ =	shalt  }
0x47: {  	_ =	shalt  }
0x48: {  	_ =	shalt  }
0x49: {  	_ =	shalt  }
0x4a: {  	_ =	shalt  }
0x4b: {  	_ =	shalt  }
0x4c: {  	_ =	shalt  }
0x4d: {  	_ =	shalt  }
0x4e: {  	_ =	shalt  }
0x4f: {  	_ =	shalt  }
0x50: {  	_ =	shalt  }
0x51: {  	_ =	shalt  }
0x52: {  	_ =	shalt  }
0x53: {  	_ =	shalt  }
0x54: {  	_ =	shalt  }
0x55: {  	_ =	shalt  }
0x56: {  	_ =	shalt  }
0x57: {  	_ =	shalt  }
0x58: {  	_ =	shalt  }
0x59: {  	_ =	shalt  }
0x5a: {  	_ =	shalt  }
0x5b: {  	_ =	shalt  }
0x5c: {  	_ =	shalt  }
0x5d: {  	_ =	shalt  }
0x5e: {  	_ =	shalt  }
0x5f: {  	_ =	shalt  }
0x60: {  	_ =	shalt  }
0x61: {  	_ =	shalt  }
0x62: {  	_ =	shalt  }
0x63: {  	_ =	shalt  }
0x64: {  	_ =	shalt  }
0x65: {  	_ =	shalt  }
0x66: {  	_ =	shalt  }
0x67: {  	_ =	shalt  }
0x68: {  	_ =	shalt  }
0x69: {  	_ =	shalt  }
0x6a: {  	_ =	shalt  }
0x6b: {  	_ =	shalt  }
0x6c: {  	_ =	shalt  }
0x6d: {  	_ =	shalt  }
0x6e: {  	_ =	shalt  }
0x6f: {  	_ =	shalt  }
0x70: {  	_ =	shalt  }
0x71: {  	_ =	shalt  }
0x72: {  	_ =	shalt  }
0x73: {  	_ =	shalt  }
0x74: {  	_ =	shalt  }
0x75: {  	_ =	shalt  }
0x76: {  	_ =	shalt  }
0x77: {  	_ =	shalt  }
0x78: {  	_ =	shalt  }
0x79: {  	_ =	shalt  }
0x7a: {  	_ =	shalt  }
0x7b: {  	_ =	shalt  }
0x7c: {  	_ =	shalt  }
0x7d: {  	_ =	shalt  }
0x7e: {  	_ =	shalt  }
0x7f: {  	_ =	shalt  }
0x80: {  	_ =	shalt  }
0x81: {  	_ =	shalt  }
0x82: {  	_ =	shalt  }
0x83: {  	_ =	shalt  }
0x84: {  	_ =	shalt  }
0x85: {  	_ =	shalt  }
0x86: {  	_ =	shalt  }
0x87: {  	_ =	shalt  }
.Lfunc_end0:
.L_simem_size_0:
called_computation_lowered:
.L_overlay_start_0:
0x88: {  	s2 =	sld [smem:$0x3FD9]  }
0x89: {  	s3 =	sld [smem:$0x3FFE];
	_ =	sdelay $0x1  }
0x8a: {  	s1 =	srdreg.scid  }
0x8b: {  	s0 =	sand.u32 $0x1, s1  }
0x8c: {  	s14 =	sshll.u32 s0, $0xA;
	s2 =	sadd.s32 s3, s2  }
0x8d: {  	s2 =	sadd.s32 s2, s14  }
0x8e: {  	[smem:$0x3FC2] =	sst s2  }
0x8f: {  	_ = 	snop  }
0x90: {  	s2 =	sld [smem:$0x3FD0];
	_ =	sdelay $0x1  }
0x91: {  	s15 =	sld [smem:$0x3FC9]  }
0x92: {  	s5 =	simm.s32 $0xA;
	s6 =	simm.s32 $0x10;
	s4 =	sld [smem:$0x3FC8]  }
0x93: {  	[smem:s6], [sflag:s5] =	dma.local [hbm:s2], $0x1  }
0x94: {  	_ =	swait.eq [sflag:s5], $0x1  }
0x95: {  	[sflag:s5] =	ssyncset.done $0x0  }
0x96: {  	s16 =	sld [smem:$0x10];
	[sflag:s5] =	ssyncadd.s32 $0xFFFFFFFF  }
0x97: {  	s17 =	sld [smem:$0x11];
	(tm) =	ssettm $0x1  }
0x98: {  	s18 =	sld [smem:$0x3FFB];
	_ =	sdelay $0x3  }
0x99: {  	_ =	strace s18  }
0x9a: {  	s6 =	sld [smem:$0x3FFC];
	_ =	sdelay $0x3  }
0x9b: {  	_ =	strace s6  }
0x9c: {  	s6 =	sld [smem:$0x3FFD];
	_ =	sdelay $0x3  }
0x9d: {  	_ =	strace s6  }
0x9e: {  	_ =	strace $0x8FFFFFFF  }
0x9f: {  	s19 =	sld [smem:$0x3FDB];
	_ =	sdelay $0x1  }
0xa0: {  	s7 =	simm.s32 $_scs_section_size  }
0xa1: {  	s8 =	simm.s32 $_size__tile_overlayer_lowered;
	s9 =	simm.s32 $_tile_overlayer_lowered  }
0xa2: {  	s22 =	simm.s32 $0x1BFF;
	s21 =	sshll.u32 s9, $0x1;
	s6 =	sadd.s32 s7, s19  }
0xa3: {  	s10 =	simm.s32 $0x0;
	s20 =	sshll.u32 s8, $0x1;
	s8 =	sadd.s32 s21, s6  }
0xa4: {  	[timem:s10], [sflag:s22] =	dma.local [hbm:s8], s20  }
0xa5: {  	_ =	swait.ge [sflag:s22], s20  }
0xa6: {  	s7 =	ssub.s32 $0x0, s20;
	[sflag:s22] =	ssyncset.done $0x0  }
0xa7: {  	[sflag:s22] =	ssyncadd.s32 s7;
	_ =	sdelay $0x1  }
0xa8: {  	s23 =	simm.s32 $0x1B8B  }
0xa9: {  	_ =	swait.ge [sflag:s23], $0x1  }
0xaa: {  	[sflag:s23] =	ssyncset.done $0x0  }
0xab: {  	s25 =	simm.s32 $0x1B8E;
	s24 =	sld [smem:$0x3FFE];
	[sflag:s23] =	ssyncadd.s32 $0xFFFFFFFF  }
0xac: {  	s26 =	simm.s32 $execute0_lowered;
	[smem:$0x3FD2] =	sst s25  }
0xad: {  	s8 =	sshll.u32 s26, $0x1;
	_ =	strace $0x80000046;
	[dreg:$0x1] =	wrdreg $0xFFFFFFFF  }
0xae: {  	s28 =	simm.s32 $_size_execute0_lowered;
	s6 =	sadd.s32 s6, s8;
	[dreg:$0x0] =	wrdreg $0x0  }
0xaf: {  	s8 =	sshll.u32 s28, $0x1;
	[dreg:$0x2] =	wrdreg s6  }
0xb0: {  	[dreg:$0x3] =	wrdreg s8  }
0xb1: {  	[dreg:$0x4] =	wrdreg $0xC0  }
0xb2: {  	_ =	task [dreg:s10], $0x5FFFF  }
0xb3: {  	[dreg:$0x1] =	wrdreg $0xFFFFFFFF  }
0xb4: {  	[dreg:$0x0] =	wrdreg $0x60  }
0xb5: {  	[dreg:$0x2] =	wrdreg s15  }
0xb6: {  	[dreg:$0x3] =	wrdreg s24  }
0xb7: {  	[dreg:$0x4] =	wrdreg s4  }
0xb8: {  	[dreg:$0x5] =	wrdreg s16  }
0xb9: {  	[dreg:$0x6] =	wrdreg s17  }
0xba: {  	[dreg:$0x7] =	wrdreg $0x9  }
0xbb: {  	_ =	task.clear_ibuf [dreg:s10], $0x8FFFF;
	_ =	strace $0x90000046  }
0xbc: {  	s29 =	simm.s32 $0x9;
	_ =	strace $0x80000048  }
0xbd: {  	_ =	swait.ge [sflag:s29], $0x1  }
0xbe: {  	[sflag:s29] =	ssyncadd.s32 $0xFFFFFFFF  }
0xbf: {  	_ =	strace $0x90000048  }
0xc0: {  	_ =	sfence  }
0xc1: {  	s30 =	sld [smem:$0x0];
	_ =	sdelay $0x2  }
0xc2: {  	s31 =	sshll.u32 s1, $0xD;
	s1 =	sshrl.u32 s1, $0x2  }
0xc3: {  	s3 =	sand.u32 $0x4000, s31;
	s1 =	sadd.s32 s1, s30  }
0xc4: {  	s0 =	sor.u32 s3, s0;
	s1 =	sshll.u32 s1, $0x11  }
0xc5: {  	s0 =	sor.u32 s1, s0  }
0xc6: {  	s0 =	sadd.s32 $0x8F2B, s0  }
0xc7: {  	[sflag:s0] =	ssyncadd.remote.s32 $0x1  }
0xc8: {  	_ =	sfence.sel $0xFFFF  }
0xc9: {  	[dreg:$0x0] =	wrdreg $0xFFFFFFFF;
	(pc) =	sbr.abs _section_cstart, $3  }
0xca: {  	[dreg:$0x1] =	wrdreg $0xFFFFFFFF  }
0xcb: {  	_ =	task.clear_ibuf [dreg:s10], $0x2FFFF;
	_ =	strace $0x9FFFFFFF  }
0xcc: {  	(tm) =	ssettm $0x7FFFFFFF  }
0xcd: {  	_ =	shalt  }
tec
execute0_lowered:
.L_overlay_start_1:
0x0: {  	(tag) =	ssettag $0x1  }
0x1: {  	s0 =	rddreg [dreg:$0x0]  }
0x2: {  	s1 =	rddreg [dreg:$0x1]  }
0x3: {  	s2 =	rddreg [dreg:$0x2]  }
0x4: {  	s3 =	rddreg [dreg:$0x3];
	s4 =	srdreg.scid  }
0x5: {  	s6 =	stileid.u32;
	s5 =	rddreg [dreg:$0x4];
	s9 =	simm.s32 $0x0  }
0x6: {  	s4 =	sand.u32 $0x1, s4;
	s6 =	sshll.u32 s6, $0x1;
	[smem:$0x7FF] =	sst s9  }
0x7: {  	s8 =	sadd.s32 $0xE00, s1;
	s6 =	sor.u32 s4, s6;
	s7 =	ssub.s32 $0x2, s4  }
0x8: {  	s1 =	sadd.s32 $0x1000, s1;
	s4 =	smul.u32 $0xCA0, s6;
	s25 =	sshrl.u32 s7, $0x1  }
0x9: {  	_ =	strace $0x80000047;
	[dreg:$0x6] =	wrdreg s8;
	s26 =	ssub.s32 s7, s25  }
0xa: {  	[dreg:$0x7] =	wrdreg s1;
	s28 =	sshrl.u32 s4, $0x3;
	s1 =	smax.u32 s26, $0x1  }
.Ltmp0:
0xb: {  	s29 =	sadd.s32 s2, s28;
	[dreg:$0xc] =	wrdreg s1;
	(pc) =	sbr.rel .LBB2_1-.Ltmp0, $4  }
0xc: {  	s2 =	sadd.s32 $0x30EC, s2;
	[dreg:$0x8] =	wrdreg s29  }
0xd: {  	s30 =	sadd.s32 s3, s28;
	[dreg:$0x9] =	wrdreg s2  }
0xe: {  	p0 =	seq.s32 s6, $0x1F;
	s31 =	sadd.s32 s5, s28;
	[dreg:$0xa] =	wrdreg s30  }
0xf: {  	v0 =	vimm.f32 $0.0e+00;
	s5 =	simm.s32 $0x11;
	s3 =	simm.s32 $0x0;
	[dreg:$0xb] =	wrdreg s31  }
.LBB2_21:
0x10: {  	s9 =	simm.s32 $0x0  }
0x11: {  	s1 =	rddreg [dreg:$0xa];
	s2 =	simm.s32 $0x300;
	s5 =	simm.s32 $0x11  }
0x12: {  	[hbm4b:s1+s9] =	stream.linear.scatter [tilespmem:s2], [sflag:$0x11], $0xCA0, $0x38;
	[tilespmem:$0x10D00] =	vst v63  }
0x13: {  	_ =	swait.ge [sflag:s5], $0xCA0  }
0x14: {  	s1 =	simm.s32 @p0 $0x0;
	[sflag:s5] =	ssyncset.done $0x0  }
0x15: {  	s2 =	simm.s32 @p0 $0x1000;
	s3 =	rddreg [dreg:$0xb];
	[sflag:s5] =	ssyncadd.s32 $0xFFFFF360  }
0x16: {  	[hbm4b:s3+s1] =	stream.linear.scatter @p0 [tilespmem:s2], [sflag:$0x11], $0xAB0, $0x38;
	[tilespmem:$0x10D00] =	vst v63  }
0x17: {  	s1 =	simm.s32 @p0 $0x11  }
0x18: {  	_ =	swait.ge @p0 [sflag:s1], $0xAB0  }
0x19: {  	[sflag:s1] =	ssyncset.done @p0 $0x0  }
0x1a: {  	s2 =	simm.s32 @!p0 $0x1000;
	[sflag:s1] =	ssyncadd.s32 @p0 $0xFFFFF550;
	s1 =	simm.s32 @!p0 $0x0  }
0x1b: {  	[hbm4b:s3+s1] =	stream.linear.scatter @!p0 [tilespmem:s2], [sflag:$0x11], $0xCA0, $0x38;
	[tilespmem:$0x10D00] =	vst v63  }
0x1c: {  	s1 =	simm.s32 @!p0 $0x11  }
0x1d: {  	_ =	swait.ge @!p0 [sflag:s1], $0xCA0  }
0x1e: {  	s30 =	rddreg [dreg:$0xd]  }
0x1f: {  	s31 =	rddreg [dreg:$0xc];
	s3 =	sadd.s32 $0x1, s30  }
0x20: {  	p1 =	sne.s32 s3, s31  }
.Ltmp1:
0x21: {  	_ = 	snop;
	(pc) =	sbr.rel @!p1 .LBB2_22-.Ltmp1, $3  }
0x22: {  	_ =	sdelay $0x1  }
0x23: {  	[sflag:s1] =	ssyncset.done @!p0 $0x0  }
0x24: {  	[sflag:s1] =	ssyncadd.s32 @!p0 $0xFFFFF360  }
.LBB2_1:
0x25: {  	[dreg:$0xd] =	wrdreg s3  }
0x26: {  	s1 =	rddreg [dreg:$0x6]  }
0x27: {  	[tilespmem:s9], [sflag:$0x11] =	stream.linear.gather [hbm4b:s1+s9], $0x180, $0x38;
	[tilespmem:$0x10D00] =	vst v63  }
0x28: {  	_ =	swait.ge [sflag:s5], $0x180  }
0x29: {  	[sflag:s5] =	ssyncset.done $0x0  }
0x2a: {  	s2 =	simm.s32 $0x180;
	s31 =	rddreg [dreg:$0x7];
	[sflag:s5] =	ssyncadd.s32 $0xFFFFFE80  }
0x2b: {  	[tilespmem:s2], [sflag:$0x11] =	stream.linear.gather [hbm4b:s31+s9], $0x180, $0x38;
	[tilespmem:$0x10D00] =	vst v63  }
0x2c: {  	_ =	swait.ge [sflag:s5], $0x180  }
0x2d: {  	s1 =	simm.s32 @p0 $0x0;
	[sflag:s5] =	ssyncset.done $0x0  }
0x2e: {  	s2 =	simm.s32 @p0 $0x1000;
	s3 =	rddreg [dreg:$0x9];
	[sflag:s5] =	ssyncadd.s32 $0xFFFFFE80  }
0x2f: {  	[tilespmem:s2], [sflag:$0x11] =	stream.linear.gather @p0 [hbm4b:s3+s1], $0xAB0, $0x38;
	[tilespmem:$0x10D00] =	vst v63  }
0x30: {  	s1 =	simm.s32 @p0 $0x11  }
0x31: {  	_ =	swait.ge @p0 [sflag:s1], $0xAB0  }
0x32: {  	s2 =	simm.s32 @!p0 $0x1000;
	[sflag:s1] =	ssyncset.done @p0 $0x0  }
0x33: {  	s3 =	rddreg [dreg:$0x8];
	[sflag:s1] =	ssyncadd.s32 @p0 $0xFFFFF550;
	s1 =	simm.s32 @!p0 $0x0  }
0x34: {  	[tilespmem:s2], [sflag:$0x11] =	stream.linear.gather @!p0 [hbm4b:s3+s1], $0xCA0, $0x38;
	[tilespmem:$0x10D00] =	vst v63  }
0x35: {  	s1 =	simm.s32 @!p0 $0x11  }
0x36: {  	_ =	swait.ge @!p0 [sflag:s1], $0xCA0  }
0x37: {  	[sflag:s1] =	ssyncset.done @!p0 $0x0  }
0x38: {  	[sflag:s1] =	ssyncadd.s32 @!p0 $0xFFFFF360;
	s1 =	simm.s32 $0x0  }
.LBB2_2:
0x39: {  	p1 =	sne.s32 s1, $0x3240  }
.Ltmp2:
0x3a: {  	_ = 	snop;
	(pc) =	sbr.rel @p1 .LBB2_2-.Ltmp2, $3  }
0x3b: {  	_ =	sdelay $0x1  }
0x3c: {  	s2 =	sshra.s32 s1, $0x2  }
0x3d: {  	s1 =	sadd.s32 $0x40, s1;
	[tilespmem:s2+$0x300] =	vst v0  }
0x3e: {  	s1 =	simm.s32 $0xCB0;
	s2 =	simm.s32 $0x3300  }
.LBB2_4:
0x3f: {  	p1 =	sne.s32 s2, $0x3A80;
	[tilespmem:s1+$0xFE00] =	vst v0  }
0x40: {  	[tilespmem:s1+$0x1D00] =	vst v0  }
0x41: {  	[tilespmem:s1+$0x2C00] =	vst v0  }
0x42: {  	[tilespmem:s1+$0x3B00] =	vst v0  }
0x43: {  	[tilespmem:s1+$0x4A00] =	vst v0  }
0x44: {  	[tilespmem:s1+$0x5900] =	vst v0  }
0x45: {  	[tilespmem:s1+$0x6800] =	vst v0  }
0x46: {  	[tilespmem:s1+$0x7700] =	vst v0  }
0x47: {  	[tilespmem:s1+$0x8600] =	vst v0  }
0x48: {  	[tilespmem:s1+$0x9500] =	vst v0  }
0x49: {  	[tilespmem:s1+$0xA400] =	vst v0  }
.Ltmp3:
0x4a: {  	[tilespmem:s1+$0xB300] =	vst v0;
	(pc) =	sbr.rel @p1 .LBB2_4-.Ltmp3, $4  }
0x4b: {  	[tilespmem:s1+$0xC200] =	vst v0  }
0x4c: {  	[tilespmem:s1+$0xD100] =	vst v0  }
0x4d: {  	[tilespmem:s1+$0xE000] =	vst v0  }
0x4e: {  	[tilespmem:s1+$0xEF00] =	vst v0;
	s1 =	sshra.s32 s2, $0x2;
	s2 =	sadd.s32 $0x40, s2  }
0x4f: {  	[tilespmem:s1+$0xFE00] =	vst v0  }
0x50: {  	[tilespmem:s1+$0x1D00] =	vst v0  }
0x51: {  	[tilespmem:s1+$0x2C00] =	vst v0  }
0x52: {  	[tilespmem:s1+$0x3B00] =	vst v0  }
0x53: {  	[tilespmem:s1+$0x4A00] =	vst v0  }
0x54: {  	[tilespmem:s1+$0x5900] =	vst v0  }
0x55: {  	[tilespmem:s1+$0x6800] =	vst v0  }
0x56: {  	[tilespmem:s1+$0x7700] =	vst v0  }
0x57: {  	[tilespmem:s1+$0x8600] =	vst v0  }
0x58: {  	[tilespmem:s1+$0x9500] =	vst v0  }
0x59: {  	[tilespmem:s1+$0xA400] =	vst v0  }
0x5a: {  	[tilespmem:s1+$0xB300] =	vst v0  }
0x5b: {  	[tilespmem:s1+$0xC200] =	vst v0  }
0x5c: {  	[tilespmem:s1+$0xD100] =	vst v0  }
0x5d: {  	[tilespmem:s1+$0xE000] =	vst v0  }
0x5e: {  	[tilespmem:s1+$0xEF00] =	vst v0  }
0x5f: {  	v1 =	vld [tilespmem:$0x0];
	_ =	sdelay $0x4  }
0x60: {  	(v2sf) =	vpush v1, $0x0;
	_ =	sdelay $0xe  }
0x61: {  	s26 =	spop (v2sf)  }
0x62: {  	s1 =	sadd.s32 s4, s26  }
0x63: {  	s2 =	sand.u32 $0xFFFFFFF8, s1  }
0x64: {  	p1 =	slt.s32 s2, $0x17D6B90  }
0x65: {  	s2 =	simm.s32 @!p1 $0x17D6B90  }
0x66: {  	s3 =	sshrl.u32 s2, $0x3  }
0x67: {  	s6 =	simm.s32 $0x0;
	s31 =	simm.s32 $0x1D00;
	s3 =	sadd.s32 s0, s3  }
0x68: {  	[tilespmem:s31], [sflag:$0x1] =	stream.linear.gather [hbm4b:s3+s6], $0xCB0, $0x38;
	[tilespmem:$0x10D00] =	vst v63  }
0x69: {  	v1 =	vld [tilespmem:$0x1];
	_ =	sdelay $0x4  }
0x6a: {  	(v2sf) =	vpush v1, $0x0;
	_ =	sdelay $0xe  }
0x6b: {  	s5 =	spop (v2sf)  }
0x6c: {  	s7 =	sadd.s32 s4, s5  }
0x6d: {  	s15 =	sand.u32 $0xFFFFFFF8, s7  }
0x6e: {  	p1 =	slt.s32 s15, $0x17D6B90  }
0x6f: {  	s15 =	simm.s32 @!p1 $0x17D6B90  }
0x70: {  	s8 =	sshrl.u32 s15, $0x3  }
0x71: {  	s9 =	simm.s32 $0x2C00;
	s3 =	sadd.s32 s0, s8  }
0x72: {  	[tilespmem:s9], [sflag:$0x2] =	stream.linear.gather [hbm4b:s3+s6], $0xCB0, $0x38;
	[tilespmem:$0x10D00] =	vst v63  }
0x73: {  	v1 =	vld [tilespmem:$0x2];
	_ =	sdelay $0x4  }
0x74: {  	(v2sf) =	vpush v1, $0x0;
	_ =	sdelay $0xe  }
0x75: {  	s10 =	spop (v2sf)  }
0x76: {  	s11 =	sadd.s32 s4, s10  }
0x77: {  	s13 =	sand.u32 $0xFFFFFFF8, s11  }
0x78: {  	p1 =	slt.s32 s13, $0x17D6B90  }
0x79: {  	s13 =	simm.s32 @!p1 $0x17D6B90  }
0x7a: {  	s12 =	sshrl.u32 s13, $0x3  }
0x7b: {  	s14 =	simm.s32 $0x3B00;
	s3 =	sadd.s32 s0, s12  }
0x7c: {  	[tilespmem:s14], [sflag:$0x3] =	stream.linear.gather [hbm4b:s3+s6], $0xCB0, $0x38;
	[tilespmem:$0x10D00] =	vst v63  }
0x7d: {  	v1 =	vld [tilespmem:$0x3];
	_ =	sdelay $0x4  }
0x7e: {  	(v2sf) =	vpush v1, $0x0;
	_ =	sdelay $0xe  }
0x7f: {  	s16 =	spop (v2sf)  }
0x80: {  	s17 =	sadd.s32 s4, s16  }
0x81: {  	[dreg:$0x13] =	wrdreg s1;
	s1 =	sand.u32 $0xFFFFFFF8, s17  }
0x82: {  	p1 =	slt.s32 s1, $0x17D6B90  }
0x83: {  	s1 =	simm.s32 @!p1 $0x17D6B90  }
0x84: {  	s18 =	sshrl.u32 s1, $0x3  }
0x85: {  	s5 =	simm.s32 $0x4A00;
	s3 =	sadd.s32 s0, s18  }
0x86: {  	[tilespmem:s5], [sflag:$0x4] =	stream.linear.gather [hbm4b:s3+s6], $0xCB0, $0x38;
	[tilespmem:$0x10D00] =	vst v63  }
0x87: {  	v1 =	vld [tilespmem:$0x4];
	_ =	sdelay $0x4  }
0x88: {  	(v2sf) =	vpush v1, $0x0;
	_ =	sdelay $0xe  }
0x89: {  	s19 =	spop (v2sf)  }
0x8a: {  	s3 =	sadd.s32 s4, s19  }
0x8b: {  	s12 =	sand.u32 $0xFFFFFFF8, s3  }
0x8c: {  	p1 =	slt.s32 s12, $0x17D6B90  }
0x8d: {  	s12 =	simm.s32 @!p1 $0x17D6B90  }
0x8e: {  	s20 =	sshrl.u32 s12, $0x3  }
0x8f: {  	s21 =	simm.s32 $0x5900;
	[dreg:$0x17] =	wrdreg s3;
	s3 =	sadd.s32 s0, s20  }
0x90: {  	[tilespmem:s21], [sflag:$0x5] =	stream.linear.gather [hbm4b:s3+s6], $0xCB0, $0x38;
	[tilespmem:$0x10D00] =	vst v63  }
0x91: {  	v1 =	vld [tilespmem:$0x5];
	_ =	sdelay $0x4  }
0x92: {  	(v2sf) =	vpush v1, $0x0;
	_ =	sdelay $0xe  }
0x93: {  	s22 =	spop (v2sf)  }
0x94: {  	s18 =	sadd.s32 s4, s22  }
0x95: {  	s8 =	sand.u32 $0xFFFFFFF8, s18  }
0x96: {  	p1 =	slt.s32 s8, $0x17D6B90  }
0x97: {  	s8 =	simm.s32 @!p1 $0x17D6B90  }
0x98: {  	s23 =	sshrl.u32 s8, $0x3  }
0x99: {  	s24 =	simm.s32 $0x6800;
	s3 =	sadd.s32 s0, s23  }
0x9a: {  	[tilespmem:s24], [sflag:$0x6] =	stream.linear.gather [hbm4b:s3+s6], $0xCB0, $0x38;
	[tilespmem:$0x10D00] =	vst v63  }
0x9b: {  	v1 =	vld [tilespmem:$0x6];
	_ =	sdelay $0x4  }
0x9c: {  	(v2sf) =	vpush v1, $0x0;
	_ =	sdelay $0xe  }
0x9d: {  	s25 =	spop (v2sf)  }
0x9e: {  	s29 =	sadd.s32 s4, s25  }
0x9f: {  	s20 =	sand.u32 $0xFFFFFFF8, s29  }
0xa0: {  	p1 =	slt.s32 s20, $0x17D6B90  }
0xa1: {  	s20 =	simm.s32 @!p1 $0x17D6B90  }
0xa2: {  	s26 =	sshrl.u32 s20, $0x3  }
0xa3: {  	s31 =	simm.s32 $0x7700;
	s3 =	sadd.s32 s0, s26  }
0xa4: {  	[tilespmem:s31], [sflag:$0x7] =	stream.linear.gather [hbm4b:s3+s6], $0xCB0, $0x38;
	[tilespmem:$0x10D00] =	vst v63  }
0xa5: {  	v1 =	vld [tilespmem:$0x7];
	_ =	sdelay $0x4  }
0xa6: {  	(v2sf) =	vpush v1, $0x0;
	_ =	sdelay $0xe  }
0xa7: {  	s5 =	spop (v2sf)  }
0xa8: {  	s30 =	sadd.s32 s4, s5  }
0xa9: {  	s22 =	sand.u32 $0xFFFFFFF8, s30  }
0xaa: {  	p1 =	slt.s32 s22, $0x17D6B90  }
0xab: {  	s22 =	simm.s32 @!p1 $0x17D6B90  }
0xac: {  	[dreg:$0x14] =	wrdreg s7;
	s7 =	sshrl.u32 s22, $0x3  }
0xad: {  	s9 =	simm.s32 $0x8600;
	s3 =	sadd.s32 s0, s7  }
0xae: {  	[tilespmem:s9], [sflag:$0x8] =	stream.linear.gather [hbm4b:s3+s6], $0xCB0, $0x38;
	[tilespmem:$0x10D00] =	vst v63  }
0xaf: {  	v1 =	vld [tilespmem:$0x8];
	_ =	sdelay $0x4  }
0xb0: {  	(v2sf) =	vpush v1, $0x0;
	_ =	sdelay $0xe  }
0xb1: {  	s10 =	spop (v2sf)  }
0xb2: {  	s28 =	sadd.s32 s4, s10  }
0xb3: {  	s24 =	sand.u32 $0xFFFFFFF8, s28  }
0xb4: {  	p1 =	slt.s32 s24, $0x17D6B90  }
0xb5: {  	s24 =	simm.s32 @!p1 $0x17D6B90  }
0xb6: {  	[dreg:$0x15] =	wrdreg s11;
	s11 =	sshrl.u32 s24, $0x3  }
0xb7: {  	s14 =	simm.s32 $0x9500;
	s3 =	sadd.s32 s0, s11  }
0xb8: {  	[tilespmem:s14], [sflag:$0x9] =	stream.linear.gather [hbm4b:s3+s6], $0xCB0, $0x38;
	[tilespmem:$0x10D00] =	vst v63  }
0xb9: {  	v1 =	vld [tilespmem:$0x9];
	_ =	sdelay $0x4  }
0xba: {  	(v2sf) =	vpush v1, $0x0;
	_ =	sdelay $0xe  }
0xbb: {  	s16 =	spop (v2sf)  }
0xbc: {  	s25 =	sadd.s32 s4, s16  }
0xbd: {  	s26 =	sand.u32 $0xFFFFFFF8, s25  }
0xbe: {  	p1 =	slt.s32 s26, $0x17D6B90  }
0xbf: {  	s26 =	simm.s32 @!p1 $0x17D6B90  }
0xc0: {  	[dreg:$0x16] =	wrdreg s17;
	s17 =	sshrl.u32 s26, $0x3  }
0xc1: {  	s19 =	simm.s32 $0xA400;
	s3 =	sadd.s32 s0, s17  }
0xc2: {  	[tilespmem:s19], [sflag:$0xA] =	stream.linear.gather [hbm4b:s3+s6], $0xCB0, $0x38;
	[tilespmem:$0x10D00] =	vst v63  }
0xc3: {  	v1 =	vld [tilespmem:$0xA];
	_ =	sdelay $0x4  }
0xc4: {  	(v2sf) =	vpush v1, $0x0;
	_ =	sdelay $0xe  }
0xc5: {  	s21 =	spop (v2sf)  }
0xc6: {  	s31 =	sadd.s32 s4, s21  }
0xc7: {  	s10 =	sand.u32 $0xFFFFFFF8, s31  }
0xc8: {  	p1 =	slt.s32 s10, $0x17D6B90  }
0xc9: {  	s10 =	simm.s32 @!p1 $0x17D6B90  }
0xca: {  	s14 =	sshrl.u32 s10, $0x3  }
0xcb: {  	s23 =	simm.s32 $0xB300;
	s14 =	sadd.s32 s0, s14  }
0xcc: {  	[tilespmem:s23], [sflag:$0xB] =	stream.linear.gather [hbm4b:s14+s6], $0xCB0, $0x38;
	[tilespmem:$0x10D00] =	vst v63  }
0xcd: {  	v1 =	vld [tilespmem:$0xB];
	_ =	sdelay $0x4  }
0xce: {  	(v2sf) =	vpush v1, $0x0;
	_ =	sdelay $0xe  }
0xcf: {  	s5 =	spop (v2sf)  }
0xd0: {  	s23 =	sadd.s32 s4, s5  }
0xd1: {  	s9 =	sand.u32 $0xFFFFFFF8, s23  }
0xd2: {  	p1 =	slt.s32 s9, $0x17D6B90  }
0xd3: {  	s9 =	simm.s32 @!p1 $0x17D6B90  }
0xd4: {  	s7 =	sshrl.u32 s9, $0x3  }
0xd5: {  	s11 =	simm.s32 $0xC200;
	s14 =	sadd.s32 s0, s7  }
0xd6: {  	[tilespmem:s11], [sflag:$0xC] =	stream.linear.gather [hbm4b:s14+s6], $0xCB0, $0x38;
	[tilespmem:$0x10D00] =	vst v63  }
0xd7: {  	v1 =	vld [tilespmem:$0xC];
	_ =	sdelay $0x4  }
0xd8: {  	(v2sf) =	vpush v1, $0x0;
	_ =	sdelay $0xe  }
0xd9: {  	s16 =	spop (v2sf)  }
0xda: {  	s21 =	sadd.s32 s4, s16  }
0xdb: {  	s16 =	sand.u32 $0xFFFFFFF8, s21  }
0xdc: {  	p1 =	slt.s32 s16, $0x17D6B90  }
0xdd: {  	s16 =	simm.s32 @!p1 $0x17D6B90  }
0xde: {  	s17 =	sshrl.u32 s16, $0x3  }
0xdf: {  	s19 =	simm.s32 $0xD100;
	s14 =	sadd.s32 s0, s17  }
0xe0: {  	[tilespmem:s19], [sflag:$0xD] =	stream.linear.gather [hbm4b:s14+s6], $0xCB0, $0x38;
	[tilespmem:$0x10D00] =	vst v63  }
0xe1: {  	v1 =	vld [tilespmem:$0xD];
	_ =	sdelay $0x4  }
0xe2: {  	(v2sf) =	vpush v1, $0x0;
	_ =	sdelay $0xe  }
0xe3: {  	s3 =	spop (v2sf)  }
0xe4: {  	s11 =	sadd.s32 s4, s3  }
0xe5: {  	s7 =	sand.u32 $0xFFFFFFF8, s11  }
0xe6: {  	p1 =	slt.s32 s7, $0x17D6B90  }
0xe7: {  	s7 =	simm.s32 @!p1 $0x17D6B90  }
0xe8: {  	s5 =	sshrl.u32 s7, $0x3  }
0xe9: {  	s17 =	simm.s32 $0xE000;
	s14 =	sadd.s32 s0, s5  }
0xea: {  	[tilespmem:s17], [sflag:$0xE] =	stream.linear.gather [hbm4b:s14+s6], $0xCB0, $0x38;
	[tilespmem:$0x10D00] =	vst v63  }
0xeb: {  	v1 =	vld [tilespmem:$0xE];
	_ =	sdelay $0x4  }
0xec: {  	(v2sf) =	vpush v1, $0x0;
	_ =	sdelay $0xe  }
0xed: {  	s19 =	spop (v2sf)  }
0xee: {  	s19 =	sadd.s32 s4, s19  }
0xef: {  	s5 =	sand.u32 $0xFFFFFFF8, s19  }
0xf0: {  	p1 =	slt.s32 s5, $0x17D6B90  }
0xf1: {  	s5 =	simm.s32 @!p1 $0x17D6B90  }
0xf2: {  	s3 =	sshrl.u32 s5, $0x3  }
0xf3: {  	s17 =	simm.s32 $0xEF00;
	s14 =	sadd.s32 s0, s3  }
0xf4: {  	[tilespmem:s17], [sflag:$0xF] =	stream.linear.gather [hbm4b:s14+s6], $0xCB0, $0x38;
	[tilespmem:$0x10D00] =	vst v63  }
0xf5: {  	v1 =	vld [tilespmem:$0xF];
	_ =	sdelay $0x4  }
0xf6: {  	(v2sf) =	vpush v1, $0x0;
	_ =	sdelay $0xb  }
0xf7: {  	s9 =	ssub.s32 s23, s9  }
0xf8: {  	s18 =	ssub.s32 s18, s8;
	[dreg:$0x12] =	wrdreg s9;
	s7 =	ssub.s32 s11, s7  }
0xf9: {  	s30 =	ssub.s32 s30, s22;
	[dreg:$0x10] =	wrdreg s7;
	s5 =	ssub.s32 s19, s5  }
0xfa: {  	s8 =	ssub.s32 s25, s26;
	[dreg:$0xf] =	wrdreg s5;
	s3 =	spop (v2sf)  }
0xfb: {  	s26 =	simm.s32 $0xFE00;
	s14 =	rddreg [dreg:$0x13];
	s17 =	sadd.s32 s4, s3  }
0xfc: {  	s2 =	ssub.s32 s14, s2;
	s14 =	rddreg [dreg:$0x14];
	s3 =	sand.u32 $0xFFFFFFF8, s17  }
0xfd: {  	s15 =	ssub.s32 s14, s15;
	s14 =	rddreg [dreg:$0x15];
	p1 =	slt.s32 s3, $0x17D6B90  }
0xfe: {  	s14 =	ssub.s32 s14, s13;
	s13 =	rddreg [dreg:$0x16];
	s3 =	simm.s32 @!p1 $0x17D6B90  }
0xff: {  	s13 =	ssub.s32 s13, s1;
	s1 =	rddreg [dreg:$0x17];
	s22 =	sshrl.u32 s3, $0x3  }
0x100: {  	s1 =	ssub.s32 s1, s12;
	s3 =	ssub.s32 s17, s3;
	s12 =	sadd.s32 s0, s22  }
0x101: {  	[tilespmem:s26], [sflag:$0x10] =	stream.linear.gather [hbm4b:s12+s6], $0xCB0, $0x38;
	[tilespmem:$0x10D00] =	vst v63  }
0x102: {  	[dreg:$0xe] =	wrdreg s3;
	s26 =	ssub.s32 s31, s10;
	s31 =	ssub.s32 s21, s16  }
0x103: {  	s29 =	ssub.s32 s29, s20;
	s28 =	ssub.s32 s28, s24;
	[dreg:$0x11] =	wrdreg s31  }
.LBB2_6:
0x104: {  	s3 =	simm.s32 $0x1  }
0x105: {  	_ =	swait.ge [sflag:s3], $0xCB0  }
0x106: {  	[sflag:s3] =	ssyncset.done $0x0  }
0x107: {  	s23 =	simm.s32 $0x2;
	[sflag:s3] =	ssyncadd.s32 $0xFFFFF350  }
0x108: {  	_ =	swait.ge [sflag:s23], $0xCB0  }
0x109: {  	[sflag:s23] =	ssyncset.done $0x0  }
0x10a: {  	s24 =	simm.s32 $0x3;
	[sflag:s23] =	ssyncadd.s32 $0xFFFFF350  }
0x10b: {  	_ =	swait.ge [sflag:s24], $0xCB0  }
0x10c: {  	[sflag:s24] =	ssyncset.done $0x0  }
0x10d: {  	s25 =	simm.s32 $0x4;
	[sflag:s24] =	ssyncadd.s32 $0xFFFFF350  }
0x10e: {  	_ =	swait.ge [sflag:s25], $0xCB0  }
0x10f: {  	[sflag:s25] =	ssyncset.done $0x0  }
0x110: {  	s5 =	simm.s32 $0x5;
	[sflag:s25] =	ssyncadd.s32 $0xFFFFF350  }
0x111: {  	_ =	swait.ge [sflag:s5], $0xCB0  }
0x112: {  	[sflag:s5] =	ssyncset.done $0x0  }
0x113: {  	s7 =	simm.s32 $0x6;
	[sflag:s5] =	ssyncadd.s32 $0xFFFFF350  }
0x114: {  	_ =	swait.ge [sflag:s7], $0xCB0  }
0x115: {  	[sflag:s7] =	ssyncset.done $0x0  }
0x116: {  	s9 =	simm.s32 $0x7;
	p1 =	slt.u32 s6, $0x4;
	[sflag:s7] =	ssyncadd.s32 $0xFFFFF350  }
0x117: {  	s2 =	sshll.u32 s2, $0x2;
	s10 =	sshll.u32 s15, $0x2;
	_ =	swait.ge [sflag:s9], $0xCB0  }
0x118: {  	s31 =	sshra.s32 s2, $0x2;
	s15 =	sshra.s32 s10, $0x2;
	[sflag:s9] =	ssyncset.done $0x0  }
0x119: {  	s11 =	sadd.s32 $0x1D30, s31;
	[sflag:s9] =	ssyncadd.s32 $0xFFFFF350;
	s9 =	simm.s32 $0x8  }
0x11a: {  	s12 =	sadd.s32 $0x2C30, s15;
	s7 =	sshll.u32 s6, $0x4;
	_ =	swait.ge [sflag:s9], $0xCB0  }
0x11b: {  	s3 =	sadd.s32 $0x30, s7;
	s5 =	sor.u32 $0x1, s7;
	[sflag:s9] =	ssyncset.done $0x0  }
0x11c: {  	s16 =	sadd.s32 $0x31, s7;
	s3 =	smov.u32 @p1 s7;
	[sflag:s9] =	ssyncadd.s32 $0xFFFFF350  }
0x11d: {  	v9 =	vmov s11;
	s17 =	sadd.s32 $0x32, s7;
	s16 =	smov.u32 @p1 s5;
	s5 =	sor.u32 $0x2, s7;
	v1 =	vld.msk [tilespmem:s3+$0x180 ss:$0x0], $0xffff  }
0x11e: {  	s19 =	sadd.s32 $0x33, s7;
	s17 =	smov.u32 @p1 s5;
	s5 =	sor.u32 $0x3, s7;
	v2 =	vld.msk [tilespmem:s16+$0x180 ss:$0x0], $0xffff  }
0x11f: {  	v10 =	vmov s12;
	s20 =	sadd.s32 $0x34, s7;
	s19 =	smov.u32 @p1 s5;
	s5 =	sor.u32 $0x4, s7;
	v3 =	vld.msk [tilespmem:s17+$0x180 ss:$0x0], $0xffff  }
0x120: {  	s20 =	smov.u32 @p1 s5;
	v4 =	vld.msk [tilespmem:s19+$0x180 ss:$0x0], $0xffff  }
0x121: {  	s21 =	sshll.u32 s18, $0x2;
	s18 =	simm.s32 $0x40;
	v5 =	vld.msk [tilespmem:s20+$0x180 ss:$0x0], $0xffff  }
0x122: {  	v33 =	vld.idx.msk [tilespmem:v9+s18+$0x0 ss:$0x1], $0xffff  }
0x123: {  	v44 =	vld.idx.msk [tilespmem:v9+s18+$0xFFFFFFD0 ss:$0x1], $0xffff  }
0x124: {  	s5 =	sor.u32 $0x5, s7;
	s3 =	sadd.s32 $0x35, s7;
	v45 =	vld.idx.msk [tilespmem:v10+s18+$0xFFFFFFE0 ss:$0x1], $0xffff  }
0x125: {  	s2 =	sor.u32 $0x6, s7;
	s16 =	sadd.s32 $0x36, s7;
	v47 =	vld.idx.msk [tilespmem:v10+s18+$0xFFFFFFF0 ss:$0x1], $0xffff;
	s3 =	smov.u32 @p1 s5  }
0x126: {  	s17 =	sshll.u32 s13, $0x2;
	s16 =	smov.u32 @p1 s2;
	v6 =	vld.msk [tilespmem:s3+$0x180 ss:$0x0], $0xffff  }
0x127: {  	s13 =	sshra.s32 s17, $0x2;
	s17 =	simm.s32 $0x0;
	v7 =	vld.msk [tilespmem:s16+$0x180 ss:$0x0], $0xffff  }
0x128: {  	s14 =	sshll.u32 s14, $0x2;
	v17 =	vld.idx.msk [tilespmem:v9+s17+$0x0 ss:$0x1], $0xffff  }
0x129: {  	s14 =	sshra.s32 s14, $0x2;
	v18 =	vld.idx.msk [tilespmem:v10+s17+$0x0 ss:$0x1], $0xffff  }
0x12a: {  	s19 =	sadd.s32 $0x3B30, s14;
	v19 =	vld.idx.msk [tilespmem:v9+s17+$0xFFFFFFD0 ss:$0x1], $0xffff  }
0x12b: {  	v11 =	vmov s19;
	v21 =	vld.idx.msk [tilespmem:v10+s17+$0xFFFFFFD0 ss:$0x1], $0xffff  }
0x12c: {  	s1 =	sshll.u32 s1, $0x2;
	s20 =	sadd.s32 $0x4A30, s13;
	v23 =	vld.idx.msk [tilespmem:v9+s17+$0xFFFFFFE0 ss:$0x1], $0xffff  }
0x12d: {  	s16 =	sshra.s32 s1, $0x2;
	v25 =	vld.idx.msk [tilespmem:v10+s17+$0xFFFFFFE0 ss:$0x1], $0xffff;
	v12 =	vmov s20  }
0x12e: {  	v27 =	vld.idx.msk [tilespmem:v9+s17+$0xFFFFFFF0 ss:$0x1], $0xffff;
	s22 =	sadd.s32 $0x5930, s16  }
0x12f: {  	s2 =	sor.u32 $0x7, s7;
	s5 =	sadd.s32 $0x37, s7;
	s1 =	sshra.s32 s21, $0x2;
	v29 =	vld.idx.msk [tilespmem:v10+s17+$0xFFFFFFF0 ss:$0x1], $0xffff;
	v13 =	vmov s22  }
0x130: {  	s24 =	sshll.u32 s29, $0x2;
	s5 =	smov.u32 @p1 s2;
	s23 =	sadd.s32 $0x6820, s1;
	v20 =	vld.idx.msk [tilespmem:v11+s17+$0x0 ss:$0x1], $0xffff  }
0x131: {  	s2 =	sshra.s32 s24, $0x2;
	v8 =	vld.msk [tilespmem:s5+$0x180 ss:$0x0], $0xffff;
	v14 =	vmov s23  }
0x132: {  	s25 =	sshll.u32 s30, $0x2;
	s30 =	sadd.s32 $0x7720, s2;
	v22 =	vld.idx.msk [tilespmem:v12+s17+$0x0 ss:$0x1], $0xffff  }
0x133: {  	s29 =	sshra.s32 s25, $0x2;
	v15 =	vmov s30;
	v31 =	vld.idx.msk [tilespmem:v11+s17+$0xFFFFFFD0 ss:$0x1], $0xffff;
	v17 =	vmul.f32 v17, v1;
	v18 =	vmul.f32 v18, v2  }
0x134: {  	s3 =	sadd.s32 $0x8620, s29;
	v24 =	vld.idx.msk [tilespmem:v13+s17+$0x0 ss:$0x1], $0xffff  }
0x135: {  	v16 =	vmov s3;
	v32 =	vld.idx.msk [tilespmem:v11+s17+$0xFFFFFFF0 ss:$0x1], $0xffff;
	v17 =	vadd.f32 v18, v17;
	v18 =	vmul.f32 v20, v3  }
0x136: {  	v26 =	vld.idx.msk [tilespmem:v14+s17+$0x10 ss:$0x1], $0xffff  }
0x137: {  	v48 =	vld.idx.msk [tilespmem:v11+s18+$0xFFFFFFD0 ss:$0x1], $0xffff;
	v17 =	vadd.f32 v18, v17;
	v18 =	vmul.f32 v22, v4  }
0x138: {  	v28 =	vld.idx.msk [tilespmem:v15+s17+$0x10 ss:$0x1], $0xffff  }
0x139: {  	v17 =	vadd.f32 v18, v17;
	v18 =	vmul.f32 v24, v5;
	v24 =	vld.idx.msk [tilespmem:v10+s18+$0x0 ss:$0x1], $0xffff  }
0x13a: {  	v30 =	vld.idx.msk [tilespmem:v16+s17+$0x10 ss:$0x1], $0xffff  }
0x13b: {  	v17 =	vadd.f32 v18, v17;
	v18 =	vmul.f32 v26, v6;
	v26 =	vld.idx.msk [tilespmem:v11+s18+$0x0 ss:$0x1], $0xffff  }
0x13c: {  	v50 =	vld.idx.msk [tilespmem:v11+s18+$0xFFFFFFF0 ss:$0x1], $0xffff  }
0x13d: {  	v58 =	vld.idx.msk [tilespmem:v12+s18+$0x0 ss:$0x1], $0xffff;
	v17 =	vadd.f32 v18, v17;
	v18 =	vmul.f32 v28, v7  }
0x13e: {  	v33 =	vmul.f32 v33, v1;
	v34 =	vld.idx.msk [tilespmem:v12+s17+$0xFFFFFFE0 ss:$0x1], $0xffff;
	v24 =	vmul.f32 v24, v2  }
0x13f: {  	v17 =	vadd.f32 v18, v17;
	v18 =	vld.idx.msk [tilespmem:v13+s18+$0x0 ss:$0x1], $0xffff  }
0x140: {  	v35 =	vld.idx.msk [tilespmem:v12+s17+$0xFFFFFFF0 ss:$0x1], $0xffff;
	v30 =	vmul.f32 v30, v8;
	v24 =	vadd.f32 v24, v33;
	v26 =	vmul.f32 v26, v3  }
0x141: {  	v59 =	vld.idx.msk [tilespmem:v14+s18+$0x10 ss:$0x1], $0xffff  }
0x142: {  	v40 =	vld.idx.msk [tilespmem:v16+s17+$0xFFFFFFE0 ss:$0x1], $0xffff;
	v17 =	vadd.f32 v30, v17;
	v24 =	vadd.f32 v26, v24;
	v26 =	vmul.f32 v58, v4  }
0x143: {  	v61 =	vld.idx.msk [tilespmem:v15+s18+$0x10 ss:$0x1], $0xffff  }
0x144: {  	[tilespmem:s17+$0x330] =	vst.add.f32.msk $0xffff, v17;
	v17 =	vadd.f32 v26, v24;
	v18 =	vmul.f32 v18, v5  }
0x145: {  	v24 =	vld.idx.msk [tilespmem:v16+s18+$0x10 ss:$0x1], $0xffff  }
0x146: {  	v43 =	vld.idx.msk [tilespmem:v16+s17+$0x0 ss:$0x1], $0xffff;
	v17 =	vadd.f32 v18, v17;
	v18 =	vmul.f32 v59, v6  }
0x147: {  	v51 =	vld.idx.msk [tilespmem:v12+s18+$0xFFFFFFD0 ss:$0x1], $0xffff  }
0x148: {  	v52 =	vld.idx.msk [tilespmem:v12+s18+$0xFFFFFFE0 ss:$0x1], $0xffff;
	v17 =	vadd.f32 v18, v17;
	v18 =	vmul.f32 v61, v7  }
0x149: {  	v36 =	vld.idx.msk [tilespmem:v13+s17+$0xFFFFFFD0 ss:$0x1], $0xffff  }
0x14a: {  	v37 =	vld.idx.msk [tilespmem:v13+s17+$0xFFFFFFE0 ss:$0x1], $0xffff;
	v17 =	vadd.f32 v18, v17;
	v18 =	vmul.f32 v24, v8  }
0x14b: {  	v20 =	vld.idx.msk [tilespmem:v11+s17+$0xFFFFFFE0 ss:$0x1], $0xffff  }
0x14c: {  	v23 =	vmul.f32 v23, v1;
	v60 =	vld.idx.msk [tilespmem:v13+s17+$0xFFFFFFF0 ss:$0x1], $0xffff;
	v17 =	vadd.f32 v18, v17  }
0x14d: {  	v22 =	vld.idx.msk [tilespmem:v12+s17+$0xFFFFFFD0 ss:$0x1], $0xffff;
	v18 =	vmul.f32 v19, v1;
	v19 =	vmul.f32 v21, v2  }
0x14e: {  	v25 =	vmul.f32 v25, v2;
	[tilespmem:s18+$0x330] =	vst.add.f32.msk $0xffff, v17;
	v17 =	vmul.f32 v27, v1  }
0x14f: {  	v62 =	vld.idx.msk [tilespmem:v14+s17+$0xFFFFFFF0 ss:$0x1], $0xffff;
	v27 =	vmul.f32 v29, v2;
	v18 =	vadd.f32 v19, v18;
	v19 =	vmul.f32 v31, v3  }
0x150: {  	v38 =	vld.idx.msk [tilespmem:v14+s17+$0x0 ss:$0x1], $0xffff;
	v23 =	vadd.f32 v25, v23;
	v20 =	vmul.f32 v20, v3  }
0x151: {  	v26 =	vld.idx.msk [tilespmem:v14+s17+$0xFFFFFFE0 ss:$0x1], $0xffff;
	v17 =	vadd.f32 v27, v17;
	v18 =	vadd.f32 v19, v18;
	v19 =	vmul.f32 v32, v3  }
0x152: {  	v63 =	vld.idx.msk [tilespmem:v15+s17+$0xFFFFFFE0 ss:$0x1], $0xffff;
	v22 =	vmul.f32 v22, v4;
	v20 =	vadd.f32 v20, v23;
	v23 =	vmul.f32 v34, v4  }
0x153: {  	v39 =	vld.idx.msk [tilespmem:v15+s17+$0xFFFFFFF0 ss:$0x1], $0xffff;
	v46 =	vmul.f32 v36, v5;
	v17 =	vadd.f32 v19, v17;
	v19 =	vmul.f32 v35, v4  }
0x154: {  	v25 =	vld.idx.msk [tilespmem:v10+s18+$0xFFFFFFD0 ss:$0x1], $0xffff;
	v20 =	vadd.f32 v23, v20;
	v23 =	vmul.f32 v37, v5;
	v18 =	vadd.f32 v22, v18  }
0x155: {  	v24 =	vld.idx.msk [tilespmem:v15+s17+$0x0 ss:$0x1], $0xffff;
	v17 =	vadd.f32 v19, v17;
	v19 =	vmul.f32 v60, v5  }
0x156: {  	v20 =	vadd.f32 v23, v20;
	v23 =	vmul.f32 v26, v6;
	v22 =	vld.idx.msk [tilespmem:v9+s18+$0xFFFFFFF0 ss:$0x1], $0xffff;
	v18 =	vadd.f32 v46, v18  }
0x157: {  	v27 =	vld.idx.msk [tilespmem:v9+s18+$0xFFFFFFE0 ss:$0x1], $0xffff;
	v17 =	vadd.f32 v19, v17;
	v19 =	vmul.f32 v62, v6  }
0x158: {  	v53 =	vld.idx.msk [tilespmem:v12+s18+$0xFFFFFFF0 ss:$0x1], $0xffff;
	v49 =	vmul.f32 v38, v6;
	v18 =	vadd.f32 v23, v18;
	v23 =	vmul.f32 v63, v7  }
0x159: {  	v54 =	vld.idx.msk [tilespmem:v13+s18+$0xFFFFFFD0 ss:$0x1], $0xffff;
	v25 =	vmul.f32 v25, v2;
	v19 =	vadd.f32 v19, v20;
	v20 =	vmul.f32 v39, v7  }
0x15a: {  	v26 =	vld.idx.msk [tilespmem:v11+s18+$0xFFFFFFE0 ss:$0x1], $0xffff;
	v17 =	vadd.f32 v49, v17;
	v18 =	vadd.f32 v23, v18;
	v23 =	vmul.f32 v24, v7  }
0x15b: {  	v55 =	vld.idx.msk [tilespmem:v13+s18+$0xFFFFFFE0 ss:$0x1], $0xffff;
	v22 =	vmul.f32 v22, v1;
	v19 =	vadd.f32 v20, v19;
	v20 =	vmul.f32 v44, v1  }
0x15c: {  	v21 =	vld.idx.msk [tilespmem:v16+s17+$0xFFFFFFF0 ss:$0x1], $0xffff;
	v17 =	vadd.f32 v23, v17;
	v23 =	vmul.f32 v27, v1;
	v27 =	vmul.f32 v45, v2  }
0x15d: {  	v56 =	vld.idx.msk [tilespmem:v13+s18+$0xFFFFFFF0 ss:$0x1], $0xffff;
	v24 =	vmul.f32 v40, v8;
	v20 =	vadd.f32 v25, v20;
	v25 =	vmul.f32 v47, v2  }
0x15e: {  	v57 =	vld.idx.msk [tilespmem:v14+s18+$0xFFFFFFE0 ss:$0x1], $0xffff;
	v59 =	vmul.f32 v54, v5;
	v23 =	vadd.f32 v27, v23;
	v27 =	vmul.f32 v48, v3  }
0x15f: {  	v26 =	vmul.f32 v26, v3;
	v60 =	vld.idx.msk [tilespmem:v15+s18+$0xFFFFFFF0 ss:$0x1], $0xffff;
	v58 =	vadd.f32 v24, v18;
	v18 =	vadd.f32 v25, v22  }
0x160: {  	v24 =	vld.idx.msk [tilespmem:v14+s18+$0xFFFFFFF0 ss:$0x1], $0xffff;
	v22 =	vmul.f32 v50, v3;
	v20 =	vadd.f32 v27, v20;
	v25 =	vmul.f32 v51, v4  }
0x161: {  	v21 =	vmul.f32 v21, v8;
	v23 =	vadd.f32 v26, v23;
	v26 =	vld.idx.msk [tilespmem:v14+s18+$0x0 ss:$0x1], $0xffff;
	v27 =	vmul.f32 v52, v4  }
0x162: {  	v18 =	vadd.f32 v22, v18;
	v22 =	vld.idx.msk [tilespmem:v15+s18+$0xFFFFFFE0 ss:$0x1], $0xffff;
	v20 =	vadd.f32 v25, v20;
	v25 =	vmul.f32 v53, v4  }
0x163: {  	v61 =	vadd.f32 v21, v19;
	v19 =	vld.idx.msk [tilespmem:v15+s18+$0x0 ss:$0x1], $0xffff;
	v21 =	vadd.f32 v27, v23;
	v23 =	vmul.f32 v55, v5  }
0x164: {  	v30 =	vmul.f32 v57, v6;
	v62 =	vmul.f32 v56, v5;
	[tilespmem:s17+$0x300] =	vst.add.f32.msk $0xffff, v58;
	v25 =	vadd.f32 v25, v18  }
0x165: {  	v29 =	vmul.f32 v43, v8;
	v27 =	vadd.f32 v59, v20;
	v18 =	vld.idx.msk [tilespmem:v16+s18+$0xFFFFFFE0 ss:$0x1], $0xffff;
	v23 =	vadd.f32 v23, v21  }
0x166: {  	v20 =	vld.idx.msk [tilespmem:v16+s18+$0xFFFFFFF0 ss:$0x1], $0xffff;
	v63 =	vmul.f32 v26, v6;
	v28 =	vadd.f32 v62, v25;
	v25 =	vmul.f32 v24, v6  }
0x167: {  	v17 =	vadd.f32 v29, v17;
	v21 =	vld.idx.msk [tilespmem:v16+s18+$0x0 ss:$0x1], $0xffff;
	v24 =	vadd.f32 v30, v27;
	v26 =	vmul.f32 v22, v7  }
0x168: {  	s19 =	simm.s32 $0x200;
	s3 =	simm.s32 $0x4;
	[tilespmem:s17+$0x310] =	vst.add.f32.msk $0xffff, v61;
	v23 =	vadd.f32 v25, v23;
	v25 =	vmul.f32 v60, v7;
	v22 =	vadd.f32 v63, v28  }
.LBB2_7:
0x169: {  	v24 =	vadd.f32 v26, v24;
	v19 =	vmul.f32 v19, v7;
	[tilespmem:s17+$0x320] =	vst.add.f32.msk $0xffff, v17;
	s17 =	smov.u32 s18;
	s18 =	sshra.s32 s19, $0x2  }
0x16a: {  	s3 =	sadd.s32 $0x4, s3;
	v17 =	vmul.f32 v18, v8;
	v26 =	vld.idx.msk [tilespmem:v9+s18+$0x0 ss:$0x1], $0xffff;
	v18 =	vadd.f32 v25, v23  }
0x16b: {  	p2 =	slt.u32 s3, $0xC4;
	v20 =	vmul.f32 v20, v8;
	v23 =	vld.idx.msk [tilespmem:v10+s18+$0x0 ss:$0x1], $0xffff;
	v19 =	vadd.f32 v19, v22  }
0x16c: {  	v25 =	vadd.f32 v17, v24;
	v17 =	vmul.f32 v21, v8;
	v22 =	vld.idx.msk [tilespmem:v9+s18+$0xFFFFFFD0 ss:$0x1], $0xffff  }
0x16d: {  	v27 =	vadd.f32 v20, v18;
	v21 =	vld.idx.msk [tilespmem:v11+s18+$0x0 ss:$0x1], $0xffff  }
0x16e: {  	v17 =	vadd.f32 v17, v19;
	v18 =	vld.idx.msk [tilespmem:v10+s18+$0xFFFFFFD0 ss:$0x1], $0xffff  }
0x16f: {  	v19 =	vld.idx.msk [tilespmem:v12+s18+$0x0 ss:$0x1], $0xffff  }
0x170: {  	v20 =	vld.idx.msk [tilespmem:v9+s18+$0xFFFFFFE0 ss:$0x1], $0xffff  }
0x171: {  	v24 =	vmul.f32 v26, v1;
	v23 =	vmul.f32 v23, v2;
	v26 =	vld.idx.msk [tilespmem:v13+s18+$0x0 ss:$0x1], $0xffff  }
0x172: {  	v22 =	vmul.f32 v22, v1;
	v28 =	vld.idx.msk [tilespmem:v10+s18+$0xFFFFFFE0 ss:$0x1], $0xffff  }
0x173: {  	v23 =	vadd.f32 v23, v24;
	v21 =	vmul.f32 v21, v3;
	v24 =	vld.idx.msk [tilespmem:v14+s18+$0x10 ss:$0x1], $0xffff  }
0x174: {  	v18 =	vmul.f32 v18, v2;
	v29 =	vld.idx.msk [tilespmem:v9+s18+$0xFFFFFFF0 ss:$0x1], $0xffff  }
0x175: {  	v21 =	vadd.f32 v21, v23;
	v19 =	vmul.f32 v19, v4;
	v23 =	vld.idx.msk [tilespmem:v15+s18+$0x10 ss:$0x1], $0xffff  }
0x176: {  	v18 =	vadd.f32 v18, v22;
	v20 =	vmul.f32 v20, v1;
	v22 =	vld.idx.msk [tilespmem:v10+s18+$0xFFFFFFF0 ss:$0x1], $0xffff  }
0x177: {  	v19 =	vadd.f32 v19, v21;
	v21 =	vmul.f32 v26, v5;
	v26 =	vld.idx.msk [tilespmem:v16+s18+$0x10 ss:$0x1], $0xffff  }
0x178: {  	v28 =	vmul.f32 v28, v2;
	v30 =	vld.idx.msk [tilespmem:v11+s18+$0xFFFFFFD0 ss:$0x1], $0xffff  }
0x179: {  	v19 =	vadd.f32 v21, v19;
	v21 =	vmul.f32 v24, v6;
	v31 =	vld.idx.msk [tilespmem:v11+s18+$0xFFFFFFE0 ss:$0x1], $0xffff  }
0x17a: {  	v20 =	vadd.f32 v28, v20;
	v24 =	vmul.f32 v29, v1;
	v28 =	vld.idx.msk [tilespmem:v11+s18+$0xFFFFFFF0 ss:$0x1], $0xffff  }
0x17b: {  	v19 =	vadd.f32 v21, v19;
	v21 =	vmul.f32 v23, v7;
	v29 =	vld.idx.msk [tilespmem:v12+s18+$0xFFFFFFD0 ss:$0x1], $0xffff  }
0x17c: {  	v22 =	vmul.f32 v22, v2;
	v23 =	vld.idx.msk [tilespmem:v12+s18+$0xFFFFFFE0 ss:$0x1], $0xffff  }
0x17d: {  	v19 =	vadd.f32 v21, v19;
	v21 =	vmul.f32 v26, v8;
	v32 =	vld.idx.msk [tilespmem:v12+s18+$0xFFFFFFF0 ss:$0x1], $0xffff  }
0x17e: {  	v26 =	vmul.f32 v30, v3;
	v22 =	vadd.f32 v22, v24;
	v30 =	vld.idx.msk [tilespmem:v13+s18+$0xFFFFFFD0 ss:$0x1], $0xffff  }
0x17f: {  	v24 =	vmul.f32 v31, v3;
	v19 =	vadd.f32 v21, v19;
	v31 =	vld.idx.msk [tilespmem:v13+s18+$0xFFFFFFE0 ss:$0x1], $0xffff  }
0x180: {  	v18 =	vadd.f32 v26, v18;
	v21 =	vmul.f32 v28, v3;
	v26 =	vld.idx.msk [tilespmem:v13+s18+$0xFFFFFFF0 ss:$0x1], $0xffff  }
0x181: {  	v28 =	vmul.f32 v29, v4;
	v20 =	vadd.f32 v24, v20;
	[tilespmem:s18+$0x330] =	vst.add.f32.msk $0xffff, v19  }
0x182: {  	v19 =	vmul.f32 v23, v4;
	v21 =	vadd.f32 v21, v22;
	v24 =	vld.idx.msk [tilespmem:v14+s18+$0xFFFFFFE0 ss:$0x1], $0xffff  }
0x183: {  	v18 =	vadd.f32 v28, v18;
	v23 =	vmul.f32 v32, v4;
	v22 =	vld.idx.msk [tilespmem:v14+s18+$0xFFFFFFF0 ss:$0x1], $0xffff  }
0x184: {  	v28 =	vmul.f32 v30, v5;
	v19 =	vadd.f32 v19, v20;
	v29 =	vld.idx.msk [tilespmem:v14+s18+$0x0 ss:$0x1], $0xffff  }
0x185: {  	v20 =	vmul.f32 v31, v5;
	v21 =	vadd.f32 v23, v21;
	v30 =	vld.idx.msk [tilespmem:v15+s18+$0xFFFFFFE0 ss:$0x1], $0xffff  }
0x186: {  	v23 =	vadd.f32 v28, v18;
	v26 =	vmul.f32 v26, v5;
	v28 =	vld.idx.msk [tilespmem:v15+s18+$0xFFFFFFF0 ss:$0x1], $0xffff  }
0x187: {  	v31 =	vadd.f32 v20, v19;
	v19 =	vld.idx.msk [tilespmem:v15+s18+$0x0 ss:$0x1], $0xffff  }
.Ltmp4:
0x188: {  	v24 =	vmul.f32 v24, v6;
	v32 =	vadd.f32 v26, v21;
	v18 =	vld.idx.msk [tilespmem:v16+s18+$0xFFFFFFE0 ss:$0x1], $0xffff;
	(pc) =	sbr.rel @p2 .LBB2_7-.Ltmp4, $4  }
0x189: {  	v22 =	vmul.f32 v22, v6;
	v20 =	vld.idx.msk [tilespmem:v16+s18+$0xFFFFFFF0 ss:$0x1], $0xffff  }
0x18a: {  	v24 =	vadd.f32 v24, v23;
	v29 =	vmul.f32 v29, v6;
	v21 =	vld.idx.msk [tilespmem:v16+s18+$0x0 ss:$0x1], $0xffff  }
0x18b: {  	v26 =	vmul.f32 v30, v7;
	v23 =	vadd.f32 v22, v31;
	[tilespmem:s17+$0x300] =	vst.add.f32.msk $0xffff, v25  }
0x18c: {  	s19 =	sadd.s32 $0x100, s19;
	v25 =	vmul.f32 v28, v7;
	v22 =	vadd.f32 v29, v32;
	[tilespmem:s17+$0x310] =	vst.add.f32.msk $0xffff, v27  }
0x18d: {  	v9 =	vadd.f32 v26, v24;
	v11 =	vmul.f32 v18, v8  }
0x18e: {  	v10 =	vmul.f32 v19, v7  }
0x18f: {  	v12 =	vadd.f32 v25, v23;
	v13 =	vmul.f32 v20, v8;
	v9 =	vadd.f32 v11, v9  }
0x190: {  	s5 =	sadd.s32 $0x2980, s31;
	v10 =	vadd.f32 v10, v22;
	v11 =	vmul.f32 v21, v8  }
0x191: {  	s3 =	sadd.s32 $0x3880, s15;
	v12 =	vadd.f32 v13, v12;
	[tilespmem:s18+$0x300] =	vst.add.f32.msk $0xffff, v9;
	v9 =	vmov s5  }
0x192: {  	[tilespmem:s17+$0x320] =	vst.add.f32.msk $0xffff, v17;
	s25 =	sadd.s32 $0x6580, s16;
	s29 =	sadd.s32 $0x9280, s29;
	s2 =	sadd.s32 $0x8380, s2;
	v14 =	vadd.f32 v11, v10;
	v10 =	vmov s3  }
0x193: {  	s13 =	sadd.s32 $0x5680, s13;
	s14 =	sadd.s32 $0x4780, s14;
	s30 =	sadd.s32 $0x7480, s1;
	v15 =	vmov s2;
	v16 =	vmov s29;
	v13 =	vmov s25;
	[tilespmem:s18+$0x310] =	vst.add.f32.msk $0xffff, v12  }
0x194: {  	s1 =	simm.s32 $0x0;
	v11 =	vmov s14;
	v12 =	vmov s13;
	[tilespmem:s18+$0x320] =	vst.add.f32.msk $0xffff, v14;
	v14 =	vmov s30  }
.LBB2_9:
0x195: {  	s2 =	sshra.s32 s1, $0x2  }
0x196: {  	v17 =	vld.idx.msk [tilespmem:v9+s2+$0x0 ss:$0x1], $0xffff  }
0x197: {  	v18 =	vld.idx.msk [tilespmem:v10+s2+$0x0 ss:$0x1], $0xffff;
	_ =	sdelay $0x1  }
0x198: {  	v19 =	vld.idx.msk [tilespmem:v11+s2+$0x0 ss:$0x1], $0xffff;
	_ =	sdelay $0x1  }
0x199: {  	v20 =	vld.idx.msk [tilespmem:v12+s2+$0x0 ss:$0x1], $0xffff  }
0x19a: {  	v17 =	vmul.f32 v17, v1;
	v18 =	vmul.f32 v18, v2  }
0x19b: {  	v21 =	vld.idx.msk [tilespmem:v13+s2+$0x0 ss:$0x1], $0xffff  }
0x19c: {  	v17 =	vadd.f32 v18, v17;
	v18 =	vmul.f32 v19, v3  }
0x19d: {  	v19 =	vld.idx.msk [tilespmem:v14+s2+$0x0 ss:$0x1], $0xffff  }
0x19e: {  	v17 =	vadd.f32 v18, v17;
	v18 =	vmul.f32 v20, v4  }
0x19f: {  	v62 =	vld.idx.msk [tilespmem:v15+s2+$0x0 ss:$0x1], $0xffff  }
0x1a0: {  	v17 =	vadd.f32 v18, v17;
	v18 =	vmul.f32 v21, v5  }
0x1a1: {  	v63 =	vld.idx.msk [tilespmem:v16+s2+$0x0 ss:$0x1], $0xffff  }
0x1a2: {  	v17 =	vadd.f32 v18, v17;
	v18 =	vmul.f32 v19, v6;
	_ =	sdelay $0x1  }
0x1a3: {  	v17 =	vadd.f32 v18, v17;
	v18 =	vmul.f32 v62, v7  }
0x1a4: {  	p2 =	sne.s32 s1, $0x40  }
.Ltmp5:
0x1a5: {  	v17 =	vadd.f32 v18, v17;
	v18 =	vmul.f32 v63, v8;
	(pc) =	sbr.rel @p2 .LBB2_9-.Ltmp5, $3  }
0x1a6: {  	_ = 	snop  }
0x1a7: {  	v17 =	vadd.f32 v18, v17;
	_ =	sdelay $0x1  }
0x1a8: {  	s1 =	sadd.s32 $0x40, s1;
	[tilespmem:s2+$0xF80] =	vst.add.f32.msk $0xffff, v17  }
0x1a9: {  	p2 =	sne.s32 s6, $0x0  }
.Ltmp6:
0x1aa: {  	_ = 	snop;
	(pc) =	sbr.rel @p2 .LBB2_15-.Ltmp6, $1  }
0x1ab: {  	_ =	sdelay $0x3  }
0x1ac: {  	s1 =	sadd.s32 $0x1D40, s31  }
0x1ad: {  	v2 =	vmov s1;
	_ =	sdelay $0x3  }
0x1ae: {  	v1 =	vld.msk [tilespmem:$0x280 ss:$0x0], $0xffff;
	s1 =	simm.s32 $0x0  }
0x1af: {  	v3 =	vld.idx.msk [tilespmem:v2+s1+$0x30 ss:$0x1], $0xffff  }
0x1b0: {  	v4 =	vld.idx.msk [tilespmem:v2+s1+$0xFFFFFFC0 ss:$0x1], $0xffff  }
0x1b1: {  	v5 =	vld.idx.msk [tilespmem:v2+s1+$0xFFFFFFD0 ss:$0x1], $0xffff  }
0x1b2: {  	v6 =	vld.idx.msk [tilespmem:v2+s1+$0xFFFFFFE0 ss:$0x1], $0xffff  }
0x1b3: {  	v7 =	vld.idx.msk [tilespmem:v2+s1+$0xFFFFFFF0 ss:$0x1], $0xffff  }
0x1b4: {  	v8 =	vld.idx.msk [tilespmem:v2+s1+$0x0 ss:$0x1], $0xffff  }
0x1b5: {  	v10 =	vld.idx.msk [tilespmem:v2+s1+$0x10 ss:$0x1], $0xffff;
	v3 =	vmul.f32 v3, v1  }
0x1b6: {  	v11 =	vld.idx.msk [tilespmem:v2+s1+$0x20 ss:$0x1], $0xffff;
	v4 =	vmul.f32 v4, v1  }
0x1b7: {  	v5 =	vmul.f32 v5, v1;
	[tilespmem:s1+$0x1070] =	vst.add.f32.msk $0xffff, v3  }
0x1b8: {  	[tilespmem:s1+$0x1000] =	vst.add.f32.msk $0xffff, v4;
	v3 =	vmul.f32 v6, v1  }
0x1b9: {  	[tilespmem:s1+$0x1010] =	vst.add.f32.msk $0xffff, v5;
	v4 =	vmul.f32 v7, v1  }
0x1ba: {  	[tilespmem:s1+$0x1020] =	vst.add.f32.msk $0xffff, v3;
	v3 =	vmul.f32 v8, v1  }
0x1bb: {  	[tilespmem:s1+$0x1030] =	vst.add.f32.msk $0xffff, v4;
	v4 =	vmul.f32 v10, v1  }
0x1bc: {  	[tilespmem:s1+$0x1040] =	vst.add.f32.msk $0xffff, v3;
	v3 =	vmul.f32 v11, v1  }
0x1bd: {  	s2 =	simm.s32 $0x0;
	s3 =	simm.s32 $0x200;
	[tilespmem:s1+$0x1050] =	vst.add.f32.msk $0xffff, v4  }
.LBB2_12:
0x1be: {  	s2 =	sadd.s32 $0x8, s2;
	[tilespmem:s1+$0x1060] =	vst.add.f32.msk $0xffff, v3;
	s1 =	sshra.s32 s3, $0x2  }
0x1bf: {  	v3 =	vld.idx.msk [tilespmem:v2+s1+$0x30 ss:$0x1], $0xffff;
	p2 =	slt.u32 s2, $0xC0  }
0x1c0: {  	v4 =	vld.idx.msk [tilespmem:v2+s1+$0xFFFFFFC0 ss:$0x1], $0xffff  }
0x1c1: {  	v5 =	vld.idx.msk [tilespmem:v2+s1+$0xFFFFFFD0 ss:$0x1], $0xffff  }
0x1c2: {  	v6 =	vld.idx.msk [tilespmem:v2+s1+$0xFFFFFFE0 ss:$0x1], $0xffff  }
0x1c3: {  	v7 =	vld.idx.msk [tilespmem:v2+s1+$0xFFFFFFF0 ss:$0x1], $0xffff  }
0x1c4: {  	v8 =	vld.idx.msk [tilespmem:v2+s1+$0x0 ss:$0x1], $0xffff  }
0x1c5: {  	v3 =	vmul.f32 v3, v1;
	v10 =	vld.idx.msk [tilespmem:v2+s1+$0x10 ss:$0x1], $0xffff  }
0x1c6: {  	v4 =	vmul.f32 v4, v1;
	v11 =	vld.idx.msk [tilespmem:v2+s1+$0x20 ss:$0x1], $0xffff  }
0x1c7: {  	v5 =	vmul.f32 v5, v1;
	[tilespmem:s1+$0x1070] =	vst.add.f32.msk $0xffff, v3  }
0x1c8: {  	v3 =	vmul.f32 v6, v1;
	[tilespmem:s1+$0x1000] =	vst.add.f32.msk $0xffff, v4  }
.Ltmp7:
0x1c9: {  	v4 =	vmul.f32 v7, v1;
	[tilespmem:s1+$0x1010] =	vst.add.f32.msk $0xffff, v5;
	(pc) =	sbr.rel @p2 .LBB2_12-.Ltmp7, $4  }
0x1ca: {  	[tilespmem:s1+$0x1020] =	vst.add.f32.msk $0xffff, v3;
	v3 =	vmul.f32 v8, v1  }
0x1cb: {  	[tilespmem:s1+$0x1030] =	vst.add.f32.msk $0xffff, v4;
	v4 =	vmul.f32 v10, v1  }
0x1cc: {  	[tilespmem:s1+$0x1040] =	vst.add.f32.msk $0xffff, v3;
	v3 =	vmul.f32 v11, v1  }
0x1cd: {  	s3 =	sadd.s32 $0x200, s3;
	[tilespmem:s1+$0x1050] =	vst.add.f32.msk $0xffff, v4  }
0x1ce: {  	[tilespmem:s1+$0x1060] =	vst.add.f32.msk $0xffff, v3;
	s1 =	simm.s32 $0x0  }
.LBB2_14:
0x1cf: {  	s2 =	sshra.s32 s1, $0x2  }
0x1d0: {  	v2 =	vld.idx.msk [tilespmem:v9+s2+$0x0 ss:$0x1], $0xffff;
	_ =	sdelay $0x1  }
0x1d1: {  	p2 =	sne.s32 s1, $0x40  }
.Ltmp8:
0x1d2: {  	_ = 	snop;
	(pc) =	sbr.rel @p2 .LBB2_14-.Ltmp8, $3  }
0x1d3: {  	_ = 	snop  }
0x1d4: {  	v2 =	vmul.f32 v2, v1;
	_ =	sdelay $0x1  }
0x1d5: {  	s1 =	sadd.s32 $0x40, s1;
	[tilespmem:s2+$0x1C80] =	vst.add.f32.msk $0xffff, v2  }
.LBB2_15:
0x1d6: {  	p2 =	slt.u32 s6, $0x3;
	s1 =	simm.s32 $0x10  }
0x1d7: {  	s1 =	simm.s32 @!p2 $0x40  }
0x1d8: {  	s1 =	sadd.s32 s1, s7  }
0x1d9: {  	v1 =	vld [tilespmem:s1+$0x0];
	_ =	sdelay $0x4  }
0x1da: {  	(v2sf) =	vpush v1, $0x0;
	_ =	sdelay $0xe  }
0x1db: {  	s24 =	spop (v2sf)  }
0x1dc: {  	s1 =	sadd.s32 s4, s24  }
0x1dd: {  	s2 =	sand.u32 $0xFFFFFFF8, s1  }
0x1de: {  	p3 =	slt.s32 s2, $0x17D6B90  }
0x1df: {  	s2 =	simm.s32 @!p3 $0x17D6B90;
	p3 =	seq.s32 s6, $0xC  }
0x1e0: {  	s3 =	sshrl.u32 @!p3 s2, $0x3  }
0x1e1: {  	s15 =	simm.s32 @!p3 $0x0;
	s5 =	simm.s32 @!p3 $0x1D00;
	s3 =	sadd.s32 @!p3 s0, s3  }
0x1e2: {  	[tilespmem:s5], [sflag:$0x1] =	stream.linear.gather @!p3 [hbm4b:s3+s15], $0xCB0, $0x38;
	[tilespmem:$0x10D00] =	vst v63  }
0x1e3: {  	s3 =	simm.s32 $0x11  }
0x1e4: {  	s3 =	simm.s32 @!p2 $0x41  }
0x1e5: {  	s3 =	sadd.s32 s3, s7  }
0x1e6: {  	v1 =	vld [tilespmem:s3+$0x0];
	_ =	sdelay $0x4  }
0x1e7: {  	(v2sf) =	vpush v1, $0x0;
	_ =	sdelay $0xe  }
0x1e8: {  	s25 =	spop (v2sf)  }
0x1e9: {  	s13 =	sadd.s32 s4, s25  }
0x1ea: {  	s14 =	sand.u32 $0xFFFFFFF8, s13  }
0x1eb: {  	p4 =	slt.s32 s14, $0x17D6B90  }
0x1ec: {  	s14 =	simm.s32 @!p4 $0x17D6B90  }
0x1ed: {  	s3 =	sshrl.u32 @!p3 s14, $0x3  }
0x1ee: {  	s5 =	simm.s32 @!p3 $0x2C00;
	s3 =	sadd.s32 @!p3 s0, s3  }
0x1ef: {  	[tilespmem:s5], [sflag:$0x2] =	stream.linear.gather @!p3 [hbm4b:s3+s15], $0xCB0, $0x38;
	[tilespmem:$0x10D00] =	vst v63  }
0x1f0: {  	s3 =	simm.s32 $0x12  }
0x1f1: {  	s3 =	simm.s32 @!p2 $0x42  }
0x1f2: {  	s3 =	sadd.s32 s3, s7  }
0x1f3: {  	v1 =	vld [tilespmem:s3+$0x0];
	_ =	sdelay $0x4  }
0x1f4: {  	(v2sf) =	vpush v1, $0x0;
	_ =	sdelay $0xe  }
0x1f5: {  	s31 =	spop (v2sf)  }
0x1f6: {  	s29 =	sadd.s32 s4, s31  }
0x1f7: {  	s30 =	sand.u32 $0xFFFFFFF8, s29  }
0x1f8: {  	p4 =	slt.s32 s30, $0x17D6B90  }
0x1f9: {  	s30 =	simm.s32 @!p4 $0x17D6B90  }
0x1fa: {  	s3 =	sshrl.u32 @!p3 s30, $0x3  }
0x1fb: {  	s5 =	simm.s32 @!p3 $0x3B00;
	s3 =	sadd.s32 @!p3 s0, s3  }
0x1fc: {  	[tilespmem:s5], [sflag:$0x3] =	stream.linear.gather @!p3 [hbm4b:s3+s15], $0xCB0, $0x38;
	[tilespmem:$0x10D00] =	vst v63  }
0x1fd: {  	s3 =	simm.s32 $0x13  }
0x1fe: {  	s3 =	simm.s32 @!p2 $0x43  }
0x1ff: {  	s3 =	sadd.s32 s3, s7  }
0x200: {  	v1 =	vld [tilespmem:s3+$0x0];
	_ =	sdelay $0x4  }
0x201: {  	(v2sf) =	vpush v1, $0x0;
	_ =	sdelay $0xe  }
0x202: {  	s5 =	spop (v2sf)  }
0x203: {  	s18 =	sadd.s32 s4, s5  }
0x204: {  	s19 =	sand.u32 $0xFFFFFFF8, s18  }
0x205: {  	p4 =	slt.s32 s19, $0x17D6B90  }
0x206: {  	s19 =	simm.s32 @!p4 $0x17D6B90  }
0x207: {  	s3 =	sshrl.u32 @!p3 s19, $0x3  }
0x208: {  	s5 =	simm.s32 @!p3 $0x4A00;
	s3 =	sadd.s32 @!p3 s0, s3  }
0x209: {  	[tilespmem:s5], [sflag:$0x4] =	stream.linear.gather @!p3 [hbm4b:s3+s15], $0xCB0, $0x38;
	[tilespmem:$0x10D00] =	vst v63  }
0x20a: {  	s3 =	simm.s32 $0x14  }
0x20b: {  	s3 =	simm.s32 @!p2 $0x44  }
0x20c: {  	s3 =	sadd.s32 s3, s7  }
0x20d: {  	v1 =	vld [tilespmem:s3+$0x0];
	_ =	sdelay $0x4  }
0x20e: {  	(v2sf) =	vpush v1, $0x0;
	_ =	sdelay $0xe  }
0x20f: {  	s9 =	spop (v2sf)  }
0x210: {  	s20 =	sadd.s32 s4, s9  }
0x211: {  	s21 =	sand.u32 $0xFFFFFFF8, s20  }
0x212: {  	p4 =	slt.s32 s21, $0x17D6B90  }
0x213: {  	s21 =	simm.s32 @!p4 $0x17D6B90  }
0x214: {  	s3 =	sshrl.u32 @!p3 s21, $0x3  }
0x215: {  	s5 =	simm.s32 @!p3 $0x5900;
	s3 =	sadd.s32 @!p3 s0, s3  }
0x216: {  	[tilespmem:s5], [sflag:$0x5] =	stream.linear.gather @!p3 [hbm4b:s3+s15], $0xCB0, $0x38;
	[tilespmem:$0x10D00] =	vst v63  }
0x217: {  	s3 =	simm.s32 $0x15  }
0x218: {  	s3 =	simm.s32 @!p2 $0x45  }
0x219: {  	s3 =	sadd.s32 s3, s7  }
0x21a: {  	v1 =	vld [tilespmem:s3+$0x0];
	_ =	sdelay $0x4  }
0x21b: {  	(v2sf) =	vpush v1, $0x0;
	_ =	sdelay $0xe  }
0x21c: {  	s10 =	spop (v2sf)  }
0x21d: {  	s22 =	sadd.s32 s4, s10  }
0x21e: {  	s23 =	sand.u32 $0xFFFFFFF8, s22  }
0x21f: {  	p4 =	slt.s32 s23, $0x17D6B90  }
0x220: {  	s23 =	simm.s32 @!p4 $0x17D6B90  }
0x221: {  	s3 =	sshrl.u32 @!p3 s23, $0x3  }
0x222: {  	s5 =	simm.s32 @!p3 $0x6800;
	s3 =	sadd.s32 @!p3 s0, s3  }
0x223: {  	[tilespmem:s5], [sflag:$0x6] =	stream.linear.gather @!p3 [hbm4b:s3+s15], $0xCB0, $0x38;
	[tilespmem:$0x10D00] =	vst v63  }
0x224: {  	s3 =	simm.s32 $0x16  }
0x225: {  	s3 =	simm.s32 @!p2 $0x46  }
0x226: {  	s3 =	sadd.s32 s3, s7  }
0x227: {  	v1 =	vld [tilespmem:s3+$0x0];
	_ =	sdelay $0x4  }
0x228: {  	(v2sf) =	vpush v1, $0x0;
	_ =	sdelay $0xe  }
0x229: {  	s11 =	spop (v2sf)  }
0x22a: {  	s24 =	sadd.s32 s4, s11  }
0x22b: {  	s25 =	sand.u32 $0xFFFFFFF8, s24  }
0x22c: {  	p4 =	slt.s32 s25, $0x17D6B90  }
0x22d: {  	s25 =	simm.s32 @!p4 $0x17D6B90  }
0x22e: {  	s3 =	sshrl.u32 @!p3 s25, $0x3  }
0x22f: {  	s5 =	simm.s32 @!p3 $0x7700;
	s3 =	sadd.s32 @!p3 s0, s3  }
0x230: {  	[tilespmem:s5], [sflag:$0x7] =	stream.linear.gather @!p3 [hbm4b:s3+s15], $0xCB0, $0x38;
	[tilespmem:$0x10D00] =	vst v63  }
0x231: {  	s3 =	simm.s32 $0x17  }
0x232: {  	s3 =	simm.s32 @!p2 $0x47  }
0x233: {  	s3 =	sadd.s32 s3, s7  }
0x234: {  	v1 =	vld [tilespmem:s3+$0x0];
	_ =	sdelay $0x4  }
0x235: {  	(v2sf) =	vpush v1, $0x0;
	_ =	sdelay $0xe  }
0x236: {  	s12 =	spop (v2sf)  }
0x237: {  	s3 =	sadd.s32 s4, s12  }
0x238: {  	s31 =	sand.u32 $0xFFFFFFF8, s3  }
0x239: {  	p4 =	slt.s32 s31, $0x17D6B90  }
0x23a: {  	s31 =	simm.s32 @!p4 $0x17D6B90  }
0x23b: {  	s5 =	sshrl.u32 @!p3 s31, $0x3  }
0x23c: {  	s16 =	simm.s32 @!p3 $0x8600;
	s5 =	sadd.s32 @!p3 s0, s5  }
0x23d: {  	[tilespmem:s16], [sflag:$0x8] =	stream.linear.gather @!p3 [hbm4b:s5+s15], $0xCB0, $0x38;
	[tilespmem:$0x10D00] =	vst v63  }
0x23e: {  	s15 =	simm.s32 $0x9  }
0x23f: {  	_ =	swait.ge [sflag:s15], $0xCB0  }
0x240: {  	[sflag:s15] =	ssyncset.done $0x0  }
0x241: {  	s16 =	simm.s32 $0xA;
	[sflag:s15] =	ssyncadd.s32 $0xFFFFF350  }
0x242: {  	_ =	swait.ge [sflag:s16], $0xCB0  }
0x243: {  	[sflag:s16] =	ssyncset.done $0x0  }
0x244: {  	s17 =	simm.s32 $0xB;
	[sflag:s16] =	ssyncadd.s32 $0xFFFFF350  }
0x245: {  	_ =	swait.ge [sflag:s17], $0xCB0  }
0x246: {  	[sflag:s17] =	ssyncset.done $0x0  }
0x247: {  	s9 =	simm.s32 $0xC;
	[sflag:s17] =	ssyncadd.s32 $0xFFFFF350  }
0x248: {  	_ =	swait.ge [sflag:s9], $0xCB0  }
0x249: {  	[sflag:s9] =	ssyncset.done $0x0  }
0x24a: {  	s10 =	simm.s32 $0xD;
	[sflag:s9] =	ssyncadd.s32 $0xFFFFF350  }
0x24b: {  	_ =	swait.ge [sflag:s10], $0xCB0  }
0x24c: {  	[sflag:s10] =	ssyncset.done $0x0  }
0x24d: {  	s11 =	simm.s32 $0xE;
	[sflag:s10] =	ssyncadd.s32 $0xFFFFF350  }
0x24e: {  	_ =	swait.ge [sflag:s11], $0xCB0  }
0x24f: {  	s12 =	simm.s32 $0x10;
	s5 =	sor.u32 $0x8, s7;
	[sflag:s11] =	ssyncset.done $0x0  }
0x250: {  	s15 =	sadd.s32 $0x38, s7;
	s9 =	simm.s32 $0xF;
	[sflag:s11] =	ssyncadd.s32 $0xFFFFF350  }
0x251: {  	s15 =	smov.u32 @p1 s5;
	s5 =	sor.u32 $0xA, s7;
	_ =	swait.ge [sflag:s9], $0xCB0  }
0x252: {  	s16 =	sor.u32 $0x9, s7;
	s17 =	sadd.s32 $0x39, s7;
	[sflag:s9] =	ssyncset.done $0x0  }
0x253: {  	s17 =	smov.u32 @p1 s16;
	s16 =	sadd.s32 $0x3A, s7;
	[sflag:s9] =	ssyncadd.s32 $0xFFFFF350  }
0x254: {  	s8 =	sshll.u32 s8, $0x2;
	s16 =	smov.u32 @p1 s5;
	_ =	swait.ge [sflag:s12], $0xCB0  }
0x255: {  	s10 =	sadd.s32 $0x3C, s7;
	s11 =	sor.u32 $0xC, s7;
	[sflag:s12] =	ssyncset.done $0x0  }
0x256: {  	s5 =	sor.u32 $0xB, s7;
	s10 =	smov.u32 @p1 s11;
	[sflag:s12] =	ssyncadd.s32 $0xFFFFF350  }
0x257: {  	s11 =	sor.u32 $0xD, s7;
	s9 =	sadd.s32 $0x3B, s7;
	s12 =	sshll.u32 s28, $0x2;
	v1 =	vld.msk [tilespmem:s15+$0x180 ss:$0x0], $0xffff  }
0x258: {  	s9 =	smov.u32 @p1 s5;
	s15 =	sadd.s32 $0x3D, s7;
	v2 =	vld.msk [tilespmem:s17+$0x180 ss:$0x0], $0xffff;
	s5 =	sshra.s32 s12, $0x2  }
0x259: {  	v4 =	vld.msk [tilespmem:s9+$0x180 ss:$0x0], $0xffff;
	s9 =	sadd.s32 $0x3E, s7;
	s15 =	smov.u32 @p1 s11;
	s17 =	sadd.s32 $0x9530, s5  }
0x25a: {  	v3 =	vld.msk [tilespmem:s16+$0x180 ss:$0x0], $0xffff;
	s11 =	sshll.u32 s26, $0x2;
	s26 =	sshra.s32 s8, $0x2;
	s8 =	sor.u32 $0xE, s7;
	v9 =	vmov s17  }
0x25b: {  	v5 =	vld.msk [tilespmem:s10+$0x180 ss:$0x0], $0xffff;
	s9 =	smov.u32 @p1 s8  }
0x25c: {  	s28 =	sshra.s32 s11, $0x2;
	s8 =	sor.u32 $0xF, s7;
	v6 =	vld.msk [tilespmem:s15+$0x180 ss:$0x0], $0xffff;
	s11 =	sadd.s32 $0x3F, s7  }
0x25d: {  	s12 =	sadd.s32 $0xA430, s26;
	s17 =	sadd.s32 $0xB330, s28;
	s11 =	smov.u32 @p1 s8;
	v7 =	vld.msk [tilespmem:s9+$0x180 ss:$0x0], $0xffff  }
0x25e: {  	v10 =	vmov s12;
	v11 =	vmov s17;
	v8 =	vld.msk [tilespmem:s11+$0x180 ss:$0x0], $0xffff;
	s17 =	simm.s32 $0x0  }
0x25f: {  	v17 =	vld.idx.msk [tilespmem:v9+s17+$0x0 ss:$0x1], $0xffff  }
0x260: {  	v19 =	vld.idx.msk [tilespmem:v9+s17+$0xFFFFFFD0 ss:$0x1], $0xffff  }
0x261: {  	s16 =	rddreg [dreg:$0x12];
	v23 =	vld.idx.msk [tilespmem:v9+s17+$0xFFFFFFE0 ss:$0x1], $0xffff  }
0x262: {  	s10 =	sshll.u32 s16, $0x2;
	v27 =	vld.idx.msk [tilespmem:v9+s17+$0xFFFFFFF0 ss:$0x1], $0xffff  }
0x263: {  	s12 =	sshra.s32 s10, $0x2;
	v18 =	vld.idx.msk [tilespmem:v10+s17+$0x0 ss:$0x1], $0xffff  }
0x264: {  	s15 =	sadd.s32 $0xC230, s12;
	v21 =	vld.idx.msk [tilespmem:v10+s17+$0xFFFFFFD0 ss:$0x1], $0xffff  }
0x265: {  	s11 =	rddreg [dreg:$0x11];
	v12 =	vmov s15;
	v25 =	vld.idx.msk [tilespmem:v10+s17+$0xFFFFFFE0 ss:$0x1], $0xffff  }
0x266: {  	s10 =	rddreg [dreg:$0x10];
	s8 =	sshll.u32 s11, $0x2;
	v29 =	vld.idx.msk [tilespmem:v10+s17+$0xFFFFFFF0 ss:$0x1], $0xffff  }
0x267: {  	s16 =	sshra.s32 s8, $0x2;
	s8 =	sshll.u32 s10, $0x2;
	v20 =	vld.idx.msk [tilespmem:v11+s17+$0x0 ss:$0x1], $0xffff  }
0x268: {  	s15 =	rddreg [dreg:$0xf];
	s11 =	sadd.s32 $0xD130, s16;
	s10 =	sshra.s32 s8, $0x2;
	v31 =	vld.idx.msk [tilespmem:v11+s17+$0xFFFFFFD0 ss:$0x1], $0xffff  }
0x269: {  	v13 =	vmov s11;
	s8 =	sadd.s32 $0xE020, s10;
	s11 =	rddreg [dreg:$0xe];
	v32 =	vld.idx.msk [tilespmem:v11+s17+$0xFFFFFFF0 ss:$0x1], $0xffff  }
0x26a: {  	s9 =	sshll.u32 s15, $0x2;
	v14 =	vmov s8;
	s8 =	sshll.u32 s11, $0x2;
	s11 =	simm.s32 $0x40;
	v22 =	vld.idx.msk [tilespmem:v12+s17+$0x0 ss:$0x1], $0xffff  }
0x26b: {  	s9 =	sshra.s32 s9, $0x2;
	v33 =	vld.idx.msk [tilespmem:v9+s11+$0x0 ss:$0x1], $0xffff  }
0x26c: {  	s15 =	sadd.s32 $0xEF20, s9;
	v34 =	vld.idx.msk [tilespmem:v12+s17+$0xFFFFFFE0 ss:$0x1], $0xffff  }
0x26d: {  	v15 =	vmov s15;
	s8 =	sshra.s32 s8, $0x2;
	v35 =	vld.idx.msk [tilespmem:v12+s17+$0xFFFFFFF0 ss:$0x1], $0xffff;
	v17 =	vmul.f32 v17, v1;
	v18 =	vmul.f32 v18, v2  }
0x26e: {  	s15 =	sadd.s32 $0xFE20, s8;
	v24 =	vld.idx.msk [tilespmem:v13+s17+$0x0 ss:$0x1], $0xffff  }
0x26f: {  	v58 =	vld.idx.msk [tilespmem:v12+s11+$0x0 ss:$0x1], $0xffff;
	v16 =	vmov s15;
	v17 =	vadd.f32 v18, v17;
	v18 =	vmul.f32 v20, v3  }
0x270: {  	v26 =	vld.idx.msk [tilespmem:v14+s17+$0x10 ss:$0x1], $0xffff  }
0x271: {  	v44 =	vld.idx.msk [tilespmem:v9+s11+$0xFFFFFFD0 ss:$0x1], $0xffff;
	v17 =	vadd.f32 v18, v17;
	v18 =	vmul.f32 v22, v4  }
0x272: {  	v28 =	vld.idx.msk [tilespmem:v15+s17+$0x10 ss:$0x1], $0xffff  }
0x273: {  	v17 =	vadd.f32 v18, v17;
	v18 =	vmul.f32 v24, v5;
	v24 =	vld.idx.msk [tilespmem:v10+s11+$0x0 ss:$0x1], $0xffff  }
0x274: {  	v30 =	vld.idx.msk [tilespmem:v16+s17+$0x10 ss:$0x1], $0xffff  }
0x275: {  	v17 =	vadd.f32 v18, v17;
	v18 =	vmul.f32 v26, v6;
	v26 =	vld.idx.msk [tilespmem:v11+s11+$0x0 ss:$0x1], $0xffff  }
0x276: {  	v45 =	vld.idx.msk [tilespmem:v10+s11+$0xFFFFFFE0 ss:$0x1], $0xffff  }
0x277: {  	v47 =	vld.idx.msk [tilespmem:v10+s11+$0xFFFFFFF0 ss:$0x1], $0xffff;
	v17 =	vadd.f32 v18, v17;
	v18 =	vmul.f32 v28, v7  }
0x278: {  	v48 =	vld.idx.msk [tilespmem:v11+s11+$0xFFFFFFD0 ss:$0x1], $0xffff;
	v33 =	vmul.f32 v33, v1;
	v24 =	vmul.f32 v24, v2  }
0x279: {  	v17 =	vadd.f32 v18, v17;
	v18 =	vld.idx.msk [tilespmem:v13+s11+$0x0 ss:$0x1], $0xffff  }
0x27a: {  	v50 =	vld.idx.msk [tilespmem:v11+s11+$0xFFFFFFF0 ss:$0x1], $0xffff;
	v30 =	vmul.f32 v30, v8;
	v24 =	vadd.f32 v24, v33;
	v26 =	vmul.f32 v26, v3  }
0x27b: {  	v59 =	vld.idx.msk [tilespmem:v14+s11+$0x10 ss:$0x1], $0xffff  }
0x27c: {  	v51 =	vld.idx.msk [tilespmem:v12+s11+$0xFFFFFFD0 ss:$0x1], $0xffff;
	v17 =	vadd.f32 v30, v17;
	v24 =	vadd.f32 v26, v24;
	v26 =	vmul.f32 v58, v4  }
0x27d: {  	v61 =	vld.idx.msk [tilespmem:v15+s11+$0x10 ss:$0x1], $0xffff  }
0x27e: {  	[tilespmem:s17+$0x330] =	vst.add.f32.msk $0xffff, v17;
	v17 =	vadd.f32 v26, v24;
	v18 =	vmul.f32 v18, v5  }
0x27f: {  	v24 =	vld.idx.msk [tilespmem:v16+s11+$0x10 ss:$0x1], $0xffff  }
0x280: {  	v52 =	vld.idx.msk [tilespmem:v12+s11+$0xFFFFFFE0 ss:$0x1], $0xffff;
	v17 =	vadd.f32 v18, v17;
	v18 =	vmul.f32 v59, v6  }
0x281: {  	v53 =	vld.idx.msk [tilespmem:v12+s11+$0xFFFFFFF0 ss:$0x1], $0xffff  }
0x282: {  	v36 =	vld.idx.msk [tilespmem:v13+s17+$0xFFFFFFD0 ss:$0x1], $0xffff;
	v17 =	vadd.f32 v18, v17;
	v18 =	vmul.f32 v61, v7  }
0x283: {  	v37 =	vld.idx.msk [tilespmem:v13+s17+$0xFFFFFFE0 ss:$0x1], $0xffff  }
0x284: {  	v60 =	vld.idx.msk [tilespmem:v13+s17+$0xFFFFFFF0 ss:$0x1], $0xffff;
	v17 =	vadd.f32 v18, v17;
	v18 =	vmul.f32 v24, v8  }
0x285: {  	v20 =	vld.idx.msk [tilespmem:v11+s17+$0xFFFFFFE0 ss:$0x1], $0xffff  }
0x286: {  	v23 =	vmul.f32 v23, v1;
	v54 =	vld.idx.msk [tilespmem:v13+s11+$0xFFFFFFD0 ss:$0x1], $0xffff;
	v17 =	vadd.f32 v18, v17  }
0x287: {  	v22 =	vld.idx.msk [tilespmem:v12+s17+$0xFFFFFFD0 ss:$0x1], $0xffff;
	v18 =	vmul.f32 v19, v1;
	v19 =	vmul.f32 v21, v2  }
0x288: {  	v25 =	vmul.f32 v25, v2;
	[tilespmem:s11+$0x330] =	vst.add.f32.msk $0xffff, v17;
	v17 =	vmul.f32 v27, v1  }
0x289: {  	v62 =	vld.idx.msk [tilespmem:v14+s17+$0xFFFFFFF0 ss:$0x1], $0xffff;
	v27 =	vmul.f32 v29, v2;
	v18 =	vadd.f32 v19, v18;
	v19 =	vmul.f32 v31, v3  }
0x28a: {  	v38 =	vld.idx.msk [tilespmem:v14+s17+$0x0 ss:$0x1], $0xffff;
	v23 =	vadd.f32 v25, v23;
	v20 =	vmul.f32 v20, v3  }
0x28b: {  	v26 =	vld.idx.msk [tilespmem:v14+s17+$0xFFFFFFE0 ss:$0x1], $0xffff;
	v17 =	vadd.f32 v27, v17;
	v18 =	vadd.f32 v19, v18;
	v19 =	vmul.f32 v32, v3  }
0x28c: {  	v63 =	vld.idx.msk [tilespmem:v15+s17+$0xFFFFFFE0 ss:$0x1], $0xffff;
	v22 =	vmul.f32 v22, v4;
	v20 =	vadd.f32 v20, v23;
	v23 =	vmul.f32 v34, v4  }
0x28d: {  	v39 =	vld.idx.msk [tilespmem:v15+s17+$0xFFFFFFF0 ss:$0x1], $0xffff;
	v46 =	vmul.f32 v36, v5;
	v17 =	vadd.f32 v19, v17;
	v19 =	vmul.f32 v35, v4  }
0x28e: {  	v25 =	vld.idx.msk [tilespmem:v10+s11+$0xFFFFFFD0 ss:$0x1], $0xffff;
	v20 =	vadd.f32 v23, v20;
	v23 =	vmul.f32 v37, v5;
	v18 =	vadd.f32 v22, v18  }
0x28f: {  	v24 =	vld.idx.msk [tilespmem:v15+s17+$0x0 ss:$0x1], $0xffff;
	v17 =	vadd.f32 v19, v17;
	v19 =	vmul.f32 v60, v5  }
0x290: {  	v20 =	vadd.f32 v23, v20;
	v23 =	vmul.f32 v26, v6;
	v22 =	vld.idx.msk [tilespmem:v9+s11+$0xFFFFFFF0 ss:$0x1], $0xffff;
	v18 =	vadd.f32 v46, v18  }
0x291: {  	v27 =	vld.idx.msk [tilespmem:v9+s11+$0xFFFFFFE0 ss:$0x1], $0xffff;
	v17 =	vadd.f32 v19, v17;
	v19 =	vmul.f32 v62, v6  }
0x292: {  	v40 =	vld.idx.msk [tilespmem:v16+s17+$0xFFFFFFE0 ss:$0x1], $0xffff;
	v49 =	vmul.f32 v38, v6;
	v18 =	vadd.f32 v23, v18;
	v23 =	vmul.f32 v63, v7  }
0x293: {  	v55 =	vld.idx.msk [tilespmem:v13+s11+$0xFFFFFFE0 ss:$0x1], $0xffff;
	v25 =	vmul.f32 v25, v2;
	v19 =	vadd.f32 v19, v20;
	v20 =	vmul.f32 v39, v7  }
0x294: {  	v26 =	vld.idx.msk [tilespmem:v11+s11+$0xFFFFFFE0 ss:$0x1], $0xffff;
	v17 =	vadd.f32 v49, v17;
	v18 =	vadd.f32 v23, v18;
	v23 =	vmul.f32 v24, v7  }
0x295: {  	v56 =	vld.idx.msk [tilespmem:v13+s11+$0xFFFFFFF0 ss:$0x1], $0xffff;
	v22 =	vmul.f32 v22, v1;
	v19 =	vadd.f32 v20, v19;
	v20 =	vmul.f32 v44, v1  }
0x296: {  	v21 =	vld.idx.msk [tilespmem:v16+s17+$0xFFFFFFF0 ss:$0x1], $0xffff;
	v17 =	vadd.f32 v23, v17;
	v23 =	vmul.f32 v27, v1;
	v27 =	vmul.f32 v45, v2  }
0x297: {  	v57 =	vld.idx.msk [tilespmem:v14+s11+$0xFFFFFFE0 ss:$0x1], $0xffff;
	v24 =	vmul.f32 v40, v8;
	v20 =	vadd.f32 v25, v20;
	v25 =	vmul.f32 v47, v2  }
0x298: {  	v43 =	vld.idx.msk [tilespmem:v16+s17+$0x0 ss:$0x1], $0xffff;
	v59 =	vmul.f32 v54, v5;
	v23 =	vadd.f32 v27, v23;
	v27 =	vmul.f32 v48, v3  }
0x299: {  	v26 =	vmul.f32 v26, v3;
	v60 =	vld.idx.msk [tilespmem:v15+s11+$0xFFFFFFF0 ss:$0x1], $0xffff;
	v58 =	vadd.f32 v24, v18;
	v18 =	vadd.f32 v25, v22  }
0x29a: {  	v24 =	vld.idx.msk [tilespmem:v14+s11+$0xFFFFFFF0 ss:$0x1], $0xffff;
	v22 =	vmul.f32 v50, v3;
	v20 =	vadd.f32 v27, v20;
	v25 =	vmul.f32 v51, v4  }
0x29b: {  	v21 =	vmul.f32 v21, v8;
	v23 =	vadd.f32 v26, v23;
	v26 =	vld.idx.msk [tilespmem:v14+s11+$0x0 ss:$0x1], $0xffff;
	v27 =	vmul.f32 v52, v4  }
0x29c: {  	v18 =	vadd.f32 v22, v18;
	v22 =	vld.idx.msk [tilespmem:v15+s11+$0xFFFFFFE0 ss:$0x1], $0xffff;
	v20 =	vadd.f32 v25, v20;
	v25 =	vmul.f32 v53, v4  }
0x29d: {  	v61 =	vadd.f32 v21, v19;
	v19 =	vld.idx.msk [tilespmem:v15+s11+$0x0 ss:$0x1], $0xffff;
	v21 =	vadd.f32 v27, v23;
	v23 =	vmul.f32 v55, v5  }
0x29e: {  	v30 =	vmul.f32 v57, v6;
	v62 =	vmul.f32 v56, v5;
	[tilespmem:s17+$0x300] =	vst.add.f32.msk $0xffff, v58;
	v25 =	vadd.f32 v25, v18  }
0x29f: {  	s2 =	ssub.s32 s1, s2;
	v29 =	vmul.f32 v43, v8;
	v27 =	vadd.f32 v59, v20;
	v18 =	vld.idx.msk [tilespmem:v16+s11+$0xFFFFFFE0 ss:$0x1], $0xffff;
	v23 =	vadd.f32 v23, v21  }
0x2a0: {  	s1 =	ssub.s32 s20, s21;
	s15 =	ssub.s32 s13, s14;
	s14 =	ssub.s32 s29, s30;
	v20 =	vld.idx.msk [tilespmem:v16+s11+$0xFFFFFFF0 ss:$0x1], $0xffff;
	v63 =	vmul.f32 v26, v6;
	v28 =	vadd.f32 v62, v25;
	v25 =	vmul.f32 v24, v6  }
0x2a1: {  	s13 =	ssub.s32 s18, s19;
	s18 =	ssub.s32 s22, s23;
	s29 =	ssub.s32 s24, s25;
	v17 =	vadd.f32 v29, v17;
	v21 =	vld.idx.msk [tilespmem:v16+s11+$0x0 ss:$0x1], $0xffff;
	v24 =	vadd.f32 v30, v27;
	v26 =	vmul.f32 v22, v7  }
0x2a2: {  	s30 =	ssub.s32 s3, s31;
	s3 =	simm.s32 $0x4;
	s19 =	simm.s32 $0x200;
	[tilespmem:s17+$0x310] =	vst.add.f32.msk $0xffff, v61;
	v23 =	vadd.f32 v25, v23;
	v25 =	vmul.f32 v60, v7;
	v22 =	vadd.f32 v63, v28  }
.LBB2_16:
0x2a3: {  	v24 =	vadd.f32 v26, v24;
	v19 =	vmul.f32 v19, v7;
	[tilespmem:s17+$0x320] =	vst.add.f32.msk $0xffff, v17;
	s17 =	smov.u32 s11;
	s11 =	sshra.s32 s19, $0x2  }
0x2a4: {  	s3 =	sadd.s32 $0x4, s3;
	v17 =	vmul.f32 v18, v8;
	v26 =	vld.idx.msk [tilespmem:v9+s11+$0x0 ss:$0x1], $0xffff;
	v18 =	vadd.f32 v25, v23  }
0x2a5: {  	p1 =	slt.u32 s3, $0xC4;
	v20 =	vmul.f32 v20, v8;
	v23 =	vld.idx.msk [tilespmem:v10+s11+$0x0 ss:$0x1], $0xffff;
	v19 =	vadd.f32 v19, v22  }
0x2a6: {  	v25 =	vadd.f32 v17, v24;
	v17 =	vmul.f32 v21, v8;
	v22 =	vld.idx.msk [tilespmem:v9+s11+$0xFFFFFFD0 ss:$0x1], $0xffff  }
0x2a7: {  	v27 =	vadd.f32 v20, v18;
	v21 =	vld.idx.msk [tilespmem:v11+s11+$0x0 ss:$0x1], $0xffff  }
0x2a8: {  	v17 =	vadd.f32 v17, v19;
	v18 =	vld.idx.msk [tilespmem:v10+s11+$0xFFFFFFD0 ss:$0x1], $0xffff  }
0x2a9: {  	v19 =	vld.idx.msk [tilespmem:v12+s11+$0x0 ss:$0x1], $0xffff  }
0x2aa: {  	v20 =	vld.idx.msk [tilespmem:v9+s11+$0xFFFFFFE0 ss:$0x1], $0xffff  }
0x2ab: {  	v24 =	vmul.f32 v26, v1;
	v23 =	vmul.f32 v23, v2;
	v26 =	vld.idx.msk [tilespmem:v13+s11+$0x0 ss:$0x1], $0xffff  }
0x2ac: {  	v22 =	vmul.f32 v22, v1;
	v28 =	vld.idx.msk [tilespmem:v10+s11+$0xFFFFFFE0 ss:$0x1], $0xffff  }
0x2ad: {  	v23 =	vadd.f32 v23, v24;
	v21 =	vmul.f32 v21, v3;
	v24 =	vld.idx.msk [tilespmem:v14+s11+$0x10 ss:$0x1], $0xffff  }
0x2ae: {  	v18 =	vmul.f32 v18, v2;
	v29 =	vld.idx.msk [tilespmem:v9+s11+$0xFFFFFFF0 ss:$0x1], $0xffff  }
0x2af: {  	v21 =	vadd.f32 v21, v23;
	v19 =	vmul.f32 v19, v4;
	v23 =	vld.idx.msk [tilespmem:v15+s11+$0x10 ss:$0x1], $0xffff  }
0x2b0: {  	v18 =	vadd.f32 v18, v22;
	v20 =	vmul.f32 v20, v1;
	v22 =	vld.idx.msk [tilespmem:v10+s11+$0xFFFFFFF0 ss:$0x1], $0xffff  }
0x2b1: {  	v19 =	vadd.f32 v19, v21;
	v21 =	vmul.f32 v26, v5;
	v26 =	vld.idx.msk [tilespmem:v16+s11+$0x10 ss:$0x1], $0xffff  }
0x2b2: {  	v28 =	vmul.f32 v28, v2;
	v30 =	vld.idx.msk [tilespmem:v11+s11+$0xFFFFFFD0 ss:$0x1], $0xffff  }
0x2b3: {  	v19 =	vadd.f32 v21, v19;
	v21 =	vmul.f32 v24, v6;
	v31 =	vld.idx.msk [tilespmem:v11+s11+$0xFFFFFFE0 ss:$0x1], $0xffff  }
0x2b4: {  	v20 =	vadd.f32 v28, v20;
	v24 =	vmul.f32 v29, v1;
	v28 =	vld.idx.msk [tilespmem:v11+s11+$0xFFFFFFF0 ss:$0x1], $0xffff  }
0x2b5: {  	v19 =	vadd.f32 v21, v19;
	v21 =	vmul.f32 v23, v7;
	v29 =	vld.idx.msk [tilespmem:v12+s11+$0xFFFFFFD0 ss:$0x1], $0xffff  }
0x2b6: {  	v22 =	vmul.f32 v22, v2;
	v23 =	vld.idx.msk [tilespmem:v12+s11+$0xFFFFFFE0 ss:$0x1], $0xffff  }
0x2b7: {  	v19 =	vadd.f32 v21, v19;
	v21 =	vmul.f32 v26, v8;
	v32 =	vld.idx.msk [tilespmem:v12+s11+$0xFFFFFFF0 ss:$0x1], $0xffff  }
0x2b8: {  	v26 =	vmul.f32 v30, v3;
	v22 =	vadd.f32 v22, v24;
	v30 =	vld.idx.msk [tilespmem:v13+s11+$0xFFFFFFD0 ss:$0x1], $0xffff  }
0x2b9: {  	v24 =	vmul.f32 v31, v3;
	v19 =	vadd.f32 v21, v19;
	v31 =	vld.idx.msk [tilespmem:v13+s11+$0xFFFFFFE0 ss:$0x1], $0xffff  }
0x2ba: {  	v18 =	vadd.f32 v26, v18;
	v21 =	vmul.f32 v28, v3;
	v26 =	vld.idx.msk [tilespmem:v13+s11+$0xFFFFFFF0 ss:$0x1], $0xffff  }
0x2bb: {  	v28 =	vmul.f32 v29, v4;
	v20 =	vadd.f32 v24, v20;
	[tilespmem:s11+$0x330] =	vst.add.f32.msk $0xffff, v19  }
0x2bc: {  	v19 =	vmul.f32 v23, v4;
	v21 =	vadd.f32 v21, v22;
	v24 =	vld.idx.msk [tilespmem:v14+s11+$0xFFFFFFE0 ss:$0x1], $0xffff  }
0x2bd: {  	v18 =	vadd.f32 v28, v18;
	v23 =	vmul.f32 v32, v4;
	v22 =	vld.idx.msk [tilespmem:v14+s11+$0xFFFFFFF0 ss:$0x1], $0xffff  }
0x2be: {  	v28 =	vmul.f32 v30, v5;
	v19 =	vadd.f32 v19, v20;
	v29 =	vld.idx.msk [tilespmem:v14+s11+$0x0 ss:$0x1], $0xffff  }
0x2bf: {  	v20 =	vmul.f32 v31, v5;
	v21 =	vadd.f32 v23, v21;
	v30 =	vld.idx.msk [tilespmem:v15+s11+$0xFFFFFFE0 ss:$0x1], $0xffff  }
0x2c0: {  	v23 =	vadd.f32 v28, v18;
	v26 =	vmul.f32 v26, v5;
	v28 =	vld.idx.msk [tilespmem:v15+s11+$0xFFFFFFF0 ss:$0x1], $0xffff  }
0x2c1: {  	v31 =	vadd.f32 v20, v19;
	v19 =	vld.idx.msk [tilespmem:v15+s11+$0x0 ss:$0x1], $0xffff  }
.Ltmp9:
0x2c2: {  	v24 =	vmul.f32 v24, v6;
	v32 =	vadd.f32 v26, v21;
	v18 =	vld.idx.msk [tilespmem:v16+s11+$0xFFFFFFE0 ss:$0x1], $0xffff;
	(pc) =	sbr.rel @p1 .LBB2_16-.Ltmp9, $4  }
0x2c3: {  	v22 =	vmul.f32 v22, v6;
	v20 =	vld.idx.msk [tilespmem:v16+s11+$0xFFFFFFF0 ss:$0x1], $0xffff  }
0x2c4: {  	v24 =	vadd.f32 v24, v23;
	v29 =	vmul.f32 v29, v6;
	v21 =	vld.idx.msk [tilespmem:v16+s11+$0x0 ss:$0x1], $0xffff  }
0x2c5: {  	v26 =	vmul.f32 v30, v7;
	v23 =	vadd.f32 v22, v31;
	[tilespmem:s17+$0x300] =	vst.add.f32.msk $0xffff, v25  }
0x2c6: {  	s19 =	sadd.s32 $0x100, s19;
	v25 =	vmul.f32 v28, v7;
	v22 =	vadd.f32 v29, v32;
	[tilespmem:s17+$0x310] =	vst.add.f32.msk $0xffff, v27  }
0x2c7: {  	v9 =	vadd.f32 v26, v24;
	v11 =	vmul.f32 v18, v8  }
0x2c8: {  	v10 =	vmul.f32 v19, v7  }
0x2c9: {  	v12 =	vadd.f32 v25, v23;
	v13 =	vmul.f32 v20, v8;
	v9 =	vadd.f32 v11, v9  }
0x2ca: {  	s5 =	sadd.s32 $0xA180, s5;
	v10 =	vadd.f32 v10, v22;
	v11 =	vmul.f32 v21, v8  }
0x2cb: {  	s3 =	sadd.s32 $0xB080, s26;
	s16 =	sadd.s32 $0xDD80, s16;
	v12 =	vadd.f32 v13, v12;
	[tilespmem:s11+$0x300] =	vst.add.f32.msk $0xffff, v9;
	v9 =	vmov s5  }
0x2cc: {  	[tilespmem:s17+$0x320] =	vst.add.f32.msk $0xffff, v17;
	s25 =	sadd.s32 $0xBF80, s28;
	s26 =	sadd.s32 $0x10A80, s8;
	s28 =	sadd.s32 $0xFB80, s9;
	v14 =	vadd.f32 v11, v10;
	v10 =	vmov s3  }
0x2cd: {  	s12 =	sadd.s32 $0xCE80, s12;
	s31 =	sadd.s32 $0xEC80, s10;
	v15 =	vmov s28;
	v16 =	vmov s26;
	v13 =	vmov s16;
	[tilespmem:s11+$0x310] =	vst.add.f32.msk $0xffff, v12  }
0x2ce: {  	v11 =	vmov s25;
	s3 =	simm.s32 $0x0;
	v12 =	vmov s12;
	[tilespmem:s11+$0x320] =	vst.add.f32.msk $0xffff, v14;
	v14 =	vmov s31  }
.LBB2_18:
0x2cf: {  	s5 =	sshra.s32 s3, $0x2  }
0x2d0: {  	v17 =	vld.idx.msk [tilespmem:v9+s5+$0x0 ss:$0x1], $0xffff  }
0x2d1: {  	v18 =	vld.idx.msk [tilespmem:v10+s5+$0x0 ss:$0x1], $0xffff;
	_ =	sdelay $0x1  }
0x2d2: {  	v19 =	vld.idx.msk [tilespmem:v11+s5+$0x0 ss:$0x1], $0xffff;
	_ =	sdelay $0x1  }
0x2d3: {  	v20 =	vld.idx.msk [tilespmem:v12+s5+$0x0 ss:$0x1], $0xffff  }
0x2d4: {  	v17 =	vmul.f32 v17, v1;
	v18 =	vmul.f32 v18, v2  }
0x2d5: {  	v21 =	vld.idx.msk [tilespmem:v13+s5+$0x0 ss:$0x1], $0xffff  }
0x2d6: {  	v17 =	vadd.f32 v18, v17;
	v18 =	vmul.f32 v19, v3  }
0x2d7: {  	v19 =	vld.idx.msk [tilespmem:v14+s5+$0x0 ss:$0x1], $0xffff  }
0x2d8: {  	v17 =	vadd.f32 v18, v17;
	v18 =	vmul.f32 v20, v4  }
0x2d9: {  	v62 =	vld.idx.msk [tilespmem:v15+s5+$0x0 ss:$0x1], $0xffff  }
0x2da: {  	v17 =	vadd.f32 v18, v17;
	v18 =	vmul.f32 v21, v5  }
0x2db: {  	v63 =	vld.idx.msk [tilespmem:v16+s5+$0x0 ss:$0x1], $0xffff  }
0x2dc: {  	v17 =	vadd.f32 v18, v17;
	v18 =	vmul.f32 v19, v6;
	_ =	sdelay $0x1  }
0x2dd: {  	v17 =	vadd.f32 v18, v17;
	v18 =	vmul.f32 v62, v7  }
0x2de: {  	p1 =	sne.s32 s3, $0x40  }
.Ltmp10:
0x2df: {  	v17 =	vadd.f32 v18, v17;
	v18 =	vmul.f32 v63, v8;
	(pc) =	sbr.rel @p1 .LBB2_18-.Ltmp10, $3  }
0x2e0: {  	_ = 	snop  }
0x2e1: {  	v17 =	vadd.f32 v18, v17;
	_ =	sdelay $0x1  }
0x2e2: {  	s3 =	sadd.s32 $0x40, s3;
	[tilespmem:s5+$0xF80] =	vst.add.f32.msk $0xffff, v17  }
0x2e3: {  	s3 =	simm.s32 $0x18  }
0x2e4: {  	s3 =	simm.s32 @!p2 $0x48  }
0x2e5: {  	s3 =	sadd.s32 s3, s7  }
0x2e6: {  	v1 =	vld [tilespmem:s3+$0x0];
	_ =	sdelay $0x4  }
0x2e7: {  	(v2sf) =	vpush v1, $0x0;
	_ =	sdelay $0xe  }
0x2e8: {  	s25 =	spop (v2sf)  }
0x2e9: {  	s3 =	sadd.s32 s4, s25  }
0x2ea: {  	s5 =	sand.u32 $0xFFFFFFF8, s3  }
0x2eb: {  	p1 =	slt.s32 s5, $0x17D6B90  }
0x2ec: {  	s5 =	simm.s32 @!p1 $0x17D6B90  }
0x2ed: {  	s8 =	sshrl.u32 @!p3 s5, $0x3  }
0x2ee: {  	s17 =	simm.s32 @!p3 $0x0;
	s9 =	simm.s32 @!p3 $0x9500;
	s8 =	sadd.s32 @!p3 s0, s8  }
0x2ef: {  	[tilespmem:s9], [sflag:$0x9] =	stream.linear.gather @!p3 [hbm4b:s8+s17], $0xCB0, $0x38;
	[tilespmem:$0x10D00] =	vst v63  }
0x2f0: {  	s8 =	simm.s32 $0x19  }
0x2f1: {  	s8 =	simm.s32 @!p2 $0x49  }
0x2f2: {  	s8 =	sadd.s32 s8, s7  }
0x2f3: {  	v1 =	vld [tilespmem:s8+$0x0];
	_ =	sdelay $0x4  }
0x2f4: {  	(v2sf) =	vpush v1, $0x0;
	_ =	sdelay $0xe  }
0x2f5: {  	s26 =	spop (v2sf)  }
0x2f6: {  	s8 =	sadd.s32 s4, s26  }
0x2f7: {  	s9 =	sand.u32 $0xFFFFFFF8, s8  }
0x2f8: {  	p1 =	slt.s32 s9, $0x17D6B90  }
0x2f9: {  	s9 =	simm.s32 @!p1 $0x17D6B90  }
0x2fa: {  	s10 =	sshrl.u32 @!p3 s9, $0x3  }
0x2fb: {  	s11 =	simm.s32 @!p3 $0xA400;
	s10 =	sadd.s32 @!p3 s0, s10  }
0x2fc: {  	[tilespmem:s11], [sflag:$0xA] =	stream.linear.gather @!p3 [hbm4b:s10+s17], $0xCB0, $0x38;
	[tilespmem:$0x10D00] =	vst v63  }
0x2fd: {  	s10 =	simm.s32 $0x1A  }
0x2fe: {  	s10 =	simm.s32 @!p2 $0x4A  }
0x2ff: {  	s10 =	sadd.s32 s10, s7  }
0x300: {  	v1 =	vld [tilespmem:s10+$0x0];
	_ =	sdelay $0x4  }
0x301: {  	(v2sf) =	vpush v1, $0x0;
	_ =	sdelay $0xe  }
0x302: {  	s28 =	spop (v2sf)  }
0x303: {  	s10 =	sadd.s32 s4, s28  }
0x304: {  	s11 =	sand.u32 $0xFFFFFFF8, s10  }
0x305: {  	p1 =	slt.s32 s11, $0x17D6B90  }
0x306: {  	s11 =	simm.s32 @!p1 $0x17D6B90  }
0x307: {  	s12 =	sshrl.u32 @!p3 s11, $0x3  }
0x308: {  	s16 =	simm.s32 @!p3 $0xB300;
	s12 =	sadd.s32 @!p3 s0, s12  }
0x309: {  	[tilespmem:s16], [sflag:$0xB] =	stream.linear.gather @!p3 [hbm4b:s12+s17], $0xCB0, $0x38;
	[tilespmem:$0x10D00] =	vst v63  }
0x30a: {  	s12 =	simm.s32 $0x1B  }
0x30b: {  	s12 =	simm.s32 @!p2 $0x4B  }
0x30c: {  	s12 =	sadd.s32 s12, s7  }
0x30d: {  	v1 =	vld [tilespmem:s12+$0x0];
	_ =	sdelay $0x4  }
0x30e: {  	(v2sf) =	vpush v1, $0x0;
	_ =	sdelay $0xe  }
0x30f: {  	s31 =	spop (v2sf)  }
0x310: {  	s12 =	sadd.s32 s4, s31  }
0x311: {  	s16 =	sand.u32 $0xFFFFFFF8, s12  }
0x312: {  	p1 =	slt.s32 s16, $0x17D6B90  }
0x313: {  	s16 =	simm.s32 @!p1 $0x17D6B90  }
0x314: {  	s19 =	sshrl.u32 @!p3 s16, $0x3  }
0x315: {  	s20 =	simm.s32 @!p3 $0xC200;
	s19 =	sadd.s32 @!p3 s0, s19  }
0x316: {  	[tilespmem:s20], [sflag:$0xC] =	stream.linear.gather @!p3 [hbm4b:s19+s17], $0xCB0, $0x38;
	[tilespmem:$0x10D00] =	vst v63  }
0x317: {  	s17 =	simm.s32 $0x1C  }
0x318: {  	s17 =	simm.s32 @!p2 $0x4C  }
0x319: {  	s17 =	sadd.s32 s17, s7  }
0x31a: {  	v1 =	vld [tilespmem:s17+$0x0];
	_ =	sdelay $0x4  }
0x31b: {  	(v2sf) =	vpush v1, $0x0;
	_ =	sdelay $0xa  }
.Ltmp11:
0x31c: {  	_ = 	snop;
	(pc) =	sbr.rel @p3 .LBB2_21-.Ltmp11, $2  }
0x31d: {  	_ =	sdelay $0x2  }
0x31e: {  	s17 =	spop (v2sf)  }
0x31f: {  	s17 =	sadd.s32 s4, s17  }
0x320: {  	s19 =	sand.u32 $0xFFFFFFF8, s17  }
0x321: {  	p1 =	slt.s32 s19, $0x17D6B90  }
0x322: {  	s19 =	simm.s32 @!p1 $0x17D6B90  }
0x323: {  	s20 =	sshrl.u32 s19, $0x3  }
0x324: {  	s25 =	simm.s32 $0x0;
	s21 =	simm.s32 $0xD100;
	s20 =	sadd.s32 s0, s20  }
0x325: {  	[tilespmem:s21], [sflag:$0xD] =	stream.linear.gather [hbm4b:s20+s25], $0xCB0, $0x38;
	[tilespmem:$0x10D00] =	vst v63  }
0x326: {  	s20 =	simm.s32 $0x1D  }
0x327: {  	s20 =	simm.s32 @!p2 $0x4D  }
0x328: {  	s20 =	sadd.s32 s20, s7  }
0x329: {  	v1 =	vld [tilespmem:s20+$0x0];
	_ =	sdelay $0x4  }
0x32a: {  	(v2sf) =	vpush v1, $0x0;
	_ =	sdelay $0xe  }
0x32b: {  	s23 =	spop (v2sf)  }
0x32c: {  	s20 =	sadd.s32 s4, s23  }
0x32d: {  	s21 =	sand.u32 $0xFFFFFFF8, s20  }
0x32e: {  	p1 =	slt.s32 s21, $0x17D6B90  }
0x32f: {  	s21 =	simm.s32 @!p1 $0x17D6B90  }
0x330: {  	s22 =	sshrl.u32 s21, $0x3  }
0x331: {  	s23 =	simm.s32 $0xE000;
	s22 =	sadd.s32 s0, s22  }
0x332: {  	[tilespmem:s23], [sflag:$0xE] =	stream.linear.gather [hbm4b:s22+s25], $0xCB0, $0x38;
	[tilespmem:$0x10D00] =	vst v63  }
0x333: {  	s22 =	simm.s32 $0x1E  }
0x334: {  	s22 =	simm.s32 @!p2 $0x4E  }
0x335: {  	s22 =	sadd.s32 s22, s7  }
0x336: {  	v1 =	vld [tilespmem:s22+$0x0];
	_ =	sdelay $0x4  }
0x337: {  	(v2sf) =	vpush v1, $0x0;
	_ =	sdelay $0xe  }
0x338: {  	s24 =	spop (v2sf)  }
0x339: {  	s22 =	sadd.s32 s4, s24  }
0x33a: {  	s23 =	sand.u32 $0xFFFFFFF8, s22  }
0x33b: {  	p1 =	slt.s32 s23, $0x17D6B90  }
0x33c: {  	s23 =	simm.s32 @!p1 $0x17D6B90  }
0x33d: {  	s24 =	sshrl.u32 s23, $0x3  }
0x33e: {  	s26 =	simm.s32 $0xEF00;
	s24 =	sadd.s32 s0, s24  }
0x33f: {  	[tilespmem:s26], [sflag:$0xF] =	stream.linear.gather [hbm4b:s24+s25], $0xCB0, $0x38;
	[tilespmem:$0x10D00] =	vst v63  }
0x340: {  	s24 =	simm.s32 $0x1F  }
0x341: {  	s24 =	simm.s32 @!p2 $0x4F  }
0x342: {  	s26 =	sadd.s32 s24, s7  }
0x343: {  	v1 =	vld [tilespmem:s26+$0x0];
	_ =	sdelay $0x4  }
0x344: {  	(v2sf) =	vpush v1, $0x0;
	_ =	sdelay $0xe  }
0x345: {  	s31 =	spop (v2sf)  }
0x346: {  	s16 =	ssub.s32 s12, s16;
	s7 =	sadd.s32 s4, s31  }
0x347: {  	[dreg:$0x12] =	wrdreg s16;
	s19 =	ssub.s32 s17, s19;
	s24 =	sand.u32 $0xFFFFFFF8, s7  }
0x348: {  	[dreg:$0x11] =	wrdreg s19;
	s21 =	ssub.s32 s20, s21;
	p1 =	slt.s32 s24, $0x17D6B90  }
0x349: {  	s28 =	ssub.s32 s3, s5;
	[dreg:$0x10] =	wrdreg s21;
	s24 =	simm.s32 @!p1 $0x17D6B90  }
.Ltmp12:
0x34a: {  	s26 =	ssub.s32 s10, s11;
	s5 =	sshrl.u32 s24, $0x3;
	(pc) =	sbr.rel .LBB2_6-.Ltmp12, $4  }
0x34b: {  	s11 =	simm.s32 $0xFE00;
	s31 =	ssub.s32 s7, s24;
	s3 =	sadd.s32 s0, s5  }
0x34c: {  	[tilespmem:s11], [sflag:$0x10] =	stream.linear.gather [hbm4b:s3+s25], $0xCB0, $0x38;
	[tilespmem:$0x10D00] =	vst v63  }
0x34d: {  	[dreg:$0xe] =	wrdreg s31;
	s25 =	ssub.s32 s22, s23  }
0x34e: {  	s8 =	ssub.s32 s8, s9;
	s6 =	sadd.s32 $0x1, s6;
	[dreg:$0xf] =	wrdreg s25  }
.LBB2_22:
0x34f: {  	_ =	sfence.sel $0x180000  }
0x350: {  	[bflag:$0x0] =	sbarrier.arrive $0xFFFF  }
0x351: {  	_ =	strace $0x90000047  }
0x352: {  	s0 =	stileid.u32;
	[bflag:$0x2] =	sbarrier.arrive $0xFFFF  }
0x353: {  	p0 =	sne.s32 s0, $0x0;
	s0 =	rddreg [dreg:$0x5]  }
0x354: {  	s0 =	sadd.s32 @!p0 $0x100000, s0  }
0x355: {  	[sflag:s0] =	ssyncadd.tile.s32 @!p0 $0x1;
	_ =	shalt  }
.Lfunc_end2:
_tile_overlayer_lowered:
.L_overlay_start_2:
0x356: {  	(tag) =	ssettag $0x2  }
0x357: {  	s0 =	rddreg [dreg:$0x0];
	s2 =	stileid.u32  }
0x358: {  	s1 =	rddreg [dreg:$0x1];
	p0 =	sne.s32 s2, $0x0  }
0x359: {  	s3 =	rddreg [dreg:$0x2];
	[bflag:$0x3] =	sbarrier.arrive $0xFFFF;
	s2 =	simm.s32 @!p0 $0x1C11  }
0x35a: {  	[timem:s3], [sflag:s2] =	dma.local @!p0 [hbm:s0], s1  }
0x35b: {  	s0 =	simm.s32 @!p0 $0x11  }
0x35c: {  	_ =	swait.ge @!p0 [sflag:s0], s1  }
0x35d: {  	s1 =	ssub.s32 @!p0 $0x0, s1;
	[sflag:s0] =	ssyncset.done @!p0 $0x0  }
0x35e: {  	[sflag:s0] =	ssyncadd.s32 @!p0 s1  }
0x35f: {  	[bflag:$0x3] =	sbarrier.arrive $0xFFFF  }
0x360: {  	_ =	shalt  }

</sc_bundles>
